<compile_context>
chip_gen: v7x
topology: tpu7x:2x2x1
jax: 0.10.2.dev20260603
libtpu: 0.0.44.dev20260713+nightly
codegen_flags: <defaults>
</compile_context>

<pallas_src>
import functools

import jax
import jax.numpy as jnp
from jax import lax
from jax.experimental import pallas as pl
from jax.experimental.pallas import tpu as pltpu
from jax.experimental.pallas import tpu_sc as plsc

_LANES = 16


def _gather3_body(b_per_w, nc, tiles_per_row,
                  flat, uid, pid, nid, u_out, p_out, n_out, s_out,
                  ids_u, ids_p, ids_n,
                  idx00, idx01, idx02, idx03,
                  idx10, idx11, idx12, idx13,
                  idx20, idx21, idx22, idx23,
                  dat0, dat1, dat2, sco,
                  sem00, sem01, sem02, sem03,
                  sem10, sem11, sem12, sem13,
                  sem20, sem21, sem22, sem23, semw):
    idxs = ((idx00, idx01, idx02, idx03),
            (idx10, idx11, idx12, idx13),
            (idx20, idx21, idx22, idx23))
    sems = ((sem00, sem01, sem02, sem03),
            (sem10, sem11, sem12, sem13),
            (sem20, sem21, sem22, sem23))
    wid = lax.axis_index("s") * nc + lax.axis_index("c")
    base = wid * b_per_w
    gsz = b_per_w * 8

    id_copies = [
        pltpu.async_copy(g_ref.at[pl.ds(base, b_per_w)], ids_v, sem)
        for ids_v, g_ref, sem in ((ids_u, uid, sem00), (ids_p, pid, sem10),
                                  (ids_n, nid, sem20))
    ]

    def make_build(ids_v, idx_w, g):
        goff = g * (tiles_per_row * 1024)

        def build(i, carry):
            r = ids_v[pl.ds(i * _LANES, _LANES)]
            word = ((r >> 7) << 10) + (r & 127) + goff
            dyn = (i >> 3) * 1024 + (i & 7) * _LANES
            for o in range(8):
                idx_w[pl.ds(dyn + o * 128, _LANES)] = word + o * 128
            return carry
        return build

    copies = []
    for k, (ids_v, dat) in enumerate(
            ((ids_u, dat0), (ids_p, dat1), (ids_n, dat2))):
        id_copies[k].wait()
        for g in range(4):
            lax.fori_loop(0, b_per_w // _LANES,
                          make_build(ids_v, idxs[k][g], g), 0, unroll=False)
            copies.append(pltpu.async_copy(
                flat.at[idxs[k][g]], dat.at[pl.ds(g * gsz, gsz)],
                sems[k][g]))

    writes = []

    def make_score(g):
        def score(i, carry):
            dyn = (i >> 3) * 1024 + (i & 7) * _LANES
            acc = sco[pl.ds(i * _LANES, _LANES)] if g else (
                jnp.zeros((_LANES,), jnp.float32))
            for o in range(8):
                off = pl.ds(dyn + g * gsz + o * 128, _LANES)
                acc += dat0[off] * (dat1[off] - dat2[off])
            sco[pl.ds(i * _LANES, _LANES)] = acc
            return carry
        return score

    for g in range(4):
        for k, (dat, o_ref) in enumerate(((dat0, u_out), (dat1, p_out),
                                          (dat2, n_out))):
            copies[k * 4 + g].wait()
            writes.append(pltpu.async_copy(
                dat.at[pl.ds(g * gsz, gsz)],
                o_ref.at[pl.ds(g * (o_ref.shape[0] // 4) + base * 8, gsz)],
                semw))
        lax.fori_loop(0, b_per_w // _LANES, make_score(g), 0, unroll=False)

    writes.append(pltpu.async_copy(sco, s_out.at[pl.ds(base, b_per_w)], semw))
    for w in writes:
        w.wait()


def _loss_body(s_ref, out_ref):
    z = -s_ref[...]
    sp = jnp.maximum(z, 0.0) + jnp.log1p(jnp.exp(-jnp.abs(z)))
    out_ref[0, 0] = jnp.mean(sp)


def kernel(embedding_table, user_ids, positive_item_ids, negative_item_ids):
    batch = user_ids.shape[0]
    n_rows, dim = embedding_table.shape
    tiles_per_row = n_rows // 128
    info = plsc.get_sparse_core_info()
    nc, ns = info.num_cores, info.num_subcores
    nw = nc * ns
    b_per_w = batch // nw
    mesh = plsc.VectorSubcoreMesh(core_axis_name="c", subcore_axis_name="s")

    table_flat = (embedding_table.T
                  .reshape(dim // 8, 8, tiles_per_row, 128)
                  .transpose(0, 2, 1, 3)
                  .reshape(n_rows * dim))

    out_t = jax.ShapeDtypeStruct((batch * dim,), jnp.float32)
    gather3 = pl.kernel(
        functools.partial(_gather3_body, b_per_w, nc, tiles_per_row),
        out_type=(out_t, out_t, out_t,
                  jax.ShapeDtypeStruct((batch,), jnp.float32)),
        mesh=mesh,
        scratch_types=[
            pltpu.VMEM((b_per_w,), jnp.int32),
            pltpu.VMEM((b_per_w,), jnp.int32),
            pltpu.VMEM((b_per_w,), jnp.int32),
            pltpu.VMEM((8 * b_per_w,), jnp.int32),
            pltpu.VMEM((8 * b_per_w,), jnp.int32),
            pltpu.VMEM((8 * b_per_w,), jnp.int32),
            pltpu.VMEM((8 * b_per_w,), jnp.int32),
            pltpu.VMEM((8 * b_per_w,), jnp.int32),
            pltpu.VMEM((8 * b_per_w,), jnp.int32),
            pltpu.VMEM((8 * b_per_w,), jnp.int32),
            pltpu.VMEM((8 * b_per_w,), jnp.int32),
            pltpu.VMEM((8 * b_per_w,), jnp.int32),
            pltpu.VMEM((8 * b_per_w,), jnp.int32),
            pltpu.VMEM((8 * b_per_w,), jnp.int32),
            pltpu.VMEM((8 * b_per_w,), jnp.int32),
            pltpu.VMEM((dim * b_per_w,), jnp.float32),
            pltpu.VMEM((dim * b_per_w,), jnp.float32),
            pltpu.VMEM((dim * b_per_w,), jnp.float32),
            pltpu.VMEM((b_per_w,), jnp.float32),
        ] + [pltpu.SemaphoreType.DMA] * 13,
    )
    u_f, p_f, n_f, scores = gather3(
        table_flat,
        user_ids.astype(jnp.int32),
        positive_item_ids.astype(jnp.int32),
        negative_item_ids.astype(jnp.int32),
    )

    def to_t(f):
        return (f.reshape(dim // 8, batch // 128, 8, 128)
                .transpose(0, 2, 1, 3)
                .reshape(dim, batch))

    u_t, p_t, n_t = to_t(u_f), to_t(p_f), to_t(n_f)

    loss = pl.pallas_call(
        _loss_body,
        out_shape=jax.ShapeDtypeStruct((1, 1), jnp.float32),
        out_specs=pl.BlockSpec(memory_space=pltpu.SMEM),
    )(scores.reshape(batch // 128, 128))[0, 0]

    return (u_t.T, p_t.T, n_t.T, loss)

# --- scband reference (transcript-rebuilt; emitter-appended) ---
"""Pipeline reference for scband-matrix-factorization-86036784873640 (READ-ONLY COPY).

The authoritative reference and input builder live on the scoring server;
editing this copy changes nothing except your own understanding.
"""

import jax, jax.numpy as jnp
import numpy as np

NUM_USERS = 1000000
NUM_ITEMS = 1000000
EMBED_DIM = 32
BATCH = 16384


def setup_inputs(seed: int = 0) -> dict:
    key = jax.random.key(seed)
    k1, k2, k3, k4 = jax.random.split(key, 4)
    user_ids = jax.random.randint(k1, (BATCH,), 0, NUM_USERS, dtype=jnp.int64 if jax.config.jax_enable_x64 else jnp.int32)
    positive_item_ids = jax.random.randint(k2, (BATCH,), 0, NUM_USERS + NUM_ITEMS, dtype=jnp.int64 if jax.config.jax_enable_x64 else jnp.int32)
    negative_item_ids = jax.random.randint(k3, (BATCH,), 0, NUM_USERS + NUM_ITEMS, dtype=jnp.int64 if jax.config.jax_enable_x64 else jnp.int32)
    # learned parameter: shared embedding table (users + items), like torch.nn.Embedding default init N(0,1)
    embedding_table = jax.random.normal(k4, (NUM_USERS + NUM_ITEMS, EMBED_DIM), dtype=jnp.float32)
    return {
        "embedding_table": embedding_table,
        "user_ids": user_ids,
        "positive_item_ids": positive_item_ids,
        "negative_item_ids": negative_item_ids,
    }


def reference(embedding_table, user_ids, positive_item_ids, negative_item_ids):
    # gather -> SparseCore-friendly embedding lookups
    user_embedding = jnp.take(embedding_table, user_ids, axis=0)
    positive_item_embedding = jnp.take(embedding_table, positive_item_ids, axis=0)
    negative_item_embedding = jnp.take(embedding_table, negative_item_ids, axis=0)
    # BPR triplet loss: -log sigmoid(u.pos - u.neg), mean over batch
    pos_score = jnp.sum(user_embedding * positive_item_embedding, axis=-1)
    neg_score = jnp.sum(user_embedding * negative_item_embedding, axis=-1)
    loss = -jnp.mean(jax.nn.log_sigmoid(pos_score - neg_score))
    return (user_embedding, positive_item_embedding, negative_item_embedding, loss)

if __name__ == "__main__":
    import jax
    _d = setup_inputs()
    print(jax.jit(kernel)(*tuple(_d.values())))

</pallas_src>

<mosaic_0001>
#map = affine_map<(d0, d1) -> (0)>
module attributes {stable_mosaic.version = 14 : i64} {
  func.func @_gather3_body(%arg0: i32, %arg1: i32, %arg2: memref<64000000xf32, #tpu.memory_space<hbm>>, %arg3: memref<16384xi32, #tpu.memory_space<hbm>>, %arg4: memref<16384xi32, #tpu.memory_space<hbm>>, %arg5: memref<16384xi32, #tpu.memory_space<hbm>>, %arg6: memref<524288xf32, #tpu.memory_space<hbm>>, %arg7: memref<524288xf32, #tpu.memory_space<hbm>>, %arg8: memref<524288xf32, #tpu.memory_space<hbm>>, %arg9: memref<16384xf32, #tpu.memory_space<hbm>>, %arg10: memref<512xi32, #tpu.memory_space<vmem>>, %arg11: memref<512xi32, #tpu.memory_space<vmem>>, %arg12: memref<512xi32, #tpu.memory_space<vmem>>, %arg13: memref<4096xi32, #tpu.memory_space<vmem>>, %arg14: memref<4096xi32, #tpu.memory_space<vmem>>, %arg15: memref<4096xi32, #tpu.memory_space<vmem>>, %arg16: memref<4096xi32, #tpu.memory_space<vmem>>, %arg17: memref<4096xi32, #tpu.memory_space<vmem>>, %arg18: memref<4096xi32, #tpu.memory_space<vmem>>, %arg19: memref<4096xi32, #tpu.memory_space<vmem>>, %arg20: memref<4096xi32, #tpu.memory_space<vmem>>, %arg21: memref<4096xi32, #tpu.memory_space<vmem>>, %arg22: memref<4096xi32, #tpu.memory_space<vmem>>, %arg23: memref<4096xi32, #tpu.memory_space<vmem>>, %arg24: memref<4096xi32, #tpu.memory_space<vmem>>, %arg25: memref<16384xf32, #tpu.memory_space<vmem>>, %arg26: memref<16384xf32, #tpu.memory_space<vmem>>, %arg27: memref<16384xf32, #tpu.memory_space<vmem>>, %arg28: memref<512xf32, #tpu.memory_space<vmem>>, %arg29: memref<!tpu.dma_semaphore, #tpu.memory_space<semaphore_mem>>, %arg30: memref<!tpu.dma_semaphore, #tpu.memory_space<semaphore_mem>>, %arg31: memref<!tpu.dma_semaphore, #tpu.memory_space<semaphore_mem>>, %arg32: memref<!tpu.dma_semaphore, #tpu.memory_space<semaphore_mem>>, %arg33: memref<!tpu.dma_semaphore, #tpu.memory_space<semaphore_mem>>, %arg34: memref<!tpu.dma_semaphore, #tpu.memory_space<semaphore_mem>>, %arg35: memref<!tpu.dma_semaphore, #tpu.memory_space<semaphore_mem>>, %arg36: memref<!tpu.dma_semaphore, #tpu.memory_space<semaphore_mem>>, %arg37: memref<!tpu.dma_semaphore, #tpu.memory_space<semaphore_mem>>, %arg38: memref<!tpu.dma_semaphore, #tpu.memory_space<semaphore_mem>>, %arg39: memref<!tpu.dma_semaphore, #tpu.memory_space<semaphore_mem>>, %arg40: memref<!tpu.dma_semaphore, #tpu.memory_space<semaphore_mem>>, %arg41: memref<!tpu.dma_semaphore, #tpu.memory_space<semaphore_mem>>) attributes {dimension_semantics = [#tpu.dimension_semantics<core_parallel>, #tpu.dimension_semantics<subcore_parallel>], iteration_bounds = array<i64: 2, 16>, scalar_prefetch = 0 : i64, scratch_operands = 32 : i64, tpu.core_type = #tpu.core_type<sc_vector_subcore>, window_params = [{transform_indices = #map}, {transform_indices = #map}, {transform_indices = #map}, {transform_indices = #map}, {transform_indices = #map}, {transform_indices = #map}, {transform_indices = #map}, {transform_indices = #map}]} {
    %mul3A = arith.constant 2 : i32
    %mul3A_0 = arith.muli %arg1, %mul3A : i32
    %add3A = arith.addi %mul3A_0, %arg0 : i32
    %mul3A_1 = arith.constant 512 : i32
    %mul3A_2 = arith.muli %add3A, %mul3A_1 : i32
    %dma_start3A = tpu.memref_slice %arg3[%mul3A_2] : memref<16384xi32, #tpu.memory_space<hbm>> -> memref<512xi32, #tpu.memory_space<hbm>>
    %dma_start3A_3 = tpu.memref_slice %arg3[%mul3A_2] : memref<16384xi32, #tpu.memory_space<hbm>> -> memref<512xi32, #tpu.memory_space<hbm>>
    tpu.enqueue_dma source(%dma_start3A_3 : memref<512xi32, #tpu.memory_space<hbm>>) target(%arg10 : memref<512xi32, #tpu.memory_space<vmem>>) target_semaphore(%arg29 : memref<!tpu.dma_semaphore, #tpu.memory_space<semaphore_mem>>)
    %dma_start3A_4 = tpu.memref_slice %arg4[%mul3A_2] : memref<16384xi32, #tpu.memory_space<hbm>> -> memref<512xi32, #tpu.memory_space<hbm>>
    %dma_start3A_5 = tpu.memref_slice %arg4[%mul3A_2] : memref<16384xi32, #tpu.memory_space<hbm>> -> memref<512xi32, #tpu.memory_space<hbm>>
    tpu.enqueue_dma source(%dma_start3A_5 : memref<512xi32, #tpu.memory_space<hbm>>) target(%arg11 : memref<512xi32, #tpu.memory_space<vmem>>) target_semaphore(%arg33 : memref<!tpu.dma_semaphore, #tpu.memory_space<semaphore_mem>>)
    %dma_start3A_6 = tpu.memref_slice %arg5[%mul3A_2] : memref<16384xi32, #tpu.memory_space<hbm>> -> memref<512xi32, #tpu.memory_space<hbm>>
    %dma_start3A_7 = tpu.memref_slice %arg5[%mul3A_2] : memref<16384xi32, #tpu.memory_space<hbm>> -> memref<512xi32, #tpu.memory_space<hbm>>
    tpu.enqueue_dma source(%dma_start3A_7 : memref<512xi32, #tpu.memory_space<hbm>>) target(%arg12 : memref<512xi32, #tpu.memory_space<vmem>>) target_semaphore(%arg37 : memref<!tpu.dma_semaphore, #tpu.memory_space<semaphore_mem>>)
    %dma_wait3A = tpu.memref_slice %arg3[%mul3A_2] : memref<16384xi32, #tpu.memory_space<hbm>> -> memref<512xi32, #tpu.memory_space<hbm>>
    %dma_wait3A_8 = tpu.memref_slice %arg3[%mul3A_2] : memref<16384xi32, #tpu.memory_space<hbm>> -> memref<512xi32, #tpu.memory_space<hbm>>
    tpu.wait_dma2 semaphore(%arg29 : memref<!tpu.dma_semaphore, #tpu.memory_space<semaphore_mem>>) src(%dma_wait3A_8 : memref<512xi32, #tpu.memory_space<hbm>>) dst(%arg10 : memref<512xi32, #tpu.memory_space<vmem>>)
    %scan3A = arith.constant 0 : i32
    %scan3A_9 = arith.constant 0 : i32
    %scan3A_10 = arith.constant 32 : i32
    %scan3A_11 = arith.addi %scan3A_9, %scan3A_10 : i32
    %scan3A_12 = arith.constant 1 : i32
    scf.for %scan3A_400 = %scan3A_9 to %scan3A_11 step %scan3A_12  : i32 {
      %mul3A_401 = arith.constant 16 : i32
      %mul3A_402 = arith.muli %scan3A_400, %mul3A_401 : i32
      %get3A = arith.index_cast %mul3A_402 : i32 to index
      %get3A_403 = tpu.vector_load %arg10[%get3A] {strides = array<i32>} : memref<512xi32, #tpu.memory_space<vmem>>, vector<16xi32>,
      %get3A_404 = vector.shape_cast %get3A_403 : vector<16xi32> to vector<16xi32>
      %shift_right_arithmetic3A = arith.constant 7 : i32
      %shift_right_arithmetic3A_405 = vector.broadcast %shift_right_arithmetic3A : i32 to vector<16xi32>
      %shift_right_arithmetic3A_406 = arith.shrsi %get3A_404, %shift_right_arithmetic3A_405 : vector<16xi32>
      %shift_left3A = arith.constant 10 : i32
      %shift_left3A_407 = vector.broadcast %shift_left3A : i32 to vector<16xi32>
      %shift_left3A_408 = arith.shli %shift_right_arithmetic3A_406, %shift_left3A_407 : vector<16xi32>
      %and3A = arith.constant 127 : i32
      %and3A_409 = vector.broadcast %and3A : i32 to vector<16xi32>
      %and3A_410 = arith.andi %get3A_404, %and3A_409 : vector<16xi32>
      %add3A_411 = arith.addi %shift_left3A_408, %and3A_410 : vector<16xi32>
      %add3A_412 = arith.constant 0 : i32
      %add3A_413 = vector.broadcast %add3A_412 : i32 to vector<16xi32>
      %add3A_414 = arith.addi %add3A_411, %add3A_413 : vector<16xi32>
      %shift_right_arithmetic3A_415 = arith.constant 3 : i32
      %shift_right_arithmetic3A_416 = arith.shrsi %scan3A_400, %shift_right_arithmetic3A_415 : i32
      %mul3A_417 = arith.constant 1024 : i32
      %mul3A_418 = arith.muli %shift_right_arithmetic3A_416, %mul3A_417 : i32
      %and3A_419 = arith.constant 7 : i32
      %and3A_420 = arith.andi %scan3A_400, %and3A_419 : i32
      %mul3A_421 = arith.constant 16 : i32
      %mul3A_422 = arith.muli %and3A_420, %mul3A_421 : i32
      %add3A_423 = arith.addi %mul3A_418, %mul3A_422 : i32
      %add3A_424 = arith.constant 0 : i32
      %add3A_425 = vector.broadcast %add3A_424 : i32 to vector<16xi32>
      %add3A_426 = arith.addi %add3A_414, %add3A_425 : vector<16xi32>
      %add3A_427 = arith.constant 0 : i32
      %add3A_428 = arith.addi %add3A_423, %add3A_427 : i32
      %swap3A = arith.index_cast %add3A_428 : i32 to index
      %swap3A_429 = tpu.vector_load %arg13[%swap3A] {strides = array<i32>} : memref<4096xi32, #tpu.memory_space<vmem>>, vector<16xi32>,
      %swap3A_430 = vector.shape_cast %swap3A_429 : vector<16xi32> to vector<16xi32>
      %swap3A_431 = vector.shape_cast %add3A_426 : vector<16xi32> to vector<16xi32>
      tpu.vector_store %arg13[%swap3A], %swap3A_431 {strides = array<i32>} : memref<4096xi32, #tpu.memory_space<vmem>>, vector<16xi32>,
      %add3A_432 = arith.constant 128 : i32
      %add3A_433 = vector.broadcast %add3A_432 : i32 to vector<16xi32>
      %add3A_434 = arith.addi %add3A_414, %add3A_433 : vector<16xi32>
      %add3A_435 = arith.constant 128 : i32
      %add3A_436 = arith.addi %add3A_423, %add3A_435 : i32
      %swap3A_437 = arith.index_cast %add3A_436 : i32 to index
      %swap3A_438 = tpu.vector_load %arg13[%swap3A_437] {strides = array<i32>} : memref<4096xi32, #tpu.memory_space<vmem>>, vector<16xi32>,
      %swap3A_439 = vector.shape_cast %swap3A_438 : vector<16xi32> to vector<16xi32>
      %swap3A_440 = vector.shape_cast %add3A_434 : vector<16xi32> to vector<16xi32>
      tpu.vector_store %arg13[%swap3A_437], %swap3A_440 {strides = array<i32>} : memref<4096xi32, #tpu.memory_space<vmem>>, vector<16xi32>,
      %add3A_441 = arith.constant 256 : i32
      %add3A_442 = vector.broadcast %add3A_441 : i32 to vector<16xi32>
      %add3A_443 = arith.addi %add3A_414, %add3A_442 : vector<16xi32>
      %add3A_444 = arith.constant 256 : i32
      %add3A_445 = arith.addi %add3A_423, %add3A_444 : i32
      %swap3A_446 = arith.index_cast %add3A_445 : i32 to index
      %swap3A_447 = tpu.vector_load %arg13[%swap3A_446] {strides = array<i32>} : memref<4096xi32, #tpu.memory_space<vmem>>, vector<16xi32>,
      %swap3A_448 = vector.shape_cast %swap3A_447 : vector<16xi32> to vector<16xi32>
      %swap3A_449 = vector.shape_cast %add3A_443 : vector<16xi32> to vector<16xi32>
      tpu.vector_store %arg13[%swap3A_446], %swap3A_449 {strides = array<i32>} : memref<4096xi32, #tpu.memory_space<vmem>>, vector<16xi32>,
      %add3A_450 = arith.constant 384 : i32
      %add3A_451 = vector.broadcast %add3A_450 : i32 to vector<16xi32>
      %add3A_452 = arith.addi %add3A_414, %add3A_451 : vector<16xi32>
      %add3A_453 = arith.constant 384 : i32
      %add3A_454 = arith.addi %add3A_423, %add3A_453 : i32
      %swap3A_455 = arith.index_cast %add3A_454 : i32 to index
      %swap3A_456 = tpu.vector_load %arg13[%swap3A_455] {strides = array<i32>} : memref<4096xi32, #tpu.memory_space<vmem>>, vector<16xi32>,
      %swap3A_457 = vector.shape_cast %swap3A_456 : vector<16xi32> to vector<16xi32>
      %swap3A_458 = vector.shape_cast %add3A_452 : vector<16xi32> to vector<16xi32>
      tpu.vector_store %arg13[%swap3A_455], %swap3A_458 {strides = array<i32>} : memref<4096xi32, #tpu.memory_space<vmem>>, vector<16xi32>,
      %add3A_459 = arith.constant 512 : i32
      %add3A_460 = vector.broadcast %add3A_459 : i32 to vector<16xi32>
      %add3A_461 = arith.addi %add3A_414, %add3A_460 : vector<16xi32>
      %add3A_462 = arith.constant 512 : i32
      %add3A_463 = arith.addi %add3A_423, %add3A_462 : i32
      %swap3A_464 = arith.index_cast %add3A_463 : i32 to index
      %swap3A_465 = tpu.vector_load %arg13[%swap3A_464] {strides = array<i32>} : memref<4096xi32, #tpu.memory_space<vmem>>, vector<16xi32>,
      %swap3A_466 = vector.shape_cast %swap3A_465 : vector<16xi32> to vector<16xi32>
      %swap3A_467 = vector.shape_cast %add3A_461 : vector<16xi32> to vector<16xi32>
      tpu.vector_store %arg13[%swap3A_464], %swap3A_467 {strides = array<i32>} : memref<4096xi32, #tpu.memory_space<vmem>>, vector<16xi32>,
      %add3A_468 = arith.constant 640 : i32
      %add3A_469 = vector.broadcast %add3A_468 : i32 to vector<16xi32>
      %add3A_470 = arith.addi %add3A_414, %add3A_469 : vector<16xi32>
      %add3A_471 = arith.constant 640 : i32
      %add3A_472 = arith.addi %add3A_423, %add3A_471 : i32
      %swap3A_473 = arith.index_cast %add3A_472 : i32 to index
      %swap3A_474 = tpu.vector_load %arg13[%swap3A_473] {strides = array<i32>} : memref<4096xi32, #tpu.memory_space<vmem>>, vector<16xi32>,
      %swap3A_475 = vector.shape_cast %swap3A_474 : vector<16xi32> to vector<16xi32>
      %swap3A_476 = vector.shape_cast %add3A_470 : vector<16xi32> to vector<16xi32>
      tpu.vector_store %arg13[%swap3A_473], %swap3A_476 {strides = array<i32>} : memref<4096xi32, #tpu.memory_space<vmem>>, vector<16xi32>,
      %add3A_477 = arith.constant 768 : i32
      %add3A_478 = vector.broadcast %add3A_477 : i32 to vector<16xi32>
      %add3A_479 = arith.addi %add3A_414, %add3A_478 : vector<16xi32>
      %add3A_480 = arith.constant 768 : i32
      %add3A_481 = arith.addi %add3A_423, %add3A_480 : i32
      %swap3A_482 = arith.index_cast %add3A_481 : i32 to index
      %swap3A_483 = tpu.vector_load %arg13[%swap3A_482] {strides = array<i32>} : memref<4096xi32, #tpu.memory_space<vmem>>, vector<16xi32>,
      %swap3A_484 = vector.shape_cast %swap3A_483 : vector<16xi32> to vector<16xi32>
      %swap3A_485 = vector.shape_cast %add3A_479 : vector<16xi32> to vector<16xi32>
      tpu.vector_store %arg13[%swap3A_482], %swap3A_485 {strides = array<i32>} : memref<4096xi32, #tpu.memory_space<vmem>>, vector<16xi32>,
      %add3A_486 = arith.constant 896 : i32
      %add3A_487 = vector.broadcast %add3A_486 : i32 to vector<16xi32>
      %add3A_488 = arith.addi %add3A_414, %add3A_487 : vector<16xi32>
      %add3A_489 = arith.constant 896 : i32
      %add3A_490 = arith.addi %add3A_423, %add3A_489 : i32
      %swap3A_491 = arith.index_cast %add3A_490 : i32 to index
      %swap3A_492 = tpu.vector_load %arg13[%swap3A_491] {strides = array<i32>} : memref<4096xi32, #tpu.memory_space<vmem>>, vector<16xi32>,
      %swap3A_493 = vector.shape_cast %swap3A_492 : vector<16xi32> to vector<16xi32>
      %swap3A_494 = vector.shape_cast %add3A_488 : vector<16xi32> to vector<16xi32>
      tpu.vector_store %arg13[%swap3A_491], %swap3A_494 {strides = array<i32>} : memref<4096xi32, #tpu.memory_space<vmem>>, vector<16xi32>,
    }
    %scan3A_13 = arith.constant 32 : i32
    %dma_start3A_14 = arith.constant 0 : i32
    %dma_start3A_15 = tpu.memref_slice %arg25[%dma_start3A_14] : memref<16384xf32, #tpu.memory_space<vmem>> -> memref<4096xf32, #tpu.memory_space<vmem>>
    %dma_start3A_16 = arith.constant 0 : i32
    %dma_start3A_17 = tpu.memref_slice %arg2[%dma_start3A_16] : memref<64000000xf32, #tpu.memory_space<hbm>> -> memref<64000000xf32, #tpu.memory_space<hbm>>
    tpu.enqueue_indirect_dma source(%dma_start3A_17 : memref<64000000xf32, #tpu.memory_space<hbm>>) target(%dma_start3A_15 : memref<4096xf32, #tpu.memory_space<vmem>>) offsets(%arg13 : memref<4096xi32, #tpu.memory_space<vmem>>) semaphore(%arg29 : memref<!tpu.dma_semaphore, #tpu.memory_space<semaphore_mem>>)
    %scan3A_18 = arith.constant 0 : i32
    %scan3A_19 = arith.constant 0 : i32
    %scan3A_20 = arith.constant 32 : i32
    %scan3A_21 = arith.addi %scan3A_19, %scan3A_20 : i32
    %scan3A_22 = arith.constant 1 : i32
    scf.for %scan3A_400 = %scan3A_19 to %scan3A_21 step %scan3A_22  : i32 {
      %mul3A_401 = arith.constant 16 : i32
      %mul3A_402 = arith.muli %scan3A_400, %mul3A_401 : i32
      %get3A = arith.index_cast %mul3A_402 : i32 to index
      %get3A_403 = tpu.vector_load %arg10[%get3A] {strides = array<i32>} : memref<512xi32, #tpu.memory_space<vmem>>, vector<16xi32>,
      %get3A_404 = vector.shape_cast %get3A_403 : vector<16xi32> to vector<16xi32>
      %shift_right_arithmetic3A = arith.constant 7 : i32
      %shift_right_arithmetic3A_405 = vector.broadcast %shift_right_arithmetic3A : i32 to vector<16xi32>
      %shift_right_arithmetic3A_406 = arith.shrsi %get3A_404, %shift_right_arithmetic3A_405 : vector<16xi32>
      %shift_left3A = arith.constant 10 : i32
      %shift_left3A_407 = vector.broadcast %shift_left3A : i32 to vector<16xi32>
      %shift_left3A_408 = arith.shli %shift_right_arithmetic3A_406, %shift_left3A_407 : vector<16xi32>
      %and3A = arith.constant 127 : i32
      %and3A_409 = vector.broadcast %and3A : i32 to vector<16xi32>
      %and3A_410 = arith.andi %get3A_404, %and3A_409 : vector<16xi32>
      %add3A_411 = arith.addi %shift_left3A_408, %and3A_410 : vector<16xi32>
      %add3A_412 = arith.constant 16000000 : i32
      %add3A_413 = vector.broadcast %add3A_412 : i32 to vector<16xi32>
      %add3A_414 = arith.addi %add3A_411, %add3A_413 : vector<16xi32>
      %shift_right_arithmetic3A_415 = arith.constant 3 : i32
      %shift_right_arithmetic3A_416 = arith.shrsi %scan3A_400, %shift_right_arithmetic3A_415 : i32
      %mul3A_417 = arith.constant 1024 : i32
      %mul3A_418 = arith.muli %shift_right_arithmetic3A_416, %mul3A_417 : i32
      %and3A_419 = arith.constant 7 : i32
      %and3A_420 = arith.andi %scan3A_400, %and3A_419 : i32
      %mul3A_421 = arith.constant 16 : i32
      %mul3A_422 = arith.muli %and3A_420, %mul3A_421 : i32
      %add3A_423 = arith.addi %mul3A_418, %mul3A_422 : i32
      %add3A_424 = arith.constant 0 : i32
      %add3A_425 = vector.broadcast %add3A_424 : i32 to vector<16xi32>
      %add3A_426 = arith.addi %add3A_414, %add3A_425 : vector<16xi32>
      %add3A_427 = arith.constant 0 : i32
      %add3A_428 = arith.addi %add3A_423, %add3A_427 : i32
      %swap3A = arith.index_cast %add3A_428 : i32 to index
      %swap3A_429 = tpu.vector_load %arg14[%swap3A] {strides = array<i32>} : memref<4096xi32, #tpu.memory_space<vmem>>, vector<16xi32>,
      %swap3A_430 = vector.shape_cast %swap3A_429 : vector<16xi32> to vector<16xi32>
      %swap3A_431 = vector.shape_cast %add3A_426 : vector<16xi32> to vector<16xi32>
      tpu.vector_store %arg14[%swap3A], %swap3A_431 {strides = array<i32>} : memref<4096xi32, #tpu.memory_space<vmem>>, vector<16xi32>,
      %add3A_432 = arith.constant 128 : i32
      %add3A_433 = vector.broadcast %add3A_432 : i32 to vector<16xi32>
      %add3A_434 = arith.addi %add3A_414, %add3A_433 : vector<16xi32>
      %add3A_435 = arith.constant 128 : i32
      %add3A_436 = arith.addi %add3A_423, %add3A_435 : i32
      %swap3A_437 = arith.index_cast %add3A_436 : i32 to index
      %swap3A_438 = tpu.vector_load %arg14[%swap3A_437] {strides = array<i32>} : memref<4096xi32, #tpu.memory_space<vmem>>, vector<16xi32>,
      %swap3A_439 = vector.shape_cast %swap3A_438 : vector<16xi32> to vector<16xi32>
      %swap3A_440 = vector.shape_cast %add3A_434 : vector<16xi32> to vector<16xi32>
      tpu.vector_store %arg14[%swap3A_437], %swap3A_440 {strides = array<i32>} : memref<4096xi32, #tpu.memory_space<vmem>>, vector<16xi32>,
      %add3A_441 = arith.constant 256 : i32
      %add3A_442 = vector.broadcast %add3A_441 : i32 to vector<16xi32>
      %add3A_443 = arith.addi %add3A_414, %add3A_442 : vector<16xi32>
      %add3A_444 = arith.constant 256 : i32
      %add3A_445 = arith.addi %add3A_423, %add3A_444 : i32
      %swap3A_446 = arith.index_cast %add3A_445 : i32 to index
      %swap3A_447 = tpu.vector_load %arg14[%swap3A_446] {strides = array<i32>} : memref<4096xi32, #tpu.memory_space<vmem>>, vector<16xi32>,
      %swap3A_448 = vector.shape_cast %swap3A_447 : vector<16xi32> to vector<16xi32>
      %swap3A_449 = vector.shape_cast %add3A_443 : vector<16xi32> to vector<16xi32>
      tpu.vector_store %arg14[%swap3A_446], %swap3A_449 {strides = array<i32>} : memref<4096xi32, #tpu.memory_space<vmem>>, vector<16xi32>,
      %add3A_450 = arith.constant 384 : i32
      %add3A_451 = vector.broadcast %add3A_450 : i32 to vector<16xi32>
      %add3A_452 = arith.addi %add3A_414, %add3A_451 : vector<16xi32>
      %add3A_453 = arith.constant 384 : i32
      %add3A_454 = arith.addi %add3A_423, %add3A_453 : i32
      %swap3A_455 = arith.index_cast %add3A_454 : i32 to index
      %swap3A_456 = tpu.vector_load %arg14[%swap3A_455] {strides = array<i32>} : memref<4096xi32, #tpu.memory_space<vmem>>, vector<16xi32>,
      %swap3A_457 = vector.shape_cast %swap3A_456 : vector<16xi32> to vector<16xi32>
      %swap3A_458 = vector.shape_cast %add3A_452 : vector<16xi32> to vector<16xi32>
      tpu.vector_store %arg14[%swap3A_455], %swap3A_458 {strides = array<i32>} : memref<4096xi32, #tpu.memory_space<vmem>>, vector<16xi32>,
      %add3A_459 = arith.constant 512 : i32
      %add3A_460 = vector.broadcast %add3A_459 : i32 to vector<16xi32>
      %add3A_461 = arith.addi %add3A_414, %add3A_460 : vector<16xi32>
      %add3A_462 = arith.constant 512 : i32
      %add3A_463 = arith.addi %add3A_423, %add3A_462 : i32
      %swap3A_464 = arith.index_cast %add3A_463 : i32 to index
      %swap3A_465 = tpu.vector_load %arg14[%swap3A_464] {strides = array<i32>} : memref<4096xi32, #tpu.memory_space<vmem>>, vector<16xi32>,
      %swap3A_466 = vector.shape_cast %swap3A_465 : vector<16xi32> to vector<16xi32>
      %swap3A_467 = vector.shape_cast %add3A_461 : vector<16xi32> to vector<16xi32>
      tpu.vector_store %arg14[%swap3A_464], %swap3A_467 {strides = array<i32>} : memref<4096xi32, #tpu.memory_space<vmem>>, vector<16xi32>,
      %add3A_468 = arith.constant 640 : i32
      %add3A_469 = vector.broadcast %add3A_468 : i32 to vector<16xi32>
      %add3A_470 = arith.addi %add3A_414, %add3A_469 : vector<16xi32>
      %add3A_471 = arith.constant 640 : i32
      %add3A_472 = arith.addi %add3A_423, %add3A_471 : i32
      %swap3A_473 = arith.index_cast %add3A_472 : i32 to index
      %swap3A_474 = tpu.vector_load %arg14[%swap3A_473] {strides = array<i32>} : memref<4096xi32, #tpu.memory_space<vmem>>, vector<16xi32>,
      %swap3A_475 = vector.shape_cast %swap3A_474 : vector<16xi32> to vector<16xi32>
      %swap3A_476 = vector.shape_cast %add3A_470 : vector<16xi32> to vector<16xi32>
      tpu.vector_store %arg14[%swap3A_473], %swap3A_476 {strides = array<i32>} : memref<4096xi32, #tpu.memory_space<vmem>>, vector<16xi32>,
      %add3A_477 = arith.constant 768 : i32
      %add3A_478 = vector.broadcast %add3A_477 : i32 to vector<16xi32>
      %add3A_479 = arith.addi %add3A_414, %add3A_478 : vector<16xi32>
      %add3A_480 = arith.constant 768 : i32
      %add3A_481 = arith.addi %add3A_423, %add3A_480 : i32
      %swap3A_482 = arith.index_cast %add3A_481 : i32 to index
      %swap3A_483 = tpu.vector_load %arg14[%swap3A_482] {strides = array<i32>} : memref<4096xi32, #tpu.memory_space<vmem>>, vector<16xi32>,
      %swap3A_484 = vector.shape_cast %swap3A_483 : vector<16xi32> to vector<16xi32>
      %swap3A_485 = vector.shape_cast %add3A_479 : vector<16xi32> to vector<16xi32>
      tpu.vector_store %arg14[%swap3A_482], %swap3A_485 {strides = array<i32>} : memref<4096xi32, #tpu.memory_space<vmem>>, vector<16xi32>,
      %add3A_486 = arith.constant 896 : i32
      %add3A_487 = vector.broadcast %add3A_486 : i32 to vector<16xi32>
      %add3A_488 = arith.addi %add3A_414, %add3A_487 : vector<16xi32>
      %add3A_489 = arith.constant 896 : i32
      %add3A_490 = arith.addi %add3A_423, %add3A_489 : i32
      %swap3A_491 = arith.index_cast %add3A_490 : i32 to index
      %swap3A_492 = tpu.vector_load %arg14[%swap3A_491] {strides = array<i32>} : memref<4096xi32, #tpu.memory_space<vmem>>, vector<16xi32>,
      %swap3A_493 = vector.shape_cast %swap3A_492 : vector<16xi32> to vector<16xi32>
      %swap3A_494 = vector.shape_cast %add3A_488 : vector<16xi32> to vector<16xi32>
      tpu.vector_store %arg14[%swap3A_491], %swap3A_494 {strides = array<i32>} : memref<4096xi32, #tpu.memory_space<vmem>>, vector<16xi32>,
    }
    %scan3A_23 = arith.constant 32 : i32
    %dma_start3A_24 = arith.constant 4096 : i32
    %dma_start3A_25 = tpu.memref_slice %arg25[%dma_start3A_24] : memref<16384xf32, #tpu.memory_space<vmem>> -> memref<4096xf32, #tpu.memory_space<vmem>>
    %dma_start3A_26 = arith.constant 0 : i32
    %dma_start3A_27 = tpu.memref_slice %arg2[%dma_start3A_26] : memref<64000000xf32, #tpu.memory_space<hbm>> -> memref<64000000xf32, #tpu.memory_space<hbm>>
    tpu.enqueue_indirect_dma source(%dma_start3A_27 : memref<64000000xf32, #tpu.memory_space<hbm>>) target(%dma_start3A_25 : memref<4096xf32, #tpu.memory_space<vmem>>) offsets(%arg14 : memref<4096xi32, #tpu.memory_space<vmem>>) semaphore(%arg30 : memref<!tpu.dma_semaphore, #tpu.memory_space<semaphore_mem>>)
    %scan3A_28 = arith.constant 0 : i32
    %scan3A_29 = arith.constant 0 : i32
    %scan3A_30 = arith.constant 32 : i32
    %scan3A_31 = arith.addi %scan3A_29, %scan3A_30 : i32
    %scan3A_32 = arith.constant 1 : i32
    scf.for %scan3A_400 = %scan3A_29 to %scan3A_31 step %scan3A_32  : i32 {
      %mul3A_401 = arith.constant 16 : i32
      %mul3A_402 = arith.muli %scan3A_400, %mul3A_401 : i32
      %get3A = arith.index_cast %mul3A_402 : i32 to index
      %get3A_403 = tpu.vector_load %arg10[%get3A] {strides = array<i32>} : memref<512xi32, #tpu.memory_space<vmem>>, vector<16xi32>,
      %get3A_404 = vector.shape_cast %get3A_403 : vector<16xi32> to vector<16xi32>
      %shift_right_arithmetic3A = arith.constant 7 : i32
      %shift_right_arithmetic3A_405 = vector.broadcast %shift_right_arithmetic3A : i32 to vector<16xi32>
      %shift_right_arithmetic3A_406 = arith.shrsi %get3A_404, %shift_right_arithmetic3A_405 : vector<16xi32>
      %shift_left3A = arith.constant 10 : i32
      %shift_left3A_407 = vector.broadcast %shift_left3A : i32 to vector<16xi32>
      %shift_left3A_408 = arith.shli %shift_right_arithmetic3A_406, %shift_left3A_407 : vector<16xi32>
      %and3A = arith.constant 127 : i32
      %and3A_409 = vector.broadcast %and3A : i32 to vector<16xi32>
      %and3A_410 = arith.andi %get3A_404, %and3A_409 : vector<16xi32>
      %add3A_411 = arith.addi %shift_left3A_408, %and3A_410 : vector<16xi32>
      %add3A_412 = arith.constant 32000000 : i32
      %add3A_413 = vector.broadcast %add3A_412 : i32 to vector<16xi32>
      %add3A_414 = arith.addi %add3A_411, %add3A_413 : vector<16xi32>
      %shift_right_arithmetic3A_415 = arith.constant 3 : i32
      %shift_right_arithmetic3A_416 = arith.shrsi %scan3A_400, %shift_right_arithmetic3A_415 : i32
      %mul3A_417 = arith.constant 1024 : i32
      %mul3A_418 = arith.muli %shift_right_arithmetic3A_416, %mul3A_417 : i32
      %and3A_419 = arith.constant 7 : i32
      %and3A_420 = arith.andi %scan3A_400, %and3A_419 : i32
      %mul3A_421 = arith.constant 16 : i32
      %mul3A_422 = arith.muli %and3A_420, %mul3A_421 : i32
      %add3A_423 = arith.addi %mul3A_418, %mul3A_422 : i32
      %add3A_424 = arith.constant 0 : i32
      %add3A_425 = vector.broadcast %add3A_424 : i32 to vector<16xi32>
      %add3A_426 = arith.addi %add3A_414, %add3A_425 : vector<16xi32>
      %add3A_427 = arith.constant 0 : i32
      %add3A_428 = arith.addi %add3A_423, %add3A_427 : i32
      %swap3A = arith.index_cast %add3A_428 : i32 to index
      %swap3A_429 = tpu.vector_load %arg15[%swap3A] {strides = array<i32>} : memref<4096xi32, #tpu.memory_space<vmem>>, vector<16xi32>,
      %swap3A_430 = vector.shape_cast %swap3A_429 : vector<16xi32> to vector<16xi32>
      %swap3A_431 = vector.shape_cast %add3A_426 : vector<16xi32> to vector<16xi32>
      tpu.vector_store %arg15[%swap3A], %swap3A_431 {strides = array<i32>} : memref<4096xi32, #tpu.memory_space<vmem>>, vector<16xi32>,
      %add3A_432 = arith.constant 128 : i32
      %add3A_433 = vector.broadcast %add3A_432 : i32 to vector<16xi32>
      %add3A_434 = arith.addi %add3A_414, %add3A_433 : vector<16xi32>
      %add3A_435 = arith.constant 128 : i32
      %add3A_436 = arith.addi %add3A_423, %add3A_435 : i32
      %swap3A_437 = arith.index_cast %add3A_436 : i32 to index
      %swap3A_438 = tpu.vector_load %arg15[%swap3A_437] {strides = array<i32>} : memref<4096xi32, #tpu.memory_space<vmem>>, vector<16xi32>,
      %swap3A_439 = vector.shape_cast %swap3A_438 : vector<16xi32> to vector<16xi32>
      %swap3A_440 = vector.shape_cast %add3A_434 : vector<16xi32> to vector<16xi32>
      tpu.vector_store %arg15[%swap3A_437], %swap3A_440 {strides = array<i32>} : memref<4096xi32, #tpu.memory_space<vmem>>, vector<16xi32>,
      %add3A_441 = arith.constant 256 : i32
      %add3A_442 = vector.broadcast %add3A_441 : i32 to vector<16xi32>
      %add3A_443 = arith.addi %add3A_414, %add3A_442 : vector<16xi32>
      %add3A_444 = arith.constant 256 : i32
      %add3A_445 = arith.addi %add3A_423, %add3A_444 : i32
      %swap3A_446 = arith.index_cast %add3A_445 : i32 to index
      %swap3A_447 = tpu.vector_load %arg15[%swap3A_446] {strides = array<i32>} : memref<4096xi32, #tpu.memory_space<vmem>>, vector<16xi32>,
      %swap3A_448 = vector.shape_cast %swap3A_447 : vector<16xi32> to vector<16xi32>
      %swap3A_449 = vector.shape_cast %add3A_443 : vector<16xi32> to vector<16xi32>
      tpu.vector_store %arg15[%swap3A_446], %swap3A_449 {strides = array<i32>} : memref<4096xi32, #tpu.memory_space<vmem>>, vector<16xi32>,
      %add3A_450 = arith.constant 384 : i32
      %add3A_451 = vector.broadcast %add3A_450 : i32 to vector<16xi32>
      %add3A_452 = arith.addi %add3A_414, %add3A_451 : vector<16xi32>
      %add3A_453 = arith.constant 384 : i32
      %add3A_454 = arith.addi %add3A_423, %add3A_453 : i32
      %swap3A_455 = arith.index_cast %add3A_454 : i32 to index
      %swap3A_456 = tpu.vector_load %arg15[%swap3A_455] {strides = array<i32>} : memref<4096xi32, #tpu.memory_space<vmem>>, vector<16xi32>,
      %swap3A_457 = vector.shape_cast %swap3A_456 : vector<16xi32> to vector<16xi32>
      %swap3A_458 = vector.shape_cast %add3A_452 : vector<16xi32> to vector<16xi32>
      tpu.vector_store %arg15[%swap3A_455], %swap3A_458 {strides = array<i32>} : memref<4096xi32, #tpu.memory_space<vmem>>, vector<16xi32>,
      %add3A_459 = arith.constant 512 : i32
      %add3A_460 = vector.broadcast %add3A_459 : i32 to vector<16xi32>
      %add3A_461 = arith.addi %add3A_414, %add3A_460 : vector<16xi32>
      %add3A_462 = arith.constant 512 : i32
      %add3A_463 = arith.addi %add3A_423, %add3A_462 : i32
      %swap3A_464 = arith.index_cast %add3A_463 : i32 to index
      %swap3A_465 = tpu.vector_load %arg15[%swap3A_464] {strides = array<i32>} : memref<4096xi32, #tpu.memory_space<vmem>>, vector<16xi32>,
      %swap3A_466 = vector.shape_cast %swap3A_465 : vector<16xi32> to vector<16xi32>
      %swap3A_467 = vector.shape_cast %add3A_461 : vector<16xi32> to vector<16xi32>
      tpu.vector_store %arg15[%swap3A_464], %swap3A_467 {strides = array<i32>} : memref<4096xi32, #tpu.memory_space<vmem>>, vector<16xi32>,
      %add3A_468 = arith.constant 640 : i32
      %add3A_469 = vector.broadcast %add3A_468 : i32 to vector<16xi32>
      %add3A_470 = arith.addi %add3A_414, %add3A_469 : vector<16xi32>
      %add3A_471 = arith.constant 640 : i32
      %add3A_472 = arith.addi %add3A_423, %add3A_471 : i32
      %swap3A_473 = arith.index_cast %add3A_472 : i32 to index
      %swap3A_474 = tpu.vector_load %arg15[%swap3A_473] {strides = array<i32>} : memref<4096xi32, #tpu.memory_space<vmem>>, vector<16xi32>,
      %swap3A_475 = vector.shape_cast %swap3A_474 : vector<16xi32> to vector<16xi32>
      %swap3A_476 = vector.shape_cast %add3A_470 : vector<16xi32> to vector<16xi32>
      tpu.vector_store %arg15[%swap3A_473], %swap3A_476 {strides = array<i32>} : memref<4096xi32, #tpu.memory_space<vmem>>, vector<16xi32>,
      %add3A_477 = arith.constant 768 : i32
      %add3A_478 = vector.broadcast %add3A_477 : i32 to vector<16xi32>
      %add3A_479 = arith.addi %add3A_414, %add3A_478 : vector<16xi32>
      %add3A_480 = arith.constant 768 : i32
      %add3A_481 = arith.addi %add3A_423, %add3A_480 : i32
      %swap3A_482 = arith.index_cast %add3A_481 : i32 to index
      %swap3A_483 = tpu.vector_load %arg15[%swap3A_482] {strides = array<i32>} : memref<4096xi32, #tpu.memory_space<vmem>>, vector<16xi32>,
      %swap3A_484 = vector.shape_cast %swap3A_483 : vector<16xi32> to vector<16xi32>
      %swap3A_485 = vector.shape_cast %add3A_479 : vector<16xi32> to vector<16xi32>
      tpu.vector_store %arg15[%swap3A_482], %swap3A_485 {strides = array<i32>} : memref<4096xi32, #tpu.memory_space<vmem>>, vector<16xi32>,
      %add3A_486 = arith.constant 896 : i32
      %add3A_487 = vector.broadcast %add3A_486 : i32 to vector<16xi32>
      %add3A_488 = arith.addi %add3A_414, %add3A_487 : vector<16xi32>
      %add3A_489 = arith.constant 896 : i32
      %add3A_490 = arith.addi %add3A_423, %add3A_489 : i32
      %swap3A_491 = arith.index_cast %add3A_490 : i32 to index
      %swap3A_492 = tpu.vector_load %arg15[%swap3A_491] {strides = array<i32>} : memref<4096xi32, #tpu.memory_space<vmem>>, vector<16xi32>,
      %swap3A_493 = vector.shape_cast %swap3A_492 : vector<16xi32> to vector<16xi32>
      %swap3A_494 = vector.shape_cast %add3A_488 : vector<16xi32> to vector<16xi32>
      tpu.vector_store %arg15[%swap3A_491], %swap3A_494 {strides = array<i32>} : memref<4096xi32, #tpu.memory_space<vmem>>, vector<16xi32>,
    }
    %scan3A_33 = arith.constant 32 : i32
    %dma_start3A_34 = arith.constant 8192 : i32
    %dma_start3A_35 = tpu.memref_slice %arg25[%dma_start3A_34] : memref<16384xf32, #tpu.memory_space<vmem>> -> memref<4096xf32, #tpu.memory_space<vmem>>
    %dma_start3A_36 = arith.constant 0 : i32
    %dma_start3A_37 = tpu.memref_slice %arg2[%dma_start3A_36] : memref<64000000xf32, #tpu.memory_space<hbm>> -> memref<64000000xf32, #tpu.memory_space<hbm>>
    tpu.enqueue_indirect_dma source(%dma_start3A_37 : memref<64000000xf32, #tpu.memory_space<hbm>>) target(%dma_start3A_35 : memref<4096xf32, #tpu.memory_space<vmem>>) offsets(%arg15 : memref<4096xi32, #tpu.memory_space<vmem>>) semaphore(%arg31 : memref<!tpu.dma_semaphore, #tpu.memory_space<semaphore_mem>>)
    %scan3A_38 = arith.constant 0 : i32
    %scan3A_39 = arith.constant 0 : i32
    %scan3A_40 = arith.constant 32 : i32
    %scan3A_41 = arith.addi %scan3A_39, %scan3A_40 : i32
    %scan3A_42 = arith.constant 1 : i32
    scf.for %scan3A_400 = %scan3A_39 to %scan3A_41 step %scan3A_42  : i32 {
      %mul3A_401 = arith.constant 16 : i32
      %mul3A_402 = arith.muli %scan3A_400, %mul3A_401 : i32
      %get3A = arith.index_cast %mul3A_402 : i32 to index
      %get3A_403 = tpu.vector_load %arg10[%get3A] {strides = array<i32>} : memref<512xi32, #tpu.memory_space<vmem>>, vector<16xi32>,
      %get3A_404 = vector.shape_cast %get3A_403 : vector<16xi32> to vector<16xi32>
      %shift_right_arithmetic3A = arith.constant 7 : i32
      %shift_right_arithmetic3A_405 = vector.broadcast %shift_right_arithmetic3A : i32 to vector<16xi32>
      %shift_right_arithmetic3A_406 = arith.shrsi %get3A_404, %shift_right_arithmetic3A_405 : vector<16xi32>
      %shift_left3A = arith.constant 10 : i32
      %shift_left3A_407 = vector.broadcast %shift_left3A : i32 to vector<16xi32>
      %shift_left3A_408 = arith.shli %shift_right_arithmetic3A_406, %shift_left3A_407 : vector<16xi32>
      %and3A = arith.constant 127 : i32
      %and3A_409 = vector.broadcast %and3A : i32 to vector<16xi32>
      %and3A_410 = arith.andi %get3A_404, %and3A_409 : vector<16xi32>
      %add3A_411 = arith.addi %shift_left3A_408, %and3A_410 : vector<16xi32>
      %add3A_412 = arith.constant 48000000 : i32
      %add3A_413 = vector.broadcast %add3A_412 : i32 to vector<16xi32>
      %add3A_414 = arith.addi %add3A_411, %add3A_413 : vector<16xi32>
      %shift_right_arithmetic3A_415 = arith.constant 3 : i32
      %shift_right_arithmetic3A_416 = arith.shrsi %scan3A_400, %shift_right_arithmetic3A_415 : i32
      %mul3A_417 = arith.constant 1024 : i32
      %mul3A_418 = arith.muli %shift_right_arithmetic3A_416, %mul3A_417 : i32
      %and3A_419 = arith.constant 7 : i32
      %and3A_420 = arith.andi %scan3A_400, %and3A_419 : i32
      %mul3A_421 = arith.constant 16 : i32
      %mul3A_422 = arith.muli %and3A_420, %mul3A_421 : i32
      %add3A_423 = arith.addi %mul3A_418, %mul3A_422 : i32
      %add3A_424 = arith.constant 0 : i32
      %add3A_425 = vector.broadcast %add3A_424 : i32 to vector<16xi32>
      %add3A_426 = arith.addi %add3A_414, %add3A_425 : vector<16xi32>
      %add3A_427 = arith.constant 0 : i32
      %add3A_428 = arith.addi %add3A_423, %add3A_427 : i32
      %swap3A = arith.index_cast %add3A_428 : i32 to index
      %swap3A_429 = tpu.vector_load %arg16[%swap3A] {strides = array<i32>} : memref<4096xi32, #tpu.memory_space<vmem>>, vector<16xi32>,
      %swap3A_430 = vector.shape_cast %swap3A_429 : vector<16xi32> to vector<16xi32>
      %swap3A_431 = vector.shape_cast %add3A_426 : vector<16xi32> to vector<16xi32>
      tpu.vector_store %arg16[%swap3A], %swap3A_431 {strides = array<i32>} : memref<4096xi32, #tpu.memory_space<vmem>>, vector<16xi32>,
      %add3A_432 = arith.constant 128 : i32
      %add3A_433 = vector.broadcast %add3A_432 : i32 to vector<16xi32>
      %add3A_434 = arith.addi %add3A_414, %add3A_433 : vector<16xi32>
      %add3A_435 = arith.constant 128 : i32
      %add3A_436 = arith.addi %add3A_423, %add3A_435 : i32
      %swap3A_437 = arith.index_cast %add3A_436 : i32 to index
      %swap3A_438 = tpu.vector_load %arg16[%swap3A_437] {strides = array<i32>} : memref<4096xi32, #tpu.memory_space<vmem>>, vector<16xi32>,
      %swap3A_439 = vector.shape_cast %swap3A_438 : vector<16xi32> to vector<16xi32>
      %swap3A_440 = vector.shape_cast %add3A_434 : vector<16xi32> to vector<16xi32>
      tpu.vector_store %arg16[%swap3A_437], %swap3A_440 {strides = array<i32>} : memref<4096xi32, #tpu.memory_space<vmem>>, vector<16xi32>,
      %add3A_441 = arith.constant 256 : i32
      %add3A_442 = vector.broadcast %add3A_441 : i32 to vector<16xi32>
      %add3A_443 = arith.addi %add3A_414, %add3A_442 : vector<16xi32>
      %add3A_444 = arith.constant 256 : i32
      %add3A_445 = arith.addi %add3A_423, %add3A_444 : i32
      %swap3A_446 = arith.index_cast %add3A_445 : i32 to index
      %swap3A_447 = tpu.vector_load %arg16[%swap3A_446] {strides = array<i32>} : memref<4096xi32, #tpu.memory_space<vmem>>, vector<16xi32>,
      %swap3A_448 = vector.shape_cast %swap3A_447 : vector<16xi32> to vector<16xi32>
      %swap3A_449 = vector.shape_cast %add3A_443 : vector<16xi32> to vector<16xi32>
      tpu.vector_store %arg16[%swap3A_446], %swap3A_449 {strides = array<i32>} : memref<4096xi32, #tpu.memory_space<vmem>>, vector<16xi32>,
      %add3A_450 = arith.constant 384 : i32
      %add3A_451 = vector.broadcast %add3A_450 : i32 to vector<16xi32>
      %add3A_452 = arith.addi %add3A_414, %add3A_451 : vector<16xi32>
      %add3A_453 = arith.constant 384 : i32
      %add3A_454 = arith.addi %add3A_423, %add3A_453 : i32
      %swap3A_455 = arith.index_cast %add3A_454 : i32 to index
      %swap3A_456 = tpu.vector_load %arg16[%swap3A_455] {strides = array<i32>} : memref<4096xi32, #tpu.memory_space<vmem>>, vector<16xi32>,
      %swap3A_457 = vector.shape_cast %swap3A_456 : vector<16xi32> to vector<16xi32>
      %swap3A_458 = vector.shape_cast %add3A_452 : vector<16xi32> to vector<16xi32>
      tpu.vector_store %arg16[%swap3A_455], %swap3A_458 {strides = array<i32>} : memref<4096xi32, #tpu.memory_space<vmem>>, vector<16xi32>,
      %add3A_459 = arith.constant 512 : i32
      %add3A_460 = vector.broadcast %add3A_459 : i32 to vector<16xi32>
      %add3A_461 = arith.addi %add3A_414, %add3A_460 : vector<16xi32>
      %add3A_462 = arith.constant 512 : i32
      %add3A_463 = arith.addi %add3A_423, %add3A_462 : i32
      %swap3A_464 = arith.index_cast %add3A_463 : i32 to index
      %swap3A_465 = tpu.vector_load %arg16[%swap3A_464] {strides = array<i32>} : memref<4096xi32, #tpu.memory_space<vmem>>, vector<16xi32>,
      %swap3A_466 = vector.shape_cast %swap3A_465 : vector<16xi32> to vector<16xi32>
      %swap3A_467 = vector.shape_cast %add3A_461 : vector<16xi32> to vector<16xi32>
      tpu.vector_store %arg16[%swap3A_464], %swap3A_467 {strides = array<i32>} : memref<4096xi32, #tpu.memory_space<vmem>>, vector<16xi32>,
      %add3A_468 = arith.constant 640 : i32
      %add3A_469 = vector.broadcast %add3A_468 : i32 to vector<16xi32>
      %add3A_470 = arith.addi %add3A_414, %add3A_469 : vector<16xi32>
      %add3A_471 = arith.constant 640 : i32
      %add3A_472 = arith.addi %add3A_423, %add3A_471 : i32
      %swap3A_473 = arith.index_cast %add3A_472 : i32 to index
      %swap3A_474 = tpu.vector_load %arg16[%swap3A_473] {strides = array<i32>} : memref<4096xi32, #tpu.memory_space<vmem>>, vector<16xi32>,
      %swap3A_475 = vector.shape_cast %swap3A_474 : vector<16xi32> to vector<16xi32>
      %swap3A_476 = vector.shape_cast %add3A_470 : vector<16xi32> to vector<16xi32>
      tpu.vector_store %arg16[%swap3A_473], %swap3A_476 {strides = array<i32>} : memref<4096xi32, #tpu.memory_space<vmem>>, vector<16xi32>,
      %add3A_477 = arith.constant 768 : i32
      %add3A_478 = vector.broadcast %add3A_477 : i32 to vector<16xi32>
      %add3A_479 = arith.addi %add3A_414, %add3A_478 : vector<16xi32>
      %add3A_480 = arith.constant 768 : i32
      %add3A_481 = arith.addi %add3A_423, %add3A_480 : i32
      %swap3A_482 = arith.index_cast %add3A_481 : i32 to index
      %swap3A_483 = tpu.vector_load %arg16[%swap3A_482] {strides = array<i32>} : memref<4096xi32, #tpu.memory_space<vmem>>, vector<16xi32>,
      %swap3A_484 = vector.shape_cast %swap3A_483 : vector<16xi32> to vector<16xi32>
      %swap3A_485 = vector.shape_cast %add3A_479 : vector<16xi32> to vector<16xi32>
      tpu.vector_store %arg16[%swap3A_482], %swap3A_485 {strides = array<i32>} : memref<4096xi32, #tpu.memory_space<vmem>>, vector<16xi32>,
      %add3A_486 = arith.constant 896 : i32
      %add3A_487 = vector.broadcast %add3A_486 : i32 to vector<16xi32>
      %add3A_488 = arith.addi %add3A_414, %add3A_487 : vector<16xi32>
      %add3A_489 = arith.constant 896 : i32
      %add3A_490 = arith.addi %add3A_423, %add3A_489 : i32
      %swap3A_491 = arith.index_cast %add3A_490 : i32 to index
      %swap3A_492 = tpu.vector_load %arg16[%swap3A_491] {strides = array<i32>} : memref<4096xi32, #tpu.memory_space<vmem>>, vector<16xi32>,
      %swap3A_493 = vector.shape_cast %swap3A_492 : vector<16xi32> to vector<16xi32>
      %swap3A_494 = vector.shape_cast %add3A_488 : vector<16xi32> to vector<16xi32>
      tpu.vector_store %arg16[%swap3A_491], %swap3A_494 {strides = array<i32>} : memref<4096xi32, #tpu.memory_space<vmem>>, vector<16xi32>,
    }
    %scan3A_43 = arith.constant 32 : i32
    %dma_start3A_44 = arith.constant 12288 : i32
    %dma_start3A_45 = tpu.memref_slice %arg25[%dma_start3A_44] : memref<16384xf32, #tpu.memory_space<vmem>> -> memref<4096xf32, #tpu.memory_space<vmem>>
    %dma_start3A_46 = arith.constant 0 : i32
    %dma_start3A_47 = tpu.memref_slice %arg2[%dma_start3A_46] : memref<64000000xf32, #tpu.memory_space<hbm>> -> memref<64000000xf32, #tpu.memory_space<hbm>>
    tpu.enqueue_indirect_dma source(%dma_start3A_47 : memref<64000000xf32, #tpu.memory_space<hbm>>) target(%dma_start3A_45 : memref<4096xf32, #tpu.memory_space<vmem>>) offsets(%arg16 : memref<4096xi32, #tpu.memory_space<vmem>>) semaphore(%arg32 : memref<!tpu.dma_semaphore, #tpu.memory_space<semaphore_mem>>)
    %dma_wait3A_48 = tpu.memref_slice %arg4[%mul3A_2] : memref<16384xi32, #tpu.memory_space<hbm>> -> memref<512xi32, #tpu.memory_space<hbm>>
    %dma_wait3A_49 = tpu.memref_slice %arg4[%mul3A_2] : memref<16384xi32, #tpu.memory_space<hbm>> -> memref<512xi32, #tpu.memory_space<hbm>>
    tpu.wait_dma2 semaphore(%arg33 : memref<!tpu.dma_semaphore, #tpu.memory_space<semaphore_mem>>) src(%dma_wait3A_49 : memref<512xi32, #tpu.memory_space<hbm>>) dst(%arg11 : memref<512xi32, #tpu.memory_space<vmem>>)
    %scan3A_50 = arith.constant 0 : i32
    %scan3A_51 = arith.constant 0 : i32
    %scan3A_52 = arith.constant 32 : i32
    %scan3A_53 = arith.addi %scan3A_51, %scan3A_52 : i32
    %scan3A_54 = arith.constant 1 : i32
    scf.for %scan3A_400 = %scan3A_51 to %scan3A_53 step %scan3A_54  : i32 {
      %mul3A_401 = arith.constant 16 : i32
      %mul3A_402 = arith.muli %scan3A_400, %mul3A_401 : i32
      %get3A = arith.index_cast %mul3A_402 : i32 to index
      %get3A_403 = tpu.vector_load %arg11[%get3A] {strides = array<i32>} : memref<512xi32, #tpu.memory_space<vmem>>, vector<16xi32>,
      %get3A_404 = vector.shape_cast %get3A_403 : vector<16xi32> to vector<16xi32>
      %shift_right_arithmetic3A = arith.constant 7 : i32
      %shift_right_arithmetic3A_405 = vector.broadcast %shift_right_arithmetic3A : i32 to vector<16xi32>
      %shift_right_arithmetic3A_406 = arith.shrsi %get3A_404, %shift_right_arithmetic3A_405 : vector<16xi32>
      %shift_left3A = arith.constant 10 : i32
      %shift_left3A_407 = vector.broadcast %shift_left3A : i32 to vector<16xi32>
      %shift_left3A_408 = arith.shli %shift_right_arithmetic3A_406, %shift_left3A_407 : vector<16xi32>
      %and3A = arith.constant 127 : i32
      %and3A_409 = vector.broadcast %and3A : i32 to vector<16xi32>
      %and3A_410 = arith.andi %get3A_404, %and3A_409 : vector<16xi32>
      %add3A_411 = arith.addi %shift_left3A_408, %and3A_410 : vector<16xi32>
      %add3A_412 = arith.constant 0 : i32
      %add3A_413 = vector.broadcast %add3A_412 : i32 to vector<16xi32>
      %add3A_414 = arith.addi %add3A_411, %add3A_413 : vector<16xi32>
      %shift_right_arithmetic3A_415 = arith.constant 3 : i32
      %shift_right_arithmetic3A_416 = arith.shrsi %scan3A_400, %shift_right_arithmetic3A_415 : i32
      %mul3A_417 = arith.constant 1024 : i32
      %mul3A_418 = arith.muli %shift_right_arithmetic3A_416, %mul3A_417 : i32
      %and3A_419 = arith.constant 7 : i32
      %and3A_420 = arith.andi %scan3A_400, %and3A_419 : i32
      %mul3A_421 = arith.constant 16 : i32
      %mul3A_422 = arith.muli %and3A_420, %mul3A_421 : i32
      %add3A_423 = arith.addi %mul3A_418, %mul3A_422 : i32
      %add3A_424 = arith.constant 0 : i32
      %add3A_425 = vector.broadcast %add3A_424 : i32 to vector<16xi32>
      %add3A_426 = arith.addi %add3A_414, %add3A_425 : vector<16xi32>
      %add3A_427 = arith.constant 0 : i32
      %add3A_428 = arith.addi %add3A_423, %add3A_427 : i32
      %swap3A = arith.index_cast %add3A_428 : i32 to index
      %swap3A_429 = tpu.vector_load %arg17[%swap3A] {strides = array<i32>} : memref<4096xi32, #tpu.memory_space<vmem>>, vector<16xi32>,
      %swap3A_430 = vector.shape_cast %swap3A_429 : vector<16xi32> to vector<16xi32>
      %swap3A_431 = vector.shape_cast %add3A_426 : vector<16xi32> to vector<16xi32>
      tpu.vector_store %arg17[%swap3A], %swap3A_431 {strides = array<i32>} : memref<4096xi32, #tpu.memory_space<vmem>>, vector<16xi32>,
      %add3A_432 = arith.constant 128 : i32
      %add3A_433 = vector.broadcast %add3A_432 : i32 to vector<16xi32>
      %add3A_434 = arith.addi %add3A_414, %add3A_433 : vector<16xi32>
      %add3A_435 = arith.constant 128 : i32
      %add3A_436 = arith.addi %add3A_423, %add3A_435 : i32
      %swap3A_437 = arith.index_cast %add3A_436 : i32 to index
      %swap3A_438 = tpu.vector_load %arg17[%swap3A_437] {strides = array<i32>} : memref<4096xi32, #tpu.memory_space<vmem>>, vector<16xi32>,
      %swap3A_439 = vector.shape_cast %swap3A_438 : vector<16xi32> to vector<16xi32>
      %swap3A_440 = vector.shape_cast %add3A_434 : vector<16xi32> to vector<16xi32>
      tpu.vector_store %arg17[%swap3A_437], %swap3A_440 {strides = array<i32>} : memref<4096xi32, #tpu.memory_space<vmem>>, vector<16xi32>,
      %add3A_441 = arith.constant 256 : i32
      %add3A_442 = vector.broadcast %add3A_441 : i32 to vector<16xi32>
      %add3A_443 = arith.addi %add3A_414, %add3A_442 : vector<16xi32>
      %add3A_444 = arith.constant 256 : i32
      %add3A_445 = arith.addi %add3A_423, %add3A_444 : i32
      %swap3A_446 = arith.index_cast %add3A_445 : i32 to index
      %swap3A_447 = tpu.vector_load %arg17[%swap3A_446] {strides = array<i32>} : memref<4096xi32, #tpu.memory_space<vmem>>, vector<16xi32>,
      %swap3A_448 = vector.shape_cast %swap3A_447 : vector<16xi32> to vector<16xi32>
      %swap3A_449 = vector.shape_cast %add3A_443 : vector<16xi32> to vector<16xi32>
      tpu.vector_store %arg17[%swap3A_446], %swap3A_449 {strides = array<i32>} : memref<4096xi32, #tpu.memory_space<vmem>>, vector<16xi32>,
      %add3A_450 = arith.constant 384 : i32
      %add3A_451 = vector.broadcast %add3A_450 : i32 to vector<16xi32>
      %add3A_452 = arith.addi %add3A_414, %add3A_451 : vector<16xi32>
      %add3A_453 = arith.constant 384 : i32
      %add3A_454 = arith.addi %add3A_423, %add3A_453 : i32
      %swap3A_455 = arith.index_cast %add3A_454 : i32 to index
      %swap3A_456 = tpu.vector_load %arg17[%swap3A_455] {strides = array<i32>} : memref<4096xi32, #tpu.memory_space<vmem>>, vector<16xi32>,
      %swap3A_457 = vector.shape_cast %swap3A_456 : vector<16xi32> to vector<16xi32>
      %swap3A_458 = vector.shape_cast %add3A_452 : vector<16xi32> to vector<16xi32>
      tpu.vector_store %arg17[%swap3A_455], %swap3A_458 {strides = array<i32>} : memref<4096xi32, #tpu.memory_space<vmem>>, vector<16xi32>,
      %add3A_459 = arith.constant 512 : i32
      %add3A_460 = vector.broadcast %add3A_459 : i32 to vector<16xi32>
      %add3A_461 = arith.addi %add3A_414, %add3A_460 : vector<16xi32>
      %add3A_462 = arith.constant 512 : i32
      %add3A_463 = arith.addi %add3A_423, %add3A_462 : i32
      %swap3A_464 = arith.index_cast %add3A_463 : i32 to index
      %swap3A_465 = tpu.vector_load %arg17[%swap3A_464] {strides = array<i32>} : memref<4096xi32, #tpu.memory_space<vmem>>, vector<16xi32>,
      %swap3A_466 = vector.shape_cast %swap3A_465 : vector<16xi32> to vector<16xi32>
      %swap3A_467 = vector.shape_cast %add3A_461 : vector<16xi32> to vector<16xi32>
      tpu.vector_store %arg17[%swap3A_464], %swap3A_467 {strides = array<i32>} : memref<4096xi32, #tpu.memory_space<vmem>>, vector<16xi32>,
      %add3A_468 = arith.constant 640 : i32
      %add3A_469 = vector.broadcast %add3A_468 : i32 to vector<16xi32>
      %add3A_470 = arith.addi %add3A_414, %add3A_469 : vector<16xi32>
      %add3A_471 = arith.constant 640 : i32
      %add3A_472 = arith.addi %add3A_423, %add3A_471 : i32
      %swap3A_473 = arith.index_cast %add3A_472 : i32 to index
      %swap3A_474 = tpu.vector_load %arg17[%swap3A_473] {strides = array<i32>} : memref<4096xi32, #tpu.memory_space<vmem>>, vector<16xi32>,
      %swap3A_475 = vector.shape_cast %swap3A_474 : vector<16xi32> to vector<16xi32>
      %swap3A_476 = vector.shape_cast %add3A_470 : vector<16xi32> to vector<16xi32>
      tpu.vector_store %arg17[%swap3A_473], %swap3A_476 {strides = array<i32>} : memref<4096xi32, #tpu.memory_space<vmem>>, vector<16xi32>,
      %add3A_477 = arith.constant 768 : i32
      %add3A_478 = vector.broadcast %add3A_477 : i32 to vector<16xi32>
      %add3A_479 = arith.addi %add3A_414, %add3A_478 : vector<16xi32>
      %add3A_480 = arith.constant 768 : i32
      %add3A_481 = arith.addi %add3A_423, %add3A_480 : i32
      %swap3A_482 = arith.index_cast %add3A_481 : i32 to index
      %swap3A_483 = tpu.vector_load %arg17[%swap3A_482] {strides = array<i32>} : memref<4096xi32, #tpu.memory_space<vmem>>, vector<16xi32>,
      %swap3A_484 = vector.shape_cast %swap3A_483 : vector<16xi32> to vector<16xi32>
      %swap3A_485 = vector.shape_cast %add3A_479 : vector<16xi32> to vector<16xi32>
      tpu.vector_store %arg17[%swap3A_482], %swap3A_485 {strides = array<i32>} : memref<4096xi32, #tpu.memory_space<vmem>>, vector<16xi32>,
      %add3A_486 = arith.constant 896 : i32
      %add3A_487 = vector.broadcast %add3A_486 : i32 to vector<16xi32>
      %add3A_488 = arith.addi %add3A_414, %add3A_487 : vector<16xi32>
      %add3A_489 = arith.constant 896 : i32
      %add3A_490 = arith.addi %add3A_423, %add3A_489 : i32
      %swap3A_491 = arith.index_cast %add3A_490 : i32 to index
      %swap3A_492 = tpu.vector_load %arg17[%swap3A_491] {strides = array<i32>} : memref<4096xi32, #tpu.memory_space<vmem>>, vector<16xi32>,
      %swap3A_493 = vector.shape_cast %swap3A_492 : vector<16xi32> to vector<16xi32>
      %swap3A_494 = vector.shape_cast %add3A_488 : vector<16xi32> to vector<16xi32>
      tpu.vector_store %arg17[%swap3A_491], %swap3A_494 {strides = array<i32>} : memref<4096xi32, #tpu.memory_space<vmem>>, vector<16xi32>,
    }
    %scan3A_55 = arith.constant 32 : i32
    %dma_start3A_56 = arith.constant 0 : i32
    %dma_start3A_57 = tpu.memref_slice %arg26[%dma_start3A_56] : memref<16384xf32, #tpu.memory_space<vmem>> -> memref<4096xf32, #tpu.memory_space<vmem>>
    %dma_start3A_58 = arith.constant 0 : i32
    %dma_start3A_59 = tpu.memref_slice %arg2[%dma_start3A_58] : memref<64000000xf32, #tpu.memory_space<hbm>> -> memref<64000000xf32, #tpu.memory_space<hbm>>
    tpu.enqueue_indirect_dma source(%dma_start3A_59 : memref<64000000xf32, #tpu.memory_space<hbm>>) target(%dma_start3A_57 : memref<4096xf32, #tpu.memory_space<vmem>>) offsets(%arg17 : memref<4096xi32, #tpu.memory_space<vmem>>) semaphore(%arg33 : memref<!tpu.dma_semaphore, #tpu.memory_space<semaphore_mem>>)
    %scan3A_60 = arith.constant 0 : i32
    %scan3A_61 = arith.constant 0 : i32
    %scan3A_62 = arith.constant 32 : i32
    %scan3A_63 = arith.addi %scan3A_61, %scan3A_62 : i32
    %scan3A_64 = arith.constant 1 : i32
    scf.for %scan3A_400 = %scan3A_61 to %scan3A_63 step %scan3A_64  : i32 {
      %mul3A_401 = arith.constant 16 : i32
      %mul3A_402 = arith.muli %scan3A_400, %mul3A_401 : i32
      %get3A = arith.index_cast %mul3A_402 : i32 to index
      %get3A_403 = tpu.vector_load %arg11[%get3A] {strides = array<i32>} : memref<512xi32, #tpu.memory_space<vmem>>, vector<16xi32>,
      %get3A_404 = vector.shape_cast %get3A_403 : vector<16xi32> to vector<16xi32>
      %shift_right_arithmetic3A = arith.constant 7 : i32
      %shift_right_arithmetic3A_405 = vector.broadcast %shift_right_arithmetic3A : i32 to vector<16xi32>
      %shift_right_arithmetic3A_406 = arith.shrsi %get3A_404, %shift_right_arithmetic3A_405 : vector<16xi32>
      %shift_left3A = arith.constant 10 : i32
      %shift_left3A_407 = vector.broadcast %shift_left3A : i32 to vector<16xi32>
      %shift_left3A_408 = arith.shli %shift_right_arithmetic3A_406, %shift_left3A_407 : vector<16xi32>
      %and3A = arith.constant 127 : i32
      %and3A_409 = vector.broadcast %and3A : i32 to vector<16xi32>
      %and3A_410 = arith.andi %get3A_404, %and3A_409 : vector<16xi32>
      %add3A_411 = arith.addi %shift_left3A_408, %and3A_410 : vector<16xi32>
      %add3A_412 = arith.constant 16000000 : i32
      %add3A_413 = vector.broadcast %add3A_412 : i32 to vector<16xi32>
      %add3A_414 = arith.addi %add3A_411, %add3A_413 : vector<16xi32>
      %shift_right_arithmetic3A_415 = arith.constant 3 : i32
      %shift_right_arithmetic3A_416 = arith.shrsi %scan3A_400, %shift_right_arithmetic3A_415 : i32
      %mul3A_417 = arith.constant 1024 : i32
      %mul3A_418 = arith.muli %shift_right_arithmetic3A_416, %mul3A_417 : i32
      %and3A_419 = arith.constant 7 : i32
      %and3A_420 = arith.andi %scan3A_400, %and3A_419 : i32
      %mul3A_421 = arith.constant 16 : i32
      %mul3A_422 = arith.muli %and3A_420, %mul3A_421 : i32
      %add3A_423 = arith.addi %mul3A_418, %mul3A_422 : i32
      %add3A_424 = arith.constant 0 : i32
      %add3A_425 = vector.broadcast %add3A_424 : i32 to vector<16xi32>
      %add3A_426 = arith.addi %add3A_414, %add3A_425 : vector<16xi32>
      %add3A_427 = arith.constant 0 : i32
      %add3A_428 = arith.addi %add3A_423, %add3A_427 : i32
      %swap3A = arith.index_cast %add3A_428 : i32 to index
      %swap3A_429 = tpu.vector_load %arg18[%swap3A] {strides = array<i32>} : memref<4096xi32, #tpu.memory_space<vmem>>, vector<16xi32>,
      %swap3A_430 = vector.shape_cast %swap3A_429 : vector<16xi32> to vector<16xi32>
      %swap3A_431 = vector.shape_cast %add3A_426 : vector<16xi32> to vector<16xi32>
      tpu.vector_store %arg18[%swap3A], %swap3A_431 {strides = array<i32>} : memref<4096xi32, #tpu.memory_space<vmem>>, vector<16xi32>,
      %add3A_432 = arith.constant 128 : i32
      %add3A_433 = vector.broadcast %add3A_432 : i32 to vector<16xi32>
      %add3A_434 = arith.addi %add3A_414, %add3A_433 : vector<16xi32>
      %add3A_435 = arith.constant 128 : i32
      %add3A_436 = arith.addi %add3A_423, %add3A_435 : i32
      %swap3A_437 = arith.index_cast %add3A_436 : i32 to index
      %swap3A_438 = tpu.vector_load %arg18[%swap3A_437] {strides = array<i32>} : memref<4096xi32, #tpu.memory_space<vmem>>, vector<16xi32>,
      %swap3A_439 = vector.shape_cast %swap3A_438 : vector<16xi32> to vector<16xi32>
      %swap3A_440 = vector.shape_cast %add3A_434 : vector<16xi32> to vector<16xi32>
      tpu.vector_store %arg18[%swap3A_437], %swap3A_440 {strides = array<i32>} : memref<4096xi32, #tpu.memory_space<vmem>>, vector<16xi32>,
      %add3A_441 = arith.constant 256 : i32
      %add3A_442 = vector.broadcast %add3A_441 : i32 to vector<16xi32>
      %add3A_443 = arith.addi %add3A_414, %add3A_442 : vector<16xi32>
      %add3A_444 = arith.constant 256 : i32
      %add3A_445 = arith.addi %add3A_423, %add3A_444 : i32
      %swap3A_446 = arith.index_cast %add3A_445 : i32 to index
      %swap3A_447 = tpu.vector_load %arg18[%swap3A_446] {strides = array<i32>} : memref<4096xi32, #tpu.memory_space<vmem>>, vector<16xi32>,
      %swap3A_448 = vector.shape_cast %swap3A_447 : vector<16xi32> to vector<16xi32>
      %swap3A_449 = vector.shape_cast %add3A_443 : vector<16xi32> to vector<16xi32>
      tpu.vector_store %arg18[%swap3A_446], %swap3A_449 {strides = array<i32>} : memref<4096xi32, #tpu.memory_space<vmem>>, vector<16xi32>,
      %add3A_450 = arith.constant 384 : i32
      %add3A_451 = vector.broadcast %add3A_450 : i32 to vector<16xi32>
      %add3A_452 = arith.addi %add3A_414, %add3A_451 : vector<16xi32>
      %add3A_453 = arith.constant 384 : i32
      %add3A_454 = arith.addi %add3A_423, %add3A_453 : i32
      %swap3A_455 = arith.index_cast %add3A_454 : i32 to index
      %swap3A_456 = tpu.vector_load %arg18[%swap3A_455] {strides = array<i32>} : memref<4096xi32, #tpu.memory_space<vmem>>, vector<16xi32>,
      %swap3A_457 = vector.shape_cast %swap3A_456 : vector<16xi32> to vector<16xi32>
      %swap3A_458 = vector.shape_cast %add3A_452 : vector<16xi32> to vector<16xi32>
      tpu.vector_store %arg18[%swap3A_455], %swap3A_458 {strides = array<i32>} : memref<4096xi32, #tpu.memory_space<vmem>>, vector<16xi32>,
      %add3A_459 = arith.constant 512 : i32
      %add3A_460 = vector.broadcast %add3A_459 : i32 to vector<16xi32>
      %add3A_461 = arith.addi %add3A_414, %add3A_460 : vector<16xi32>
      %add3A_462 = arith.constant 512 : i32
      %add3A_463 = arith.addi %add3A_423, %add3A_462 : i32
      %swap3A_464 = arith.index_cast %add3A_463 : i32 to index
      %swap3A_465 = tpu.vector_load %arg18[%swap3A_464] {strides = array<i32>} : memref<4096xi32, #tpu.memory_space<vmem>>, vector<16xi32>,
      %swap3A_466 = vector.shape_cast %swap3A_465 : vector<16xi32> to vector<16xi32>
      %swap3A_467 = vector.shape_cast %add3A_461 : vector<16xi32> to vector<16xi32>
      tpu.vector_store %arg18[%swap3A_464], %swap3A_467 {strides = array<i32>} : memref<4096xi32, #tpu.memory_space<vmem>>, vector<16xi32>,
      %add3A_468 = arith.constant 640 : i32
      %add3A_469 = vector.broadcast %add3A_468 : i32 to vector<16xi32>
      %add3A_470 = arith.addi %add3A_414, %add3A_469 : vector<16xi32>
      %add3A_471 = arith.constant 640 : i32
      %add3A_472 = arith.addi %add3A_423, %add3A_471 : i32
      %swap3A_473 = arith.index_cast %add3A_472 : i32 to index
      %swap3A_474 = tpu.vector_load %arg18[%swap3A_473] {strides = array<i32>} : memref<4096xi32, #tpu.memory_space<vmem>>, vector<16xi32>,
      %swap3A_475 = vector.shape_cast %swap3A_474 : vector<16xi32> to vector<16xi32>
      %swap3A_476 = vector.shape_cast %add3A_470 : vector<16xi32> to vector<16xi32>
      tpu.vector_store %arg18[%swap3A_473], %swap3A_476 {strides = array<i32>} : memref<4096xi32, #tpu.memory_space<vmem>>, vector<16xi32>,
      %add3A_477 = arith.constant 768 : i32
      %add3A_478 = vector.broadcast %add3A_477 : i32 to vector<16xi32>
      %add3A_479 = arith.addi %add3A_414, %add3A_478 : vector<16xi32>
      %add3A_480 = arith.constant 768 : i32
      %add3A_481 = arith.addi %add3A_423, %add3A_480 : i32
      %swap3A_482 = arith.index_cast %add3A_481 : i32 to index
      %swap3A_483 = tpu.vector_load %arg18[%swap3A_482] {strides = array<i32>} : memref<4096xi32, #tpu.memory_space<vmem>>, vector<16xi32>,
      %swap3A_484 = vector.shape_cast %swap3A_483 : vector<16xi32> to vector<16xi32>
      %swap3A_485 = vector.shape_cast %add3A_479 : vector<16xi32> to vector<16xi32>
      tpu.vector_store %arg18[%swap3A_482], %swap3A_485 {strides = array<i32>} : memref<4096xi32, #tpu.memory_space<vmem>>, vector<16xi32>,
      %add3A_486 = arith.constant 896 : i32
      %add3A_487 = vector.broadcast %add3A_486 : i32 to vector<16xi32>
      %add3A_488 = arith.addi %add3A_414, %add3A_487 : vector<16xi32>
      %add3A_489 = arith.constant 896 : i32
      %add3A_490 = arith.addi %add3A_423, %add3A_489 : i32
      %swap3A_491 = arith.index_cast %add3A_490 : i32 to index
      %swap3A_492 = tpu.vector_load %arg18[%swap3A_491] {strides = array<i32>} : memref<4096xi32, #tpu.memory_space<vmem>>, vector<16xi32>,
      %swap3A_493 = vector.shape_cast %swap3A_492 : vector<16xi32> to vector<16xi32>
      %swap3A_494 = vector.shape_cast %add3A_488 : vector<16xi32> to vector<16xi32>
      tpu.vector_store %arg18[%swap3A_491], %swap3A_494 {strides = array<i32>} : memref<4096xi32, #tpu.memory_space<vmem>>, vector<16xi32>,
    }
    %scan3A_65 = arith.constant 32 : i32
    %dma_start3A_66 = arith.constant 4096 : i32
    %dma_start3A_67 = tpu.memref_slice %arg26[%dma_start3A_66] : memref<16384xf32, #tpu.memory_space<vmem>> -> memref<4096xf32, #tpu.memory_space<vmem>>
    %dma_start3A_68 = arith.constant 0 : i32
    %dma_start3A_69 = tpu.memref_slice %arg2[%dma_start3A_68] : memref<64000000xf32, #tpu.memory_space<hbm>> -> memref<64000000xf32, #tpu.memory_space<hbm>>
    tpu.enqueue_indirect_dma source(%dma_start3A_69 : memref<64000000xf32, #tpu.memory_space<hbm>>) target(%dma_start3A_67 : memref<4096xf32, #tpu.memory_space<vmem>>) offsets(%arg18 : memref<4096xi32, #tpu.memory_space<vmem>>) semaphore(%arg34 : memref<!tpu.dma_semaphore, #tpu.memory_space<semaphore_mem>>)
    %scan3A_70 = arith.constant 0 : i32
    %scan3A_71 = arith.constant 0 : i32
    %scan3A_72 = arith.constant 32 : i32
    %scan3A_73 = arith.addi %scan3A_71, %scan3A_72 : i32
    %scan3A_74 = arith.constant 1 : i32
    scf.for %scan3A_400 = %scan3A_71 to %scan3A_73 step %scan3A_74  : i32 {
      %mul3A_401 = arith.constant 16 : i32
      %mul3A_402 = arith.muli %scan3A_400, %mul3A_401 : i32
      %get3A = arith.index_cast %mul3A_402 : i32 to index
      %get3A_403 = tpu.vector_load %arg11[%get3A] {strides = array<i32>} : memref<512xi32, #tpu.memory_space<vmem>>, vector<16xi32>,
      %get3A_404 = vector.shape_cast %get3A_403 : vector<16xi32> to vector<16xi32>
      %shift_right_arithmetic3A = arith.constant 7 : i32
      %shift_right_arithmetic3A_405 = vector.broadcast %shift_right_arithmetic3A : i32 to vector<16xi32>
      %shift_right_arithmetic3A_406 = arith.shrsi %get3A_404, %shift_right_arithmetic3A_405 : vector<16xi32>
      %shift_left3A = arith.constant 10 : i32
      %shift_left3A_407 = vector.broadcast %shift_left3A : i32 to vector<16xi32>
      %shift_left3A_408 = arith.shli %shift_right_arithmetic3A_406, %shift_left3A_407 : vector<16xi32>
      %and3A = arith.constant 127 : i32
      %and3A_409 = vector.broadcast %and3A : i32 to vector<16xi32>
      %and3A_410 = arith.andi %get3A_404, %and3A_409 : vector<16xi32>
      %add3A_411 = arith.addi %shift_left3A_408, %and3A_410 : vector<16xi32>
      %add3A_412 = arith.constant 32000000 : i32
      %add3A_413 = vector.broadcast %add3A_412 : i32 to vector<16xi32>
      %add3A_414 = arith.addi %add3A_411, %add3A_413 : vector<16xi32>
      %shift_right_arithmetic3A_415 = arith.constant 3 : i32
      %shift_right_arithmetic3A_416 = arith.shrsi %scan3A_400, %shift_right_arithmetic3A_415 : i32
      %mul3A_417 = arith.constant 1024 : i32
      %mul3A_418 = arith.muli %shift_right_arithmetic3A_416, %mul3A_417 : i32
      %and3A_419 = arith.constant 7 : i32
      %and3A_420 = arith.andi %scan3A_400, %and3A_419 : i32
      %mul3A_421 = arith.constant 16 : i32
      %mul3A_422 = arith.muli %and3A_420, %mul3A_421 : i32
      %add3A_423 = arith.addi %mul3A_418, %mul3A_422 : i32
      %add3A_424 = arith.constant 0 : i32
      %add3A_425 = vector.broadcast %add3A_424 : i32 to vector<16xi32>
      %add3A_426 = arith.addi %add3A_414, %add3A_425 : vector<16xi32>
      %add3A_427 = arith.constant 0 : i32
      %add3A_428 = arith.addi %add3A_423, %add3A_427 : i32
      %swap3A = arith.index_cast %add3A_428 : i32 to index
      %swap3A_429 = tpu.vector_load %arg19[%swap3A] {strides = array<i32>} : memref<4096xi32, #tpu.memory_space<vmem>>, vector<16xi32>,
      %swap3A_430 = vector.shape_cast %swap3A_429 : vector<16xi32> to vector<16xi32>
      %swap3A_431 = vector.shape_cast %add3A_426 : vector<16xi32> to vector<16xi32>
      tpu.vector_store %arg19[%swap3A], %swap3A_431 {strides = array<i32>} : memref<4096xi32, #tpu.memory_space<vmem>>, vector<16xi32>,
      %add3A_432 = arith.constant 128 : i32
      %add3A_433 = vector.broadcast %add3A_432 : i32 to vector<16xi32>
      %add3A_434 = arith.addi %add3A_414, %add3A_433 : vector<16xi32>
      %add3A_435 = arith.constant 128 : i32
      %add3A_436 = arith.addi %add3A_423, %add3A_435 : i32
      %swap3A_437 = arith.index_cast %add3A_436 : i32 to index
      %swap3A_438 = tpu.vector_load %arg19[%swap3A_437] {strides = array<i32>} : memref<4096xi32, #tpu.memory_space<vmem>>, vector<16xi32>,
      %swap3A_439 = vector.shape_cast %swap3A_438 : vector<16xi32> to vector<16xi32>
      %swap3A_440 = vector.shape_cast %add3A_434 : vector<16xi32> to vector<16xi32>
      tpu.vector_store %arg19[%swap3A_437], %swap3A_440 {strides = array<i32>} : memref<4096xi32, #tpu.memory_space<vmem>>, vector<16xi32>,
      %add3A_441 = arith.constant 256 : i32
      %add3A_442 = vector.broadcast %add3A_441 : i32 to vector<16xi32>
      %add3A_443 = arith.addi %add3A_414, %add3A_442 : vector<16xi32>
      %add3A_444 = arith.constant 256 : i32
      %add3A_445 = arith.addi %add3A_423, %add3A_444 : i32
      %swap3A_446 = arith.index_cast %add3A_445 : i32 to index
      %swap3A_447 = tpu.vector_load %arg19[%swap3A_446] {strides = array<i32>} : memref<4096xi32, #tpu.memory_space<vmem>>, vector<16xi32>,
      %swap3A_448 = vector.shape_cast %swap3A_447 : vector<16xi32> to vector<16xi32>
      %swap3A_449 = vector.shape_cast %add3A_443 : vector<16xi32> to vector<16xi32>
      tpu.vector_store %arg19[%swap3A_446], %swap3A_449 {strides = array<i32>} : memref<4096xi32, #tpu.memory_space<vmem>>, vector<16xi32>,
      %add3A_450 = arith.constant 384 : i32
      %add3A_451 = vector.broadcast %add3A_450 : i32 to vector<16xi32>
      %add3A_452 = arith.addi %add3A_414, %add3A_451 : vector<16xi32>
      %add3A_453 = arith.constant 384 : i32
      %add3A_454 = arith.addi %add3A_423, %add3A_453 : i32
      %swap3A_455 = arith.index_cast %add3A_454 : i32 to index
      %swap3A_456 = tpu.vector_load %arg19[%swap3A_455] {strides = array<i32>} : memref<4096xi32, #tpu.memory_space<vmem>>, vector<16xi32>,
      %swap3A_457 = vector.shape_cast %swap3A_456 : vector<16xi32> to vector<16xi32>
      %swap3A_458 = vector.shape_cast %add3A_452 : vector<16xi32> to vector<16xi32>
      tpu.vector_store %arg19[%swap3A_455], %swap3A_458 {strides = array<i32>} : memref<4096xi32, #tpu.memory_space<vmem>>, vector<16xi32>,
      %add3A_459 = arith.constant 512 : i32
      %add3A_460 = vector.broadcast %add3A_459 : i32 to vector<16xi32>
      %add3A_461 = arith.addi %add3A_414, %add3A_460 : vector<16xi32>
      %add3A_462 = arith.constant 512 : i32
      %add3A_463 = arith.addi %add3A_423, %add3A_462 : i32
      %swap3A_464 = arith.index_cast %add3A_463 : i32 to index
      %swap3A_465 = tpu.vector_load %arg19[%swap3A_464] {strides = array<i32>} : memref<4096xi32, #tpu.memory_space<vmem>>, vector<16xi32>,
      %swap3A_466 = vector.shape_cast %swap3A_465 : vector<16xi32> to vector<16xi32>
      %swap3A_467 = vector.shape_cast %add3A_461 : vector<16xi32> to vector<16xi32>
      tpu.vector_store %arg19[%swap3A_464], %swap3A_467 {strides = array<i32>} : memref<4096xi32, #tpu.memory_space<vmem>>, vector<16xi32>,
      %add3A_468 = arith.constant 640 : i32
      %add3A_469 = vector.broadcast %add3A_468 : i32 to vector<16xi32>
      %add3A_470 = arith.addi %add3A_414, %add3A_469 : vector<16xi32>
      %add3A_471 = arith.constant 640 : i32
      %add3A_472 = arith.addi %add3A_423, %add3A_471 : i32
      %swap3A_473 = arith.index_cast %add3A_472 : i32 to index
      %swap3A_474 = tpu.vector_load %arg19[%swap3A_473] {strides = array<i32>} : memref<4096xi32, #tpu.memory_space<vmem>>, vector<16xi32>,
      %swap3A_475 = vector.shape_cast %swap3A_474 : vector<16xi32> to vector<16xi32>
      %swap3A_476 = vector.shape_cast %add3A_470 : vector<16xi32> to vector<16xi32>
      tpu.vector_store %arg19[%swap3A_473], %swap3A_476 {strides = array<i32>} : memref<4096xi32, #tpu.memory_space<vmem>>, vector<16xi32>,
      %add3A_477 = arith.constant 768 : i32
      %add3A_478 = vector.broadcast %add3A_477 : i32 to vector<16xi32>
      %add3A_479 = arith.addi %add3A_414, %add3A_478 : vector<16xi32>
      %add3A_480 = arith.constant 768 : i32
      %add3A_481 = arith.addi %add3A_423, %add3A_480 : i32
      %swap3A_482 = arith.index_cast %add3A_481 : i32 to index
      %swap3A_483 = tpu.vector_load %arg19[%swap3A_482] {strides = array<i32>} : memref<4096xi32, #tpu.memory_space<vmem>>, vector<16xi32>,
      %swap3A_484 = vector.shape_cast %swap3A_483 : vector<16xi32> to vector<16xi32>
      %swap3A_485 = vector.shape_cast %add3A_479 : vector<16xi32> to vector<16xi32>
      tpu.vector_store %arg19[%swap3A_482], %swap3A_485 {strides = array<i32>} : memref<4096xi32, #tpu.memory_space<vmem>>, vector<16xi32>,
      %add3A_486 = arith.constant 896 : i32
      %add3A_487 = vector.broadcast %add3A_486 : i32 to vector<16xi32>
      %add3A_488 = arith.addi %add3A_414, %add3A_487 : vector<16xi32>
      %add3A_489 = arith.constant 896 : i32
      %add3A_490 = arith.addi %add3A_423, %add3A_489 : i32
      %swap3A_491 = arith.index_cast %add3A_490 : i32 to index
      %swap3A_492 = tpu.vector_load %arg19[%swap3A_491] {strides = array<i32>} : memref<4096xi32, #tpu.memory_space<vmem>>, vector<16xi32>,
      %swap3A_493 = vector.shape_cast %swap3A_492 : vector<16xi32> to vector<16xi32>
      %swap3A_494 = vector.shape_cast %add3A_488 : vector<16xi32> to vector<16xi32>
      tpu.vector_store %arg19[%swap3A_491], %swap3A_494 {strides = array<i32>} : memref<4096xi32, #tpu.memory_space<vmem>>, vector<16xi32>,
    }
    %scan3A_75 = arith.constant 32 : i32
    %dma_start3A_76 = arith.constant 8192 : i32
    %dma_start3A_77 = tpu.memref_slice %arg26[%dma_start3A_76] : memref<16384xf32, #tpu.memory_space<vmem>> -> memref<4096xf32, #tpu.memory_space<vmem>>
    %dma_start3A_78 = arith.constant 0 : i32
    %dma_start3A_79 = tpu.memref_slice %arg2[%dma_start3A_78] : memref<64000000xf32, #tpu.memory_space<hbm>> -> memref<64000000xf32, #tpu.memory_space<hbm>>
    tpu.enqueue_indirect_dma source(%dma_start3A_79 : memref<64000000xf32, #tpu.memory_space<hbm>>) target(%dma_start3A_77 : memref<4096xf32, #tpu.memory_space<vmem>>) offsets(%arg19 : memref<4096xi32, #tpu.memory_space<vmem>>) semaphore(%arg35 : memref<!tpu.dma_semaphore, #tpu.memory_space<semaphore_mem>>)
    %scan3A_80 = arith.constant 0 : i32
    %scan3A_81 = arith.constant 0 : i32
    %scan3A_82 = arith.constant 32 : i32
    %scan3A_83 = arith.addi %scan3A_81, %scan3A_82 : i32
    %scan3A_84 = arith.constant 1 : i32
    scf.for %scan3A_400 = %scan3A_81 to %scan3A_83 step %scan3A_84  : i32 {
      %mul3A_401 = arith.constant 16 : i32
      %mul3A_402 = arith.muli %scan3A_400, %mul3A_401 : i32
      %get3A = arith.index_cast %mul3A_402 : i32 to index
      %get3A_403 = tpu.vector_load %arg11[%get3A] {strides = array<i32>} : memref<512xi32, #tpu.memory_space<vmem>>, vector<16xi32>,
      %get3A_404 = vector.shape_cast %get3A_403 : vector<16xi32> to vector<16xi32>
      %shift_right_arithmetic3A = arith.constant 7 : i32
      %shift_right_arithmetic3A_405 = vector.broadcast %shift_right_arithmetic3A : i32 to vector<16xi32>
      %shift_right_arithmetic3A_406 = arith.shrsi %get3A_404, %shift_right_arithmetic3A_405 : vector<16xi32>
      %shift_left3A = arith.constant 10 : i32
      %shift_left3A_407 = vector.broadcast %shift_left3A : i32 to vector<16xi32>
      %shift_left3A_408 = arith.shli %shift_right_arithmetic3A_406, %shift_left3A_407 : vector<16xi32>
      %and3A = arith.constant 127 : i32
      %and3A_409 = vector.broadcast %and3A : i32 to vector<16xi32>
      %and3A_410 = arith.andi %get3A_404, %and3A_409 : vector<16xi32>
      %add3A_411 = arith.addi %shift_left3A_408, %and3A_410 : vector<16xi32>
      %add3A_412 = arith.constant 48000000 : i32
      %add3A_413 = vector.broadcast %add3A_412 : i32 to vector<16xi32>
      %add3A_414 = arith.addi %add3A_411, %add3A_413 : vector<16xi32>
      %shift_right_arithmetic3A_415 = arith.constant 3 : i32
      %shift_right_arithmetic3A_416 = arith.shrsi %scan3A_400, %shift_right_arithmetic3A_415 : i32
      %mul3A_417 = arith.constant 1024 : i32
      %mul3A_418 = arith.muli %shift_right_arithmetic3A_416, %mul3A_417 : i32
      %and3A_419 = arith.constant 7 : i32
      %and3A_420 = arith.andi %scan3A_400, %and3A_419 : i32
      %mul3A_421 = arith.constant 16 : i32
      %mul3A_422 = arith.muli %and3A_420, %mul3A_421 : i32
      %add3A_423 = arith.addi %mul3A_418, %mul3A_422 : i32
      %add3A_424 = arith.constant 0 : i32
      %add3A_425 = vector.broadcast %add3A_424 : i32 to vector<16xi32>
      %add3A_426 = arith.addi %add3A_414, %add3A_425 : vector<16xi32>
      %add3A_427 = arith.constant 0 : i32
      %add3A_428 = arith.addi %add3A_423, %add3A_427 : i32
      %swap3A = arith.index_cast %add3A_428 : i32 to index
      %swap3A_429 = tpu.vector_load %arg20[%swap3A] {strides = array<i32>} : memref<4096xi32, #tpu.memory_space<vmem>>, vector<16xi32>,
      %swap3A_430 = vector.shape_cast %swap3A_429 : vector<16xi32> to vector<16xi32>
      %swap3A_431 = vector.shape_cast %add3A_426 : vector<16xi32> to vector<16xi32>
      tpu.vector_store %arg20[%swap3A], %swap3A_431 {strides = array<i32>} : memref<4096xi32, #tpu.memory_space<vmem>>, vector<16xi32>,
      %add3A_432 = arith.constant 128 : i32
      %add3A_433 = vector.broadcast %add3A_432 : i32 to vector<16xi32>
      %add3A_434 = arith.addi %add3A_414, %add3A_433 : vector<16xi32>
      %add3A_435 = arith.constant 128 : i32
      %add3A_436 = arith.addi %add3A_423, %add3A_435 : i32
      %swap3A_437 = arith.index_cast %add3A_436 : i32 to index
      %swap3A_438 = tpu.vector_load %arg20[%swap3A_437] {strides = array<i32>} : memref<4096xi32, #tpu.memory_space<vmem>>, vector<16xi32>,
      %swap3A_439 = vector.shape_cast %swap3A_438 : vector<16xi32> to vector<16xi32>
      %swap3A_440 = vector.shape_cast %add3A_434 : vector<16xi32> to vector<16xi32>
      tpu.vector_store %arg20[%swap3A_437], %swap3A_440 {strides = array<i32>} : memref<4096xi32, #tpu.memory_space<vmem>>, vector<16xi32>,
      %add3A_441 = arith.constant 256 : i32
      %add3A_442 = vector.broadcast %add3A_441 : i32 to vector<16xi32>
      %add3A_443 = arith.addi %add3A_414, %add3A_442 : vector<16xi32>
      %add3A_444 = arith.constant 256 : i32
      %add3A_445 = arith.addi %add3A_423, %add3A_444 : i32
      %swap3A_446 = arith.index_cast %add3A_445 : i32 to index
      %swap3A_447 = tpu.vector_load %arg20[%swap3A_446] {strides = array<i32>} : memref<4096xi32, #tpu.memory_space<vmem>>, vector<16xi32>,
      %swap3A_448 = vector.shape_cast %swap3A_447 : vector<16xi32> to vector<16xi32>
      %swap3A_449 = vector.shape_cast %add3A_443 : vector<16xi32> to vector<16xi32>
      tpu.vector_store %arg20[%swap3A_446], %swap3A_449 {strides = array<i32>} : memref<4096xi32, #tpu.memory_space<vmem>>, vector<16xi32>,
      %add3A_450 = arith.constant 384 : i32
      %add3A_451 = vector.broadcast %add3A_450 : i32 to vector<16xi32>
      %add3A_452 = arith.addi %add3A_414, %add3A_451 : vector<16xi32>
      %add3A_453 = arith.constant 384 : i32
      %add3A_454 = arith.addi %add3A_423, %add3A_453 : i32
      %swap3A_455 = arith.index_cast %add3A_454 : i32 to index
      %swap3A_456 = tpu.vector_load %arg20[%swap3A_455] {strides = array<i32>} : memref<4096xi32, #tpu.memory_space<vmem>>, vector<16xi32>,
      %swap3A_457 = vector.shape_cast %swap3A_456 : vector<16xi32> to vector<16xi32>
      %swap3A_458 = vector.shape_cast %add3A_452 : vector<16xi32> to vector<16xi32>
      tpu.vector_store %arg20[%swap3A_455], %swap3A_458 {strides = array<i32>} : memref<4096xi32, #tpu.memory_space<vmem>>, vector<16xi32>,
      %add3A_459 = arith.constant 512 : i32
      %add3A_460 = vector.broadcast %add3A_459 : i32 to vector<16xi32>
      %add3A_461 = arith.addi %add3A_414, %add3A_460 : vector<16xi32>
      %add3A_462 = arith.constant 512 : i32
      %add3A_463 = arith.addi %add3A_423, %add3A_462 : i32
      %swap3A_464 = arith.index_cast %add3A_463 : i32 to index
      %swap3A_465 = tpu.vector_load %arg20[%swap3A_464] {strides = array<i32>} : memref<4096xi32, #tpu.memory_space<vmem>>, vector<16xi32>,
      %swap3A_466 = vector.shape_cast %swap3A_465 : vector<16xi32> to vector<16xi32>
      %swap3A_467 = vector.shape_cast %add3A_461 : vector<16xi32> to vector<16xi32>
      tpu.vector_store %arg20[%swap3A_464], %swap3A_467 {strides = array<i32>} : memref<4096xi32, #tpu.memory_space<vmem>>, vector<16xi32>,
      %add3A_468 = arith.constant 640 : i32
      %add3A_469 = vector.broadcast %add3A_468 : i32 to vector<16xi32>
      %add3A_470 = arith.addi %add3A_414, %add3A_469 : vector<16xi32>
      %add3A_471 = arith.constant 640 : i32
      %add3A_472 = arith.addi %add3A_423, %add3A_471 : i32
      %swap3A_473 = arith.index_cast %add3A_472 : i32 to index
      %swap3A_474 = tpu.vector_load %arg20[%swap3A_473] {strides = array<i32>} : memref<4096xi32, #tpu.memory_space<vmem>>, vector<16xi32>,
      %swap3A_475 = vector.shape_cast %swap3A_474 : vector<16xi32> to vector<16xi32>
      %swap3A_476 = vector.shape_cast %add3A_470 : vector<16xi32> to vector<16xi32>
      tpu.vector_store %arg20[%swap3A_473], %swap3A_476 {strides = array<i32>} : memref<4096xi32, #tpu.memory_space<vmem>>, vector<16xi32>,
      %add3A_477 = arith.constant 768 : i32
      %add3A_478 = vector.broadcast %add3A_477 : i32 to vector<16xi32>
      %add3A_479 = arith.addi %add3A_414, %add3A_478 : vector<16xi32>
      %add3A_480 = arith.constant 768 : i32
      %add3A_481 = arith.addi %add3A_423, %add3A_480 : i32
      %swap3A_482 = arith.index_cast %add3A_481 : i32 to index
      %swap3A_483 = tpu.vector_load %arg20[%swap3A_482] {strides = array<i32>} : memref<4096xi32, #tpu.memory_space<vmem>>, vector<16xi32>,
      %swap3A_484 = vector.shape_cast %swap3A_483 : vector<16xi32> to vector<16xi32>
      %swap3A_485 = vector.shape_cast %add3A_479 : vector<16xi32> to vector<16xi32>
      tpu.vector_store %arg20[%swap3A_482], %swap3A_485 {strides = array<i32>} : memref<4096xi32, #tpu.memory_space<vmem>>, vector<16xi32>,
      %add3A_486 = arith.constant 896 : i32
      %add3A_487 = vector.broadcast %add3A_486 : i32 to vector<16xi32>
      %add3A_488 = arith.addi %add3A_414, %add3A_487 : vector<16xi32>
      %add3A_489 = arith.constant 896 : i32
      %add3A_490 = arith.addi %add3A_423, %add3A_489 : i32
      %swap3A_491 = arith.index_cast %add3A_490 : i32 to index
      %swap3A_492 = tpu.vector_load %arg20[%swap3A_491] {strides = array<i32>} : memref<4096xi32, #tpu.memory_space<vmem>>, vector<16xi32>,
      %swap3A_493 = vector.shape_cast %swap3A_492 : vector<16xi32> to vector<16xi32>
      %swap3A_494 = vector.shape_cast %add3A_488 : vector<16xi32> to vector<16xi32>
      tpu.vector_store %arg20[%swap3A_491], %swap3A_494 {strides = array<i32>} : memref<4096xi32, #tpu.memory_space<vmem>>, vector<16xi32>,
    }
    %scan3A_85 = arith.constant 32 : i32
    %dma_start3A_86 = arith.constant 12288 : i32
    %dma_start3A_87 = tpu.memref_slice %arg26[%dma_start3A_86] : memref<16384xf32, #tpu.memory_space<vmem>> -> memref<4096xf32, #tpu.memory_space<vmem>>
    %dma_start3A_88 = arith.constant 0 : i32
    %dma_start3A_89 = tpu.memref_slice %arg2[%dma_start3A_88] : memref<64000000xf32, #tpu.memory_space<hbm>> -> memref<64000000xf32, #tpu.memory_space<hbm>>
    tpu.enqueue_indirect_dma source(%dma_start3A_89 : memref<64000000xf32, #tpu.memory_space<hbm>>) target(%dma_start3A_87 : memref<4096xf32, #tpu.memory_space<vmem>>) offsets(%arg20 : memref<4096xi32, #tpu.memory_space<vmem>>) semaphore(%arg36 : memref<!tpu.dma_semaphore, #tpu.memory_space<semaphore_mem>>)
    %dma_wait3A_90 = tpu.memref_slice %arg5[%mul3A_2] : memref<16384xi32, #tpu.memory_space<hbm>> -> memref<512xi32, #tpu.memory_space<hbm>>
    %dma_wait3A_91 = tpu.memref_slice %arg5[%mul3A_2] : memref<16384xi32, #tpu.memory_space<hbm>> -> memref<512xi32, #tpu.memory_space<hbm>>
    tpu.wait_dma2 semaphore(%arg37 : memref<!tpu.dma_semaphore, #tpu.memory_space<semaphore_mem>>) src(%dma_wait3A_91 : memref<512xi32, #tpu.memory_space<hbm>>) dst(%arg12 : memref<512xi32, #tpu.memory_space<vmem>>)
    %scan3A_92 = arith.constant 0 : i32
    %scan3A_93 = arith.constant 0 : i32
    %scan3A_94 = arith.constant 32 : i32
    %scan3A_95 = arith.addi %scan3A_93, %scan3A_94 : i32
    %scan3A_96 = arith.constant 1 : i32
    scf.for %scan3A_400 = %scan3A_93 to %scan3A_95 step %scan3A_96  : i32 {
      %mul3A_401 = arith.constant 16 : i32
      %mul3A_402 = arith.muli %scan3A_400, %mul3A_401 : i32
      %get3A = arith.index_cast %mul3A_402 : i32 to index
      %get3A_403 = tpu.vector_load %arg12[%get3A] {strides = array<i32>} : memref<512xi32, #tpu.memory_space<vmem>>, vector<16xi32>,
      %get3A_404 = vector.shape_cast %get3A_403 : vector<16xi32> to vector<16xi32>
      %shift_right_arithmetic3A = arith.constant 7 : i32
      %shift_right_arithmetic3A_405 = vector.broadcast %shift_right_arithmetic3A : i32 to vector<16xi32>
      %shift_right_arithmetic3A_406 = arith.shrsi %get3A_404, %shift_right_arithmetic3A_405 : vector<16xi32>
      %shift_left3A = arith.constant 10 : i32
      %shift_left3A_407 = vector.broadcast %shift_left3A : i32 to vector<16xi32>
      %shift_left3A_408 = arith.shli %shift_right_arithmetic3A_406, %shift_left3A_407 : vector<16xi32>
      %and3A = arith.constant 127 : i32
      %and3A_409 = vector.broadcast %and3A : i32 to vector<16xi32>
      %and3A_410 = arith.andi %get3A_404, %and3A_409 : vector<16xi32>
      %add3A_411 = arith.addi %shift_left3A_408, %and3A_410 : vector<16xi32>
      %add3A_412 = arith.constant 0 : i32
      %add3A_413 = vector.broadcast %add3A_412 : i32 to vector<16xi32>
      %add3A_414 = arith.addi %add3A_411, %add3A_413 : vector<16xi32>
      %shift_right_arithmetic3A_415 = arith.constant 3 : i32
      %shift_right_arithmetic3A_416 = arith.shrsi %scan3A_400, %shift_right_arithmetic3A_415 : i32
      %mul3A_417 = arith.constant 1024 : i32
      %mul3A_418 = arith.muli %shift_right_arithmetic3A_416, %mul3A_417 : i32
      %and3A_419 = arith.constant 7 : i32
      %and3A_420 = arith.andi %scan3A_400, %and3A_419 : i32
      %mul3A_421 = arith.constant 16 : i32
      %mul3A_422 = arith.muli %and3A_420, %mul3A_421 : i32
      %add3A_423 = arith.addi %mul3A_418, %mul3A_422 : i32
      %add3A_424 = arith.constant 0 : i32
      %add3A_425 = vector.broadcast %add3A_424 : i32 to vector<16xi32>
      %add3A_426 = arith.addi %add3A_414, %add3A_425 : vector<16xi32>
      %add3A_427 = arith.constant 0 : i32
      %add3A_428 = arith.addi %add3A_423, %add3A_427 : i32
      %swap3A = arith.index_cast %add3A_428 : i32 to index
      %swap3A_429 = tpu.vector_load %arg21[%swap3A] {strides = array<i32>} : memref<4096xi32, #tpu.memory_space<vmem>>, vector<16xi32>,
      %swap3A_430 = vector.shape_cast %swap3A_429 : vector<16xi32> to vector<16xi32>
      %swap3A_431 = vector.shape_cast %add3A_426 : vector<16xi32> to vector<16xi32>
      tpu.vector_store %arg21[%swap3A], %swap3A_431 {strides = array<i32>} : memref<4096xi32, #tpu.memory_space<vmem>>, vector<16xi32>,
      %add3A_432 = arith.constant 128 : i32
      %add3A_433 = vector.broadcast %add3A_432 : i32 to vector<16xi32>
      %add3A_434 = arith.addi %add3A_414, %add3A_433 : vector<16xi32>
      %add3A_435 = arith.constant 128 : i32
      %add3A_436 = arith.addi %add3A_423, %add3A_435 : i32
      %swap3A_437 = arith.index_cast %add3A_436 : i32 to index
      %swap3A_438 = tpu.vector_load %arg21[%swap3A_437] {strides = array<i32>} : memref<4096xi32, #tpu.memory_space<vmem>>, vector<16xi32>,
      %swap3A_439 = vector.shape_cast %swap3A_438 : vector<16xi32> to vector<16xi32>
      %swap3A_440 = vector.shape_cast %add3A_434 : vector<16xi32> to vector<16xi32>
      tpu.vector_store %arg21[%swap3A_437], %swap3A_440 {strides = array<i32>} : memref<4096xi32, #tpu.memory_space<vmem>>, vector<16xi32>,
      %add3A_441 = arith.constant 256 : i32
      %add3A_442 = vector.broadcast %add3A_441 : i32 to vector<16xi32>
      %add3A_443 = arith.addi %add3A_414, %add3A_442 : vector<16xi32>
      %add3A_444 = arith.constant 256 : i32
      %add3A_445 = arith.addi %add3A_423, %add3A_444 : i32
      %swap3A_446 = arith.index_cast %add3A_445 : i32 to index
      %swap3A_447 = tpu.vector_load %arg21[%swap3A_446] {strides = array<i32>} : memref<4096xi32, #tpu.memory_space<vmem>>, vector<16xi32>,
      %swap3A_448 = vector.shape_cast %swap3A_447 : vector<16xi32> to vector<16xi32>
      %swap3A_449 = vector.shape_cast %add3A_443 : vector<16xi32> to vector<16xi32>
      tpu.vector_store %arg21[%swap3A_446], %swap3A_449 {strides = array<i32>} : memref<4096xi32, #tpu.memory_space<vmem>>, vector<16xi32>,
      %add3A_450 = arith.constant 384 : i32
      %add3A_451 = vector.broadcast %add3A_450 : i32 to vector<16xi32>
      %add3A_452 = arith.addi %add3A_414, %add3A_451 : vector<16xi32>
      %add3A_453 = arith.constant 384 : i32
      %add3A_454 = arith.addi %add3A_423, %add3A_453 : i32
      %swap3A_455 = arith.index_cast %add3A_454 : i32 to index
      %swap3A_456 = tpu.vector_load %arg21[%swap3A_455] {strides = array<i32>} : memref<4096xi32, #tpu.memory_space<vmem>>, vector<16xi32>,
      %swap3A_457 = vector.shape_cast %swap3A_456 : vector<16xi32> to vector<16xi32>
      %swap3A_458 = vector.shape_cast %add3A_452 : vector<16xi32> to vector<16xi32>
      tpu.vector_store %arg21[%swap3A_455], %swap3A_458 {strides = array<i32>} : memref<4096xi32, #tpu.memory_space<vmem>>, vector<16xi32>,
      %add3A_459 = arith.constant 512 : i32
      %add3A_460 = vector.broadcast %add3A_459 : i32 to vector<16xi32>
      %add3A_461 = arith.addi %add3A_414, %add3A_460 : vector<16xi32>
      %add3A_462 = arith.constant 512 : i32
      %add3A_463 = arith.addi %add3A_423, %add3A_462 : i32
      %swap3A_464 = arith.index_cast %add3A_463 : i32 to index
      %swap3A_465 = tpu.vector_load %arg21[%swap3A_464] {strides = array<i32>} : memref<4096xi32, #tpu.memory_space<vmem>>, vector<16xi32>,
      %swap3A_466 = vector.shape_cast %swap3A_465 : vector<16xi32> to vector<16xi32>
      %swap3A_467 = vector.shape_cast %add3A_461 : vector<16xi32> to vector<16xi32>
      tpu.vector_store %arg21[%swap3A_464], %swap3A_467 {strides = array<i32>} : memref<4096xi32, #tpu.memory_space<vmem>>, vector<16xi32>,
      %add3A_468 = arith.constant 640 : i32
      %add3A_469 = vector.broadcast %add3A_468 : i32 to vector<16xi32>
      %add3A_470 = arith.addi %add3A_414, %add3A_469 : vector<16xi32>
      %add3A_471 = arith.constant 640 : i32
      %add3A_472 = arith.addi %add3A_423, %add3A_471 : i32
      %swap3A_473 = arith.index_cast %add3A_472 : i32 to index
      %swap3A_474 = tpu.vector_load %arg21[%swap3A_473] {strides = array<i32>} : memref<4096xi32, #tpu.memory_space<vmem>>, vector<16xi32>,
      %swap3A_475 = vector.shape_cast %swap3A_474 : vector<16xi32> to vector<16xi32>
      %swap3A_476 = vector.shape_cast %add3A_470 : vector<16xi32> to vector<16xi32>
      tpu.vector_store %arg21[%swap3A_473], %swap3A_476 {strides = array<i32>} : memref<4096xi32, #tpu.memory_space<vmem>>, vector<16xi32>,
      %add3A_477 = arith.constant 768 : i32
      %add3A_478 = vector.broadcast %add3A_477 : i32 to vector<16xi32>
      %add3A_479 = arith.addi %add3A_414, %add3A_478 : vector<16xi32>
      %add3A_480 = arith.constant 768 : i32
      %add3A_481 = arith.addi %add3A_423, %add3A_480 : i32
      %swap3A_482 = arith.index_cast %add3A_481 : i32 to index
      %swap3A_483 = tpu.vector_load %arg21[%swap3A_482] {strides = array<i32>} : memref<4096xi32, #tpu.memory_space<vmem>>, vector<16xi32>,
      %swap3A_484 = vector.shape_cast %swap3A_483 : vector<16xi32> to vector<16xi32>
      %swap3A_485 = vector.shape_cast %add3A_479 : vector<16xi32> to vector<16xi32>
      tpu.vector_store %arg21[%swap3A_482], %swap3A_485 {strides = array<i32>} : memref<4096xi32, #tpu.memory_space<vmem>>, vector<16xi32>,
      %add3A_486 = arith.constant 896 : i32
      %add3A_487 = vector.broadcast %add3A_486 : i32 to vector<16xi32>
      %add3A_488 = arith.addi %add3A_414, %add3A_487 : vector<16xi32>
      %add3A_489 = arith.constant 896 : i32
      %add3A_490 = arith.addi %add3A_423, %add3A_489 : i32
      %swap3A_491 = arith.index_cast %add3A_490 : i32 to index
      %swap3A_492 = tpu.vector_load %arg21[%swap3A_491] {strides = array<i32>} : memref<4096xi32, #tpu.memory_space<vmem>>, vector<16xi32>,
      %swap3A_493 = vector.shape_cast %swap3A_492 : vector<16xi32> to vector<16xi32>
      %swap3A_494 = vector.shape_cast %add3A_488 : vector<16xi32> to vector<16xi32>
      tpu.vector_store %arg21[%swap3A_491], %swap3A_494 {strides = array<i32>} : memref<4096xi32, #tpu.memory_space<vmem>>, vector<16xi32>,
    }
    %scan3A_97 = arith.constant 32 : i32
    %dma_start3A_98 = arith.constant 0 : i32
    %dma_start3A_99 = tpu.memref_slice %arg27[%dma_start3A_98] : memref<16384xf32, #tpu.memory_space<vmem>> -> memref<4096xf32, #tpu.memory_space<vmem>>
    %dma_start3A_100 = arith.constant 0 : i32
    %dma_start3A_101 = tpu.memref_slice %arg2[%dma_start3A_100] : memref<64000000xf32, #tpu.memory_space<hbm>> -> memref<64000000xf32, #tpu.memory_space<hbm>>
    tpu.enqueue_indirect_dma source(%dma_start3A_101 : memref<64000000xf32, #tpu.memory_space<hbm>>) target(%dma_start3A_99 : memref<4096xf32, #tpu.memory_space<vmem>>) offsets(%arg21 : memref<4096xi32, #tpu.memory_space<vmem>>) semaphore(%arg37 : memref<!tpu.dma_semaphore, #tpu.memory_space<semaphore_mem>>)
    %scan3A_102 = arith.constant 0 : i32
    %scan3A_103 = arith.constant 0 : i32
    %scan3A_104 = arith.constant 32 : i32
    %scan3A_105 = arith.addi %scan3A_103, %scan3A_104 : i32
    %scan3A_106 = arith.constant 1 : i32
    scf.for %scan3A_400 = %scan3A_103 to %scan3A_105 step %scan3A_106  : i32 {
      %mul3A_401 = arith.constant 16 : i32
      %mul3A_402 = arith.muli %scan3A_400, %mul3A_401 : i32
      %get3A = arith.index_cast %mul3A_402 : i32 to index
      %get3A_403 = tpu.vector_load %arg12[%get3A] {strides = array<i32>} : memref<512xi32, #tpu.memory_space<vmem>>, vector<16xi32>,
      %get3A_404 = vector.shape_cast %get3A_403 : vector<16xi32> to vector<16xi32>
      %shift_right_arithmetic3A = arith.constant 7 : i32
      %shift_right_arithmetic3A_405 = vector.broadcast %shift_right_arithmetic3A : i32 to vector<16xi32>
      %shift_right_arithmetic3A_406 = arith.shrsi %get3A_404, %shift_right_arithmetic3A_405 : vector<16xi32>
      %shift_left3A = arith.constant 10 : i32
      %shift_left3A_407 = vector.broadcast %shift_left3A : i32 to vector<16xi32>
      %shift_left3A_408 = arith.shli %shift_right_arithmetic3A_406, %shift_left3A_407 : vector<16xi32>
      %and3A = arith.constant 127 : i32
      %and3A_409 = vector.broadcast %and3A : i32 to vector<16xi32>
      %and3A_410 = arith.andi %get3A_404, %and3A_409 : vector<16xi32>
      %add3A_411 = arith.addi %shift_left3A_408, %and3A_410 : vector<16xi32>
      %add3A_412 = arith.constant 16000000 : i32
      %add3A_413 = vector.broadcast %add3A_412 : i32 to vector<16xi32>
      %add3A_414 = arith.addi %add3A_411, %add3A_413 : vector<16xi32>
      %shift_right_arithmetic3A_415 = arith.constant 3 : i32
      %shift_right_arithmetic3A_416 = arith.shrsi %scan3A_400, %shift_right_arithmetic3A_415 : i32
      %mul3A_417 = arith.constant 1024 : i32
      %mul3A_418 = arith.muli %shift_right_arithmetic3A_416, %mul3A_417 : i32
      %and3A_419 = arith.constant 7 : i32
      %and3A_420 = arith.andi %scan3A_400, %and3A_419 : i32
      %mul3A_421 = arith.constant 16 : i32
      %mul3A_422 = arith.muli %and3A_420, %mul3A_421 : i32
      %add3A_423 = arith.addi %mul3A_418, %mul3A_422 : i32
      %add3A_424 = arith.constant 0 : i32
      %add3A_425 = vector.broadcast %add3A_424 : i32 to vector<16xi32>
      %add3A_426 = arith.addi %add3A_414, %add3A_425 : vector<16xi32>
      %add3A_427 = arith.constant 0 : i32
      %add3A_428 = arith.addi %add3A_423, %add3A_427 : i32
      %swap3A = arith.index_cast %add3A_428 : i32 to index
      %swap3A_429 = tpu.vector_load %arg22[%swap3A] {strides = array<i32>} : memref<4096xi32, #tpu.memory_space<vmem>>, vector<16xi32>,
      %swap3A_430 = vector.shape_cast %swap3A_429 : vector<16xi32> to vector<16xi32>
      %swap3A_431 = vector.shape_cast %add3A_426 : vector<16xi32> to vector<16xi32>
      tpu.vector_store %arg22[%swap3A], %swap3A_431 {strides = array<i32>} : memref<4096xi32, #tpu.memory_space<vmem>>, vector<16xi32>,
      %add3A_432 = arith.constant 128 : i32
      %add3A_433 = vector.broadcast %add3A_432 : i32 to vector<16xi32>
      %add3A_434 = arith.addi %add3A_414, %add3A_433 : vector<16xi32>
      %add3A_435 = arith.constant 128 : i32
      %add3A_436 = arith.addi %add3A_423, %add3A_435 : i32
      %swap3A_437 = arith.index_cast %add3A_436 : i32 to index
      %swap3A_438 = tpu.vector_load %arg22[%swap3A_437] {strides = array<i32>} : memref<4096xi32, #tpu.memory_space<vmem>>, vector<16xi32>,
      %swap3A_439 = vector.shape_cast %swap3A_438 : vector<16xi32> to vector<16xi32>
      %swap3A_440 = vector.shape_cast %add3A_434 : vector<16xi32> to vector<16xi32>
      tpu.vector_store %arg22[%swap3A_437], %swap3A_440 {strides = array<i32>} : memref<4096xi32, #tpu.memory_space<vmem>>, vector<16xi32>,
      %add3A_441 = arith.constant 256 : i32
      %add3A_442 = vector.broadcast %add3A_441 : i32 to vector<16xi32>
      %add3A_443 = arith.addi %add3A_414, %add3A_442 : vector<16xi32>
      %add3A_444 = arith.constant 256 : i32
      %add3A_445 = arith.addi %add3A_423, %add3A_444 : i32
      %swap3A_446 = arith.index_cast %add3A_445 : i32 to index
      %swap3A_447 = tpu.vector_load %arg22[%swap3A_446] {strides = array<i32>} : memref<4096xi32, #tpu.memory_space<vmem>>, vector<16xi32>,
      %swap3A_448 = vector.shape_cast %swap3A_447 : vector<16xi32> to vector<16xi32>
      %swap3A_449 = vector.shape_cast %add3A_443 : vector<16xi32> to vector<16xi32>
      tpu.vector_store %arg22[%swap3A_446], %swap3A_449 {strides = array<i32>} : memref<4096xi32, #tpu.memory_space<vmem>>, vector<16xi32>,
      %add3A_450 = arith.constant 384 : i32
      %add3A_451 = vector.broadcast %add3A_450 : i32 to vector<16xi32>
      %add3A_452 = arith.addi %add3A_414, %add3A_451 : vector<16xi32>
      %add3A_453 = arith.constant 384 : i32
      %add3A_454 = arith.addi %add3A_423, %add3A_453 : i32
      %swap3A_455 = arith.index_cast %add3A_454 : i32 to index
      %swap3A_456 = tpu.vector_load %arg22[%swap3A_455] {strides = array<i32>} : memref<4096xi32, #tpu.memory_space<vmem>>, vector<16xi32>,
      %swap3A_457 = vector.shape_cast %swap3A_456 : vector<16xi32> to vector<16xi32>
      %swap3A_458 = vector.shape_cast %add3A_452 : vector<16xi32> to vector<16xi32>
      tpu.vector_store %arg22[%swap3A_455], %swap3A_458 {strides = array<i32>} : memref<4096xi32, #tpu.memory_space<vmem>>, vector<16xi32>,
      %add3A_459 = arith.constant 512 : i32
      %add3A_460 = vector.broadcast %add3A_459 : i32 to vector<16xi32>
      %add3A_461 = arith.addi %add3A_414, %add3A_460 : vector<16xi32>
      %add3A_462 = arith.constant 512 : i32
      %add3A_463 = arith.addi %add3A_423, %add3A_462 : i32
      %swap3A_464 = arith.index_cast %add3A_463 : i32 to index
      %swap3A_465 = tpu.vector_load %arg22[%swap3A_464] {strides = array<i32>} : memref<4096xi32, #tpu.memory_space<vmem>>, vector<16xi32>,
      %swap3A_466 = vector.shape_cast %swap3A_465 : vector<16xi32> to vector<16xi32>
      %swap3A_467 = vector.shape_cast %add3A_461 : vector<16xi32> to vector<16xi32>
      tpu.vector_store %arg22[%swap3A_464], %swap3A_467 {strides = array<i32>} : memref<4096xi32, #tpu.memory_space<vmem>>, vector<16xi32>,
      %add3A_468 = arith.constant 640 : i32
      %add3A_469 = vector.broadcast %add3A_468 : i32 to vector<16xi32>
      %add3A_470 = arith.addi %add3A_414, %add3A_469 : vector<16xi32>
      %add3A_471 = arith.constant 640 : i32
      %add3A_472 = arith.addi %add3A_423, %add3A_471 : i32
      %swap3A_473 = arith.index_cast %add3A_472 : i32 to index
      %swap3A_474 = tpu.vector_load %arg22[%swap3A_473] {strides = array<i32>} : memref<4096xi32, #tpu.memory_space<vmem>>, vector<16xi32>,
      %swap3A_475 = vector.shape_cast %swap3A_474 : vector<16xi32> to vector<16xi32>
      %swap3A_476 = vector.shape_cast %add3A_470 : vector<16xi32> to vector<16xi32>
      tpu.vector_store %arg22[%swap3A_473], %swap3A_476 {strides = array<i32>} : memref<4096xi32, #tpu.memory_space<vmem>>, vector<16xi32>,
      %add3A_477 = arith.constant 768 : i32
      %add3A_478 = vector.broadcast %add3A_477 : i32 to vector<16xi32>
      %add3A_479 = arith.addi %add3A_414, %add3A_478 : vector<16xi32>
      %add3A_480 = arith.constant 768 : i32
      %add3A_481 = arith.addi %add3A_423, %add3A_480 : i32
      %swap3A_482 = arith.index_cast %add3A_481 : i32 to index
      %swap3A_483 = tpu.vector_load %arg22[%swap3A_482] {strides = array<i32>} : memref<4096xi32, #tpu.memory_space<vmem>>, vector<16xi32>,
      %swap3A_484 = vector.shape_cast %swap3A_483 : vector<16xi32> to vector<16xi32>
      %swap3A_485 = vector.shape_cast %add3A_479 : vector<16xi32> to vector<16xi32>
      tpu.vector_store %arg22[%swap3A_482], %swap3A_485 {strides = array<i32>} : memref<4096xi32, #tpu.memory_space<vmem>>, vector<16xi32>,
      %add3A_486 = arith.constant 896 : i32
      %add3A_487 = vector.broadcast %add3A_486 : i32 to vector<16xi32>
      %add3A_488 = arith.addi %add3A_414, %add3A_487 : vector<16xi32>
      %add3A_489 = arith.constant 896 : i32
      %add3A_490 = arith.addi %add3A_423, %add3A_489 : i32
      %swap3A_491 = arith.index_cast %add3A_490 : i32 to index
      %swap3A_492 = tpu.vector_load %arg22[%swap3A_491] {strides = array<i32>} : memref<4096xi32, #tpu.memory_space<vmem>>, vector<16xi32>,
      %swap3A_493 = vector.shape_cast %swap3A_492 : vector<16xi32> to vector<16xi32>
      %swap3A_494 = vector.shape_cast %add3A_488 : vector<16xi32> to vector<16xi32>
      tpu.vector_store %arg22[%swap3A_491], %swap3A_494 {strides = array<i32>} : memref<4096xi32, #tpu.memory_space<vmem>>, vector<16xi32>,
    }
    %scan3A_107 = arith.constant 32 : i32
    %dma_start3A_108 = arith.constant 4096 : i32
    %dma_start3A_109 = tpu.memref_slice %arg27[%dma_start3A_108] : memref<16384xf32, #tpu.memory_space<vmem>> -> memref<4096xf32, #tpu.memory_space<vmem>>
    %dma_start3A_110 = arith.constant 0 : i32
    %dma_start3A_111 = tpu.memref_slice %arg2[%dma_start3A_110] : memref<64000000xf32, #tpu.memory_space<hbm>> -> memref<64000000xf32, #tpu.memory_space<hbm>>
    tpu.enqueue_indirect_dma source(%dma_start3A_111 : memref<64000000xf32, #tpu.memory_space<hbm>>) target(%dma_start3A_109 : memref<4096xf32, #tpu.memory_space<vmem>>) offsets(%arg22 : memref<4096xi32, #tpu.memory_space<vmem>>) semaphore(%arg38 : memref<!tpu.dma_semaphore, #tpu.memory_space<semaphore_mem>>)
    %scan3A_112 = arith.constant 0 : i32
    %scan3A_113 = arith.constant 0 : i32
    %scan3A_114 = arith.constant 32 : i32
    %scan3A_115 = arith.addi %scan3A_113, %scan3A_114 : i32
    %scan3A_116 = arith.constant 1 : i32
    scf.for %scan3A_400 = %scan3A_113 to %scan3A_115 step %scan3A_116  : i32 {
      %mul3A_401 = arith.constant 16 : i32
      %mul3A_402 = arith.muli %scan3A_400, %mul3A_401 : i32
      %get3A = arith.index_cast %mul3A_402 : i32 to index
      %get3A_403 = tpu.vector_load %arg12[%get3A] {strides = array<i32>} : memref<512xi32, #tpu.memory_space<vmem>>, vector<16xi32>,
      %get3A_404 = vector.shape_cast %get3A_403 : vector<16xi32> to vector<16xi32>
      %shift_right_arithmetic3A = arith.constant 7 : i32
      %shift_right_arithmetic3A_405 = vector.broadcast %shift_right_arithmetic3A : i32 to vector<16xi32>
      %shift_right_arithmetic3A_406 = arith.shrsi %get3A_404, %shift_right_arithmetic3A_405 : vector<16xi32>
      %shift_left3A = arith.constant 10 : i32
      %shift_left3A_407 = vector.broadcast %shift_left3A : i32 to vector<16xi32>
      %shift_left3A_408 = arith.shli %shift_right_arithmetic3A_406, %shift_left3A_407 : vector<16xi32>
      %and3A = arith.constant 127 : i32
      %and3A_409 = vector.broadcast %and3A : i32 to vector<16xi32>
      %and3A_410 = arith.andi %get3A_404, %and3A_409 : vector<16xi32>
      %add3A_411 = arith.addi %shift_left3A_408, %and3A_410 : vector<16xi32>
      %add3A_412 = arith.constant 32000000 : i32
      %add3A_413 = vector.broadcast %add3A_412 : i32 to vector<16xi32>
      %add3A_414 = arith.addi %add3A_411, %add3A_413 : vector<16xi32>
      %shift_right_arithmetic3A_415 = arith.constant 3 : i32
      %shift_right_arithmetic3A_416 = arith.shrsi %scan3A_400, %shift_right_arithmetic3A_415 : i32
      %mul3A_417 = arith.constant 1024 : i32
      %mul3A_418 = arith.muli %shift_right_arithmetic3A_416, %mul3A_417 : i32
      %and3A_419 = arith.constant 7 : i32
      %and3A_420 = arith.andi %scan3A_400, %and3A_419 : i32
      %mul3A_421 = arith.constant 16 : i32
      %mul3A_422 = arith.muli %and3A_420, %mul3A_421 : i32
      %add3A_423 = arith.addi %mul3A_418, %mul3A_422 : i32
      %add3A_424 = arith.constant 0 : i32
      %add3A_425 = vector.broadcast %add3A_424 : i32 to vector<16xi32>
      %add3A_426 = arith.addi %add3A_414, %add3A_425 : vector<16xi32>
      %add3A_427 = arith.constant 0 : i32
      %add3A_428 = arith.addi %add3A_423, %add3A_427 : i32
      %swap3A = arith.index_cast %add3A_428 : i32 to index
      %swap3A_429 = tpu.vector_load %arg23[%swap3A] {strides = array<i32>} : memref<4096xi32, #tpu.memory_space<vmem>>, vector<16xi32>,
      %swap3A_430 = vector.shape_cast %swap3A_429 : vector<16xi32> to vector<16xi32>
      %swap3A_431 = vector.shape_cast %add3A_426 : vector<16xi32> to vector<16xi32>
      tpu.vector_store %arg23[%swap3A], %swap3A_431 {strides = array<i32>} : memref<4096xi32, #tpu.memory_space<vmem>>, vector<16xi32>,
      %add3A_432 = arith.constant 128 : i32
      %add3A_433 = vector.broadcast %add3A_432 : i32 to vector<16xi32>
      %add3A_434 = arith.addi %add3A_414, %add3A_433 : vector<16xi32>
      %add3A_435 = arith.constant 128 : i32
      %add3A_436 = arith.addi %add3A_423, %add3A_435 : i32
      %swap3A_437 = arith.index_cast %add3A_436 : i32 to index
      %swap3A_438 = tpu.vector_load %arg23[%swap3A_437] {strides = array<i32>} : memref<4096xi32, #tpu.memory_space<vmem>>, vector<16xi32>,
      %swap3A_439 = vector.shape_cast %swap3A_438 : vector<16xi32> to vector<16xi32>
      %swap3A_440 = vector.shape_cast %add3A_434 : vector<16xi32> to vector<16xi32>
      tpu.vector_store %arg23[%swap3A_437], %swap3A_440 {strides = array<i32>} : memref<4096xi32, #tpu.memory_space<vmem>>, vector<16xi32>,
      %add3A_441 = arith.constant 256 : i32
      %add3A_442 = vector.broadcast %add3A_441 : i32 to vector<16xi32>
      %add3A_443 = arith.addi %add3A_414, %add3A_442 : vector<16xi32>
      %add3A_444 = arith.constant 256 : i32
      %add3A_445 = arith.addi %add3A_423, %add3A_444 : i32
      %swap3A_446 = arith.index_cast %add3A_445 : i32 to index
      %swap3A_447 = tpu.vector_load %arg23[%swap3A_446] {strides = array<i32>} : memref<4096xi32, #tpu.memory_space<vmem>>, vector<16xi32>,
      %swap3A_448 = vector.shape_cast %swap3A_447 : vector<16xi32> to vector<16xi32>
      %swap3A_449 = vector.shape_cast %add3A_443 : vector<16xi32> to vector<16xi32>
      tpu.vector_store %arg23[%swap3A_446], %swap3A_449 {strides = array<i32>} : memref<4096xi32, #tpu.memory_space<vmem>>, vector<16xi32>,
      %add3A_450 = arith.constant 384 : i32
      %add3A_451 = vector.broadcast %add3A_450 : i32 to vector<16xi32>
      %add3A_452 = arith.addi %add3A_414, %add3A_451 : vector<16xi32>
      %add3A_453 = arith.constant 384 : i32
      %add3A_454 = arith.addi %add3A_423, %add3A_453 : i32
      %swap3A_455 = arith.index_cast %add3A_454 : i32 to index
      %swap3A_456 = tpu.vector_load %arg23[%swap3A_455] {strides = array<i32>} : memref<4096xi32, #tpu.memory_space<vmem>>, vector<16xi32>,
      %swap3A_457 = vector.shape_cast %swap3A_456 : vector<16xi32> to vector<16xi32>
      %swap3A_458 = vector.shape_cast %add3A_452 : vector<16xi32> to vector<16xi32>
      tpu.vector_store %arg23[%swap3A_455], %swap3A_458 {strides = array<i32>} : memref<4096xi32, #tpu.memory_space<vmem>>, vector<16xi32>,
      %add3A_459 = arith.constant 512 : i32
      %add3A_460 = vector.broadcast %add3A_459 : i32 to vector<16xi32>
      %add3A_461 = arith.addi %add3A_414, %add3A_460 : vector<16xi32>
      %add3A_462 = arith.constant 512 : i32
      %add3A_463 = arith.addi %add3A_423, %add3A_462 : i32
      %swap3A_464 = arith.index_cast %add3A_463 : i32 to index
      %swap3A_465 = tpu.vector_load %arg23[%swap3A_464] {strides = array<i32>} : memref<4096xi32, #tpu.memory_space<vmem>>, vector<16xi32>,
      %swap3A_466 = vector.shape_cast %swap3A_465 : vector<16xi32> to vector<16xi32>
      %swap3A_467 = vector.shape_cast %add3A_461 : vector<16xi32> to vector<16xi32>
      tpu.vector_store %arg23[%swap3A_464], %swap3A_467 {strides = array<i32>} : memref<4096xi32, #tpu.memory_space<vmem>>, vector<16xi32>,
      %add3A_468 = arith.constant 640 : i32
      %add3A_469 = vector.broadcast %add3A_468 : i32 to vector<16xi32>
      %add3A_470 = arith.addi %add3A_414, %add3A_469 : vector<16xi32>
      %add3A_471 = arith.constant 640 : i32
      %add3A_472 = arith.addi %add3A_423, %add3A_471 : i32
      %swap3A_473 = arith.index_cast %add3A_472 : i32 to index
      %swap3A_474 = tpu.vector_load %arg23[%swap3A_473] {strides = array<i32>} : memref<4096xi32, #tpu.memory_space<vmem>>, vector<16xi32>,
      %swap3A_475 = vector.shape_cast %swap3A_474 : vector<16xi32> to vector<16xi32>
      %swap3A_476 = vector.shape_cast %add3A_470 : vector<16xi32> to vector<16xi32>
      tpu.vector_store %arg23[%swap3A_473], %swap3A_476 {strides = array<i32>} : memref<4096xi32, #tpu.memory_space<vmem>>, vector<16xi32>,
      %add3A_477 = arith.constant 768 : i32
      %add3A_478 = vector.broadcast %add3A_477 : i32 to vector<16xi32>
      %add3A_479 = arith.addi %add3A_414, %add3A_478 : vector<16xi32>
      %add3A_480 = arith.constant 768 : i32
      %add3A_481 = arith.addi %add3A_423, %add3A_480 : i32
      %swap3A_482 = arith.index_cast %add3A_481 : i32 to index
      %swap3A_483 = tpu.vector_load %arg23[%swap3A_482] {strides = array<i32>} : memref<4096xi32, #tpu.memory_space<vmem>>, vector<16xi32>,
      %swap3A_484 = vector.shape_cast %swap3A_483 : vector<16xi32> to vector<16xi32>
      %swap3A_485 = vector.shape_cast %add3A_479 : vector<16xi32> to vector<16xi32>
      tpu.vector_store %arg23[%swap3A_482], %swap3A_485 {strides = array<i32>} : memref<4096xi32, #tpu.memory_space<vmem>>, vector<16xi32>,
      %add3A_486 = arith.constant 896 : i32
      %add3A_487 = vector.broadcast %add3A_486 : i32 to vector<16xi32>
      %add3A_488 = arith.addi %add3A_414, %add3A_487 : vector<16xi32>
      %add3A_489 = arith.constant 896 : i32
      %add3A_490 = arith.addi %add3A_423, %add3A_489 : i32
      %swap3A_491 = arith.index_cast %add3A_490 : i32 to index
      %swap3A_492 = tpu.vector_load %arg23[%swap3A_491] {strides = array<i32>} : memref<4096xi32, #tpu.memory_space<vmem>>, vector<16xi32>,
      %swap3A_493 = vector.shape_cast %swap3A_492 : vector<16xi32> to vector<16xi32>
      %swap3A_494 = vector.shape_cast %add3A_488 : vector<16xi32> to vector<16xi32>
      tpu.vector_store %arg23[%swap3A_491], %swap3A_494 {strides = array<i32>} : memref<4096xi32, #tpu.memory_space<vmem>>, vector<16xi32>,
    }
    %scan3A_117 = arith.constant 32 : i32
    %dma_start3A_118 = arith.constant 8192 : i32
    %dma_start3A_119 = tpu.memref_slice %arg27[%dma_start3A_118] : memref<16384xf32, #tpu.memory_space<vmem>> -> memref<4096xf32, #tpu.memory_space<vmem>>
    %dma_start3A_120 = arith.constant 0 : i32
    %dma_start3A_121 = tpu.memref_slice %arg2[%dma_start3A_120] : memref<64000000xf32, #tpu.memory_space<hbm>> -> memref<64000000xf32, #tpu.memory_space<hbm>>
    tpu.enqueue_indirect_dma source(%dma_start3A_121 : memref<64000000xf32, #tpu.memory_space<hbm>>) target(%dma_start3A_119 : memref<4096xf32, #tpu.memory_space<vmem>>) offsets(%arg23 : memref<4096xi32, #tpu.memory_space<vmem>>) semaphore(%arg39 : memref<!tpu.dma_semaphore, #tpu.memory_space<semaphore_mem>>)
    %scan3A_122 = arith.constant 0 : i32
    %scan3A_123 = arith.constant 0 : i32
    %scan3A_124 = arith.constant 32 : i32
    %scan3A_125 = arith.addi %scan3A_123, %scan3A_124 : i32
    %scan3A_126 = arith.constant 1 : i32
    scf.for %scan3A_400 = %scan3A_123 to %scan3A_125 step %scan3A_126  : i32 {
      %mul3A_401 = arith.constant 16 : i32
      %mul3A_402 = arith.muli %scan3A_400, %mul3A_401 : i32
      %get3A = arith.index_cast %mul3A_402 : i32 to index
      %get3A_403 = tpu.vector_load %arg12[%get3A] {strides = array<i32>} : memref<512xi32, #tpu.memory_space<vmem>>, vector<16xi32>,
      %get3A_404 = vector.shape_cast %get3A_403 : vector<16xi32> to vector<16xi32>
      %shift_right_arithmetic3A = arith.constant 7 : i32
      %shift_right_arithmetic3A_405 = vector.broadcast %shift_right_arithmetic3A : i32 to vector<16xi32>
      %shift_right_arithmetic3A_406 = arith.shrsi %get3A_404, %shift_right_arithmetic3A_405 : vector<16xi32>
      %shift_left3A = arith.constant 10 : i32
      %shift_left3A_407 = vector.broadcast %shift_left3A : i32 to vector<16xi32>
      %shift_left3A_408 = arith.shli %shift_right_arithmetic3A_406, %shift_left3A_407 : vector<16xi32>
      %and3A = arith.constant 127 : i32
      %and3A_409 = vector.broadcast %and3A : i32 to vector<16xi32>
      %and3A_410 = arith.andi %get3A_404, %and3A_409 : vector<16xi32>
      %add3A_411 = arith.addi %shift_left3A_408, %and3A_410 : vector<16xi32>
      %add3A_412 = arith.constant 48000000 : i32
      %add3A_413 = vector.broadcast %add3A_412 : i32 to vector<16xi32>
      %add3A_414 = arith.addi %add3A_411, %add3A_413 : vector<16xi32>
      %shift_right_arithmetic3A_415 = arith.constant 3 : i32
      %shift_right_arithmetic3A_416 = arith.shrsi %scan3A_400, %shift_right_arithmetic3A_415 : i32
      %mul3A_417 = arith.constant 1024 : i32
      %mul3A_418 = arith.muli %shift_right_arithmetic3A_416, %mul3A_417 : i32
      %and3A_419 = arith.constant 7 : i32
      %and3A_420 = arith.andi %scan3A_400, %and3A_419 : i32
      %mul3A_421 = arith.constant 16 : i32
      %mul3A_422 = arith.muli %and3A_420, %mul3A_421 : i32
      %add3A_423 = arith.addi %mul3A_418, %mul3A_422 : i32
      %add3A_424 = arith.constant 0 : i32
      %add3A_425 = vector.broadcast %add3A_424 : i32 to vector<16xi32>
      %add3A_426 = arith.addi %add3A_414, %add3A_425 : vector<16xi32>
      %add3A_427 = arith.constant 0 : i32
      %add3A_428 = arith.addi %add3A_423, %add3A_427 : i32
      %swap3A = arith.index_cast %add3A_428 : i32 to index
      %swap3A_429 = tpu.vector_load %arg24[%swap3A] {strides = array<i32>} : memref<4096xi32, #tpu.memory_space<vmem>>, vector<16xi32>,
      %swap3A_430 = vector.shape_cast %swap3A_429 : vector<16xi32> to vector<16xi32>
      %swap3A_431 = vector.shape_cast %add3A_426 : vector<16xi32> to vector<16xi32>
      tpu.vector_store %arg24[%swap3A], %swap3A_431 {strides = array<i32>} : memref<4096xi32, #tpu.memory_space<vmem>>, vector<16xi32>,
      %add3A_432 = arith.constant 128 : i32
      %add3A_433 = vector.broadcast %add3A_432 : i32 to vector<16xi32>
      %add3A_434 = arith.addi %add3A_414, %add3A_433 : vector<16xi32>
      %add3A_435 = arith.constant 128 : i32
      %add3A_436 = arith.addi %add3A_423, %add3A_435 : i32
      %swap3A_437 = arith.index_cast %add3A_436 : i32 to index
      %swap3A_438 = tpu.vector_load %arg24[%swap3A_437] {strides = array<i32>} : memref<4096xi32, #tpu.memory_space<vmem>>, vector<16xi32>,
      %swap3A_439 = vector.shape_cast %swap3A_438 : vector<16xi32> to vector<16xi32>
      %swap3A_440 = vector.shape_cast %add3A_434 : vector<16xi32> to vector<16xi32>
      tpu.vector_store %arg24[%swap3A_437], %swap3A_440 {strides = array<i32>} : memref<4096xi32, #tpu.memory_space<vmem>>, vector<16xi32>,
      %add3A_441 = arith.constant 256 : i32
      %add3A_442 = vector.broadcast %add3A_441 : i32 to vector<16xi32>
      %add3A_443 = arith.addi %add3A_414, %add3A_442 : vector<16xi32>
      %add3A_444 = arith.constant 256 : i32
      %add3A_445 = arith.addi %add3A_423, %add3A_444 : i32
      %swap3A_446 = arith.index_cast %add3A_445 : i32 to index
      %swap3A_447 = tpu.vector_load %arg24[%swap3A_446] {strides = array<i32>} : memref<4096xi32, #tpu.memory_space<vmem>>, vector<16xi32>,
      %swap3A_448 = vector.shape_cast %swap3A_447 : vector<16xi32> to vector<16xi32>
      %swap3A_449 = vector.shape_cast %add3A_443 : vector<16xi32> to vector<16xi32>
      tpu.vector_store %arg24[%swap3A_446], %swap3A_449 {strides = array<i32>} : memref<4096xi32, #tpu.memory_space<vmem>>, vector<16xi32>,
      %add3A_450 = arith.constant 384 : i32
      %add3A_451 = vector.broadcast %add3A_450 : i32 to vector<16xi32>
      %add3A_452 = arith.addi %add3A_414, %add3A_451 : vector<16xi32>
      %add3A_453 = arith.constant 384 : i32
      %add3A_454 = arith.addi %add3A_423, %add3A_453 : i32
      %swap3A_455 = arith.index_cast %add3A_454 : i32 to index
      %swap3A_456 = tpu.vector_load %arg24[%swap3A_455] {strides = array<i32>} : memref<4096xi32, #tpu.memory_space<vmem>>, vector<16xi32>,
      %swap3A_457 = vector.shape_cast %swap3A_456 : vector<16xi32> to vector<16xi32>
      %swap3A_458 = vector.shape_cast %add3A_452 : vector<16xi32> to vector<16xi32>
      tpu.vector_store %arg24[%swap3A_455], %swap3A_458 {strides = array<i32>} : memref<4096xi32, #tpu.memory_space<vmem>>, vector<16xi32>,
      %add3A_459 = arith.constant 512 : i32
      %add3A_460 = vector.broadcast %add3A_459 : i32 to vector<16xi32>
      %add3A_461 = arith.addi %add3A_414, %add3A_460 : vector<16xi32>
      %add3A_462 = arith.constant 512 : i32
      %add3A_463 = arith.addi %add3A_423, %add3A_462 : i32
      %swap3A_464 = arith.index_cast %add3A_463 : i32 to index
      %swap3A_465 = tpu.vector_load %arg24[%swap3A_464] {strides = array<i32>} : memref<4096xi32, #tpu.memory_space<vmem>>, vector<16xi32>,
      %swap3A_466 = vector.shape_cast %swap3A_465 : vector<16xi32> to vector<16xi32>
      %swap3A_467 = vector.shape_cast %add3A_461 : vector<16xi32> to vector<16xi32>
      tpu.vector_store %arg24[%swap3A_464], %swap3A_467 {strides = array<i32>} : memref<4096xi32, #tpu.memory_space<vmem>>, vector<16xi32>,
      %add3A_468 = arith.constant 640 : i32
      %add3A_469 = vector.broadcast %add3A_468 : i32 to vector<16xi32>
      %add3A_470 = arith.addi %add3A_414, %add3A_469 : vector<16xi32>
      %add3A_471 = arith.constant 640 : i32
      %add3A_472 = arith.addi %add3A_423, %add3A_471 : i32
      %swap3A_473 = arith.index_cast %add3A_472 : i32 to index
      %swap3A_474 = tpu.vector_load %arg24[%swap3A_473] {strides = array<i32>} : memref<4096xi32, #tpu.memory_space<vmem>>, vector<16xi32>,
      %swap3A_475 = vector.shape_cast %swap3A_474 : vector<16xi32> to vector<16xi32>
      %swap3A_476 = vector.shape_cast %add3A_470 : vector<16xi32> to vector<16xi32>
      tpu.vector_store %arg24[%swap3A_473], %swap3A_476 {strides = array<i32>} : memref<4096xi32, #tpu.memory_space<vmem>>, vector<16xi32>,
      %add3A_477 = arith.constant 768 : i32
      %add3A_478 = vector.broadcast %add3A_477 : i32 to vector<16xi32>
      %add3A_479 = arith.addi %add3A_414, %add3A_478 : vector<16xi32>
      %add3A_480 = arith.constant 768 : i32
      %add3A_481 = arith.addi %add3A_423, %add3A_480 : i32
      %swap3A_482 = arith.index_cast %add3A_481 : i32 to index
      %swap3A_483 = tpu.vector_load %arg24[%swap3A_482] {strides = array<i32>} : memref<4096xi32, #tpu.memory_space<vmem>>, vector<16xi32>,
      %swap3A_484 = vector.shape_cast %swap3A_483 : vector<16xi32> to vector<16xi32>
      %swap3A_485 = vector.shape_cast %add3A_479 : vector<16xi32> to vector<16xi32>
      tpu.vector_store %arg24[%swap3A_482], %swap3A_485 {strides = array<i32>} : memref<4096xi32, #tpu.memory_space<vmem>>, vector<16xi32>,
      %add3A_486 = arith.constant 896 : i32
      %add3A_487 = vector.broadcast %add3A_486 : i32 to vector<16xi32>
      %add3A_488 = arith.addi %add3A_414, %add3A_487 : vector<16xi32>
      %add3A_489 = arith.constant 896 : i32
      %add3A_490 = arith.addi %add3A_423, %add3A_489 : i32
      %swap3A_491 = arith.index_cast %add3A_490 : i32 to index
      %swap3A_492 = tpu.vector_load %arg24[%swap3A_491] {strides = array<i32>} : memref<4096xi32, #tpu.memory_space<vmem>>, vector<16xi32>,
      %swap3A_493 = vector.shape_cast %swap3A_492 : vector<16xi32> to vector<16xi32>
      %swap3A_494 = vector.shape_cast %add3A_488 : vector<16xi32> to vector<16xi32>
      tpu.vector_store %arg24[%swap3A_491], %swap3A_494 {strides = array<i32>} : memref<4096xi32, #tpu.memory_space<vmem>>, vector<16xi32>,
    }
    %scan3A_127 = arith.constant 32 : i32
    %dma_start3A_128 = arith.constant 12288 : i32
    %dma_start3A_129 = tpu.memref_slice %arg27[%dma_start3A_128] : memref<16384xf32, #tpu.memory_space<vmem>> -> memref<4096xf32, #tpu.memory_space<vmem>>
    %dma_start3A_130 = arith.constant 0 : i32
    %dma_start3A_131 = tpu.memref_slice %arg2[%dma_start3A_130] : memref<64000000xf32, #tpu.memory_space<hbm>> -> memref<64000000xf32, #tpu.memory_space<hbm>>
    tpu.enqueue_indirect_dma source(%dma_start3A_131 : memref<64000000xf32, #tpu.memory_space<hbm>>) target(%dma_start3A_129 : memref<4096xf32, #tpu.memory_space<vmem>>) offsets(%arg24 : memref<4096xi32, #tpu.memory_space<vmem>>) semaphore(%arg40 : memref<!tpu.dma_semaphore, #tpu.memory_space<semaphore_mem>>)
    %dma_wait3A_132 = arith.constant 0 : i32
    %dma_wait3A_133 = tpu.memref_slice %arg25[%dma_wait3A_132] : memref<16384xf32, #tpu.memory_space<vmem>> -> memref<4096xf32, #tpu.memory_space<vmem>>
    %dma_wait3A_134 = arith.constant 0 : i32
    %dma_wait3A_135 = tpu.memref_slice %arg2[%dma_wait3A_134] : memref<64000000xf32, #tpu.memory_space<hbm>> -> memref<64000000xf32, #tpu.memory_space<hbm>>
    tpu.wait_indirect_dma semaphore(%arg29 : memref<!tpu.dma_semaphore, #tpu.memory_space<semaphore_mem>>) src(%dma_wait3A_135 : memref<64000000xf32, #tpu.memory_space<hbm>>) dst(%dma_wait3A_133 : memref<4096xf32, #tpu.memory_space<vmem>>)
    %mul3A_136 = arith.constant 8 : i32
    %mul3A_137 = arith.muli %mul3A_2, %mul3A_136 : i32
    %add3A_138 = arith.constant 0 : i32
    %add3A_139 = arith.addi %add3A_138, %mul3A_137 : i32
    %dma_start3A_140 = arith.constant 0 : i32
    %dma_start3A_141 = tpu.memref_slice %arg25[%dma_start3A_140] : memref<16384xf32, #tpu.memory_space<vmem>> -> memref<4096xf32, #tpu.memory_space<vmem>>
    %dma_start3A_142 = tpu.memref_slice %arg6[%add3A_139] : memref<524288xf32, #tpu.memory_space<hbm>> -> memref<4096xf32, #tpu.memory_space<hbm>>
    %dma_start3A_143 = tpu.memref_slice %arg6[%add3A_139] : memref<524288xf32, #tpu.memory_space<hbm>> -> memref<4096xf32, #tpu.memory_space<hbm>>
    %dma_start3A_144 = arith.constant 0 : i32
    %dma_start3A_145 = tpu.memref_slice %arg25[%dma_start3A_144] : memref<16384xf32, #tpu.memory_space<vmem>> -> memref<4096xf32, #tpu.memory_space<vmem>>
    tpu.enqueue_dma source(%dma_start3A_145 : memref<4096xf32, #tpu.memory_space<vmem>>) target(%dma_start3A_143 : memref<4096xf32, #tpu.memory_space<hbm>>) target_semaphore(%arg41 : memref<!tpu.dma_semaphore, #tpu.memory_space<semaphore_mem>>)
    %dma_wait3A_146 = arith.constant 0 : i32
    %dma_wait3A_147 = tpu.memref_slice %arg26[%dma_wait3A_146] : memref<16384xf32, #tpu.memory_space<vmem>> -> memref<4096xf32, #tpu.memory_space<vmem>>
    %dma_wait3A_148 = arith.constant 0 : i32
    %dma_wait3A_149 = tpu.memref_slice %arg2[%dma_wait3A_148] : memref<64000000xf32, #tpu.memory_space<hbm>> -> memref<64000000xf32, #tpu.memory_space<hbm>>
    tpu.wait_indirect_dma semaphore(%arg33 : memref<!tpu.dma_semaphore, #tpu.memory_space<semaphore_mem>>) src(%dma_wait3A_149 : memref<64000000xf32, #tpu.memory_space<hbm>>) dst(%dma_wait3A_147 : memref<4096xf32, #tpu.memory_space<vmem>>)
    %mul3A_150 = arith.constant 8 : i32
    %mul3A_151 = arith.muli %mul3A_2, %mul3A_150 : i32
    %add3A_152 = arith.constant 0 : i32
    %add3A_153 = arith.addi %add3A_152, %mul3A_151 : i32
    %dma_start3A_154 = arith.constant 0 : i32
    %dma_start3A_155 = tpu.memref_slice %arg26[%dma_start3A_154] : memref<16384xf32, #tpu.memory_space<vmem>> -> memref<4096xf32, #tpu.memory_space<vmem>>
    %dma_start3A_156 = tpu.memref_slice %arg7[%add3A_153] : memref<524288xf32, #tpu.memory_space<hbm>> -> memref<4096xf32, #tpu.memory_space<hbm>>
    %dma_start3A_157 = tpu.memref_slice %arg7[%add3A_153] : memref<524288xf32, #tpu.memory_space<hbm>> -> memref<4096xf32, #tpu.memory_space<hbm>>
    %dma_start3A_158 = arith.constant 0 : i32
    %dma_start3A_159 = tpu.memref_slice %arg26[%dma_start3A_158] : memref<16384xf32, #tpu.memory_space<vmem>> -> memref<4096xf32, #tpu.memory_space<vmem>>
    tpu.enqueue_dma source(%dma_start3A_159 : memref<4096xf32, #tpu.memory_space<vmem>>) target(%dma_start3A_157 : memref<4096xf32, #tpu.memory_space<hbm>>) target_semaphore(%arg41 : memref<!tpu.dma_semaphore, #tpu.memory_space<semaphore_mem>>)
    %dma_wait3A_160 = arith.constant 0 : i32
    %dma_wait3A_161 = tpu.memref_slice %arg27[%dma_wait3A_160] : memref<16384xf32, #tpu.memory_space<vmem>> -> memref<4096xf32, #tpu.memory_space<vmem>>
    %dma_wait3A_162 = arith.constant 0 : i32
    %dma_wait3A_163 = tpu.memref_slice %arg2[%dma_wait3A_162] : memref<64000000xf32, #tpu.memory_space<hbm>> -> memref<64000000xf32, #tpu.memory_space<hbm>>
    tpu.wait_indirect_dma semaphore(%arg37 : memref<!tpu.dma_semaphore, #tpu.memory_space<semaphore_mem>>) src(%dma_wait3A_163 : memref<64000000xf32, #tpu.memory_space<hbm>>) dst(%dma_wait3A_161 : memref<4096xf32, #tpu.memory_space<vmem>>)
    %mul3A_164 = arith.constant 8 : i32
    %mul3A_165 = arith.muli %mul3A_2, %mul3A_164 : i32
    %add3A_166 = arith.constant 0 : i32
    %add3A_167 = arith.addi %add3A_166, %mul3A_165 : i32
    %dma_start3A_168 = arith.constant 0 : i32
    %dma_start3A_169 = tpu.memref_slice %arg27[%dma_start3A_168] : memref<16384xf32, #tpu.memory_space<vmem>> -> memref<4096xf32, #tpu.memory_space<vmem>>
    %dma_start3A_170 = tpu.memref_slice %arg8[%add3A_167] : memref<524288xf32, #tpu.memory_space<hbm>> -> memref<4096xf32, #tpu.memory_space<hbm>>
    %dma_start3A_171 = tpu.memref_slice %arg8[%add3A_167] : memref<524288xf32, #tpu.memory_space<hbm>> -> memref<4096xf32, #tpu.memory_space<hbm>>
    %dma_start3A_172 = arith.constant 0 : i32
    %dma_start3A_173 = tpu.memref_slice %arg27[%dma_start3A_172] : memref<16384xf32, #tpu.memory_space<vmem>> -> memref<4096xf32, #tpu.memory_space<vmem>>
    tpu.enqueue_dma source(%dma_start3A_173 : memref<4096xf32, #tpu.memory_space<vmem>>) target(%dma_start3A_171 : memref<4096xf32, #tpu.memory_space<hbm>>) target_semaphore(%arg41 : memref<!tpu.dma_semaphore, #tpu.memory_space<semaphore_mem>>)
    %scan3A_174 = arith.constant 0 : i32
    %scan3A_175 = arith.constant 0 : i32
    %scan3A_176 = arith.constant 32 : i32
    %scan3A_177 = arith.addi %scan3A_175, %scan3A_176 : i32
    %scan3A_178 = arith.constant 1 : i32
    scf.for %scan3A_400 = %scan3A_175 to %scan3A_177 step %scan3A_178  : i32 {
      %shift_right_arithmetic3A = arith.constant 3 : i32
      %shift_right_arithmetic3A_401 = arith.shrsi %scan3A_400, %shift_right_arithmetic3A : i32
      %mul3A_402 = arith.constant 1024 : i32
      %mul3A_403 = arith.muli %shift_right_arithmetic3A_401, %mul3A_402 : i32
      %and3A = arith.constant 7 : i32
      %and3A_404 = arith.andi %scan3A_400, %and3A : i32
      %mul3A_405 = arith.constant 16 : i32
      %mul3A_406 = arith.muli %and3A_404, %mul3A_405 : i32
      %add3A_407 = arith.addi %mul3A_403, %mul3A_406 : i32
      %broadcast_in_dim3A = arith.constant 0.000000e+00 : f32
      %broadcast_in_dim3A_408 = vector.broadcast %broadcast_in_dim3A : f32 to vector<16xf32>
      %add3A_409 = arith.constant 0 : i32
      %add3A_410 = arith.addi %add3A_407, %add3A_409 : i32
      %add3A_411 = arith.constant 0 : i32
      %add3A_412 = arith.addi %add3A_410, %add3A_411 : i32
      %get3A = arith.index_cast %add3A_412 : i32 to index
      %get3A_413 = tpu.vector_load %arg25[%get3A] {strides = array<i32>} : memref<16384xf32, #tpu.memory_space<vmem>>, vector<16xf32>,
      %get3A_414 = vector.shape_cast %get3A_413 : vector<16xf32> to vector<16xf32>
      %get3A_415 = arith.index_cast %add3A_412 : i32 to index
      %get3A_416 = tpu.vector_load %arg26[%get3A_415] {strides = array<i32>} : memref<16384xf32, #tpu.memory_space<vmem>>, vector<16xf32>,
      %get3A_417 = vector.shape_cast %get3A_416 : vector<16xf32> to vector<16xf32>
      %get3A_418 = arith.index_cast %add3A_412 : i32 to index
      %get3A_419 = tpu.vector_load %arg27[%get3A_418] {strides = array<i32>} : memref<16384xf32, #tpu.memory_space<vmem>>, vector<16xf32>,
      %get3A_420 = vector.shape_cast %get3A_419 : vector<16xf32> to vector<16xf32>
      %sub3A = arith.subf %get3A_417, %get3A_420 : vector<16xf32>
      %mul3A_421 = arith.mulf %get3A_414, %sub3A : vector<16xf32>
      %add3A_422 = arith.addf %broadcast_in_dim3A_408, %mul3A_421 : vector<16xf32>
      %add3A_423 = arith.constant 0 : i32
      %add3A_424 = arith.addi %add3A_407, %add3A_423 : i32
      %add3A_425 = arith.constant 128 : i32
      %add3A_426 = arith.addi %add3A_424, %add3A_425 : i32
      %get3A_427 = arith.index_cast %add3A_426 : i32 to index
      %get3A_428 = tpu.vector_load %arg25[%get3A_427] {strides = array<i32>} : memref<16384xf32, #tpu.memory_space<vmem>>, vector<16xf32>,
      %get3A_429 = vector.shape_cast %get3A_428 : vector<16xf32> to vector<16xf32>
      %get3A_430 = arith.index_cast %add3A_426 : i32 to index
      %get3A_431 = tpu.vector_load %arg26[%get3A_430] {strides = array<i32>} : memref<16384xf32, #tpu.memory_space<vmem>>, vector<16xf32>,
      %get3A_432 = vector.shape_cast %get3A_431 : vector<16xf32> to vector<16xf32>
      %get3A_433 = arith.index_cast %add3A_426 : i32 to index
      %get3A_434 = tpu.vector_load %arg27[%get3A_433] {strides = array<i32>} : memref<16384xf32, #tpu.memory_space<vmem>>, vector<16xf32>,
      %get3A_435 = vector.shape_cast %get3A_434 : vector<16xf32> to vector<16xf32>
      %sub3A_436 = arith.subf %get3A_432, %get3A_435 : vector<16xf32>
      %mul3A_437 = arith.mulf %get3A_429, %sub3A_436 : vector<16xf32>
      %add3A_438 = arith.addf %add3A_422, %mul3A_437 : vector<16xf32>
      %add3A_439 = arith.constant 0 : i32
      %add3A_440 = arith.addi %add3A_407, %add3A_439 : i32
      %add3A_441 = arith.constant 256 : i32
      %add3A_442 = arith.addi %add3A_440, %add3A_441 : i32
      %get3A_443 = arith.index_cast %add3A_442 : i32 to index
      %get3A_444 = tpu.vector_load %arg25[%get3A_443] {strides = array<i32>} : memref<16384xf32, #tpu.memory_space<vmem>>, vector<16xf32>,
      %get3A_445 = vector.shape_cast %get3A_444 : vector<16xf32> to vector<16xf32>
      %get3A_446 = arith.index_cast %add3A_442 : i32 to index
      %get3A_447 = tpu.vector_load %arg26[%get3A_446] {strides = array<i32>} : memref<16384xf32, #tpu.memory_space<vmem>>, vector<16xf32>,
      %get3A_448 = vector.shape_cast %get3A_447 : vector<16xf32> to vector<16xf32>
      %get3A_449 = arith.index_cast %add3A_442 : i32 to index
      %get3A_450 = tpu.vector_load %arg27[%get3A_449] {strides = array<i32>} : memref<16384xf32, #tpu.memory_space<vmem>>, vector<16xf32>,
      %get3A_451 = vector.shape_cast %get3A_450 : vector<16xf32> to vector<16xf32>
      %sub3A_452 = arith.subf %get3A_448, %get3A_451 : vector<16xf32>
      %mul3A_453 = arith.mulf %get3A_445, %sub3A_452 : vector<16xf32>
      %add3A_454 = arith.addf %add3A_438, %mul3A_453 : vector<16xf32>
      %add3A_455 = arith.constant 0 : i32
      %add3A_456 = arith.addi %add3A_407, %add3A_455 : i32
      %add3A_457 = arith.constant 384 : i32
      %add3A_458 = arith.addi %add3A_456, %add3A_457 : i32
      %get3A_459 = arith.index_cast %add3A_458 : i32 to index
      %get3A_460 = tpu.vector_load %arg25[%get3A_459] {strides = array<i32>} : memref<16384xf32, #tpu.memory_space<vmem>>, vector<16xf32>,
      %get3A_461 = vector.shape_cast %get3A_460 : vector<16xf32> to vector<16xf32>
      %get3A_462 = arith.index_cast %add3A_458 : i32 to index
      %get3A_463 = tpu.vector_load %arg26[%get3A_462] {strides = array<i32>} : memref<16384xf32, #tpu.memory_space<vmem>>, vector<16xf32>,
      %get3A_464 = vector.shape_cast %get3A_463 : vector<16xf32> to vector<16xf32>
      %get3A_465 = arith.index_cast %add3A_458 : i32 to index
      %get3A_466 = tpu.vector_load %arg27[%get3A_465] {strides = array<i32>} : memref<16384xf32, #tpu.memory_space<vmem>>, vector<16xf32>,
      %get3A_467 = vector.shape_cast %get3A_466 : vector<16xf32> to vector<16xf32>
      %sub3A_468 = arith.subf %get3A_464, %get3A_467 : vector<16xf32>
      %mul3A_469 = arith.mulf %get3A_461, %sub3A_468 : vector<16xf32>
      %add3A_470 = arith.addf %add3A_454, %mul3A_469 : vector<16xf32>
      %add3A_471 = arith.constant 0 : i32
      %add3A_472 = arith.addi %add3A_407, %add3A_471 : i32
      %add3A_473 = arith.constant 512 : i32
      %add3A_474 = arith.addi %add3A_472, %add3A_473 : i32
      %get3A_475 = arith.index_cast %add3A_474 : i32 to index
      %get3A_476 = tpu.vector_load %arg25[%get3A_475] {strides = array<i32>} : memref<16384xf32, #tpu.memory_space<vmem>>, vector<16xf32>,
      %get3A_477 = vector.shape_cast %get3A_476 : vector<16xf32> to vector<16xf32>
      %get3A_478 = arith.index_cast %add3A_474 : i32 to index
      %get3A_479 = tpu.vector_load %arg26[%get3A_478] {strides = array<i32>} : memref<16384xf32, #tpu.memory_space<vmem>>, vector<16xf32>,
      %get3A_480 = vector.shape_cast %get3A_479 : vector<16xf32> to vector<16xf32>
      %get3A_481 = arith.index_cast %add3A_474 : i32 to index
      %get3A_482 = tpu.vector_load %arg27[%get3A_481] {strides = array<i32>} : memref<16384xf32, #tpu.memory_space<vmem>>, vector<16xf32>,
      %get3A_483 = vector.shape_cast %get3A_482 : vector<16xf32> to vector<16xf32>
      %sub3A_484 = arith.subf %get3A_480, %get3A_483 : vector<16xf32>
      %mul3A_485 = arith.mulf %get3A_477, %sub3A_484 : vector<16xf32>
      %add3A_486 = arith.addf %add3A_470, %mul3A_485 : vector<16xf32>
      %add3A_487 = arith.constant 0 : i32
      %add3A_488 = arith.addi %add3A_407, %add3A_487 : i32
      %add3A_489 = arith.constant 640 : i32
      %add3A_490 = arith.addi %add3A_488, %add3A_489 : i32
      %get3A_491 = arith.index_cast %add3A_490 : i32 to index
      %get3A_492 = tpu.vector_load %arg25[%get3A_491] {strides = array<i32>} : memref<16384xf32, #tpu.memory_space<vmem>>, vector<16xf32>,
      %get3A_493 = vector.shape_cast %get3A_492 : vector<16xf32> to vector<16xf32>
      %get3A_494 = arith.index_cast %add3A_490 : i32 to index
      %get3A_495 = tpu.vector_load %arg26[%get3A_494] {strides = array<i32>} : memref<16384xf32, #tpu.memory_space<vmem>>, vector<16xf32>,
      %get3A_496 = vector.shape_cast %get3A_495 : vector<16xf32> to vector<16xf32>
      %get3A_497 = arith.index_cast %add3A_490 : i32 to index
      %get3A_498 = tpu.vector_load %arg27[%get3A_497] {strides = array<i32>} : memref<16384xf32, #tpu.memory_space<vmem>>, vector<16xf32>,
      %get3A_499 = vector.shape_cast %get3A_498 : vector<16xf32> to vector<16xf32>
      %sub3A_500 = arith.subf %get3A_496, %get3A_499 : vector<16xf32>
      %mul3A_501 = arith.mulf %get3A_493, %sub3A_500 : vector<16xf32>
      %add3A_502 = arith.addf %add3A_486, %mul3A_501 : vector<16xf32>
      %add3A_503 = arith.constant 0 : i32
      %add3A_504 = arith.addi %add3A_407, %add3A_503 : i32
      %add3A_505 = arith.constant 768 : i32
      %add3A_506 = arith.addi %add3A_504, %add3A_505 : i32
      %get3A_507 = arith.index_cast %add3A_506 : i32 to index
      %get3A_508 = tpu.vector_load %arg25[%get3A_507] {strides = array<i32>} : memref<16384xf32, #tpu.memory_space<vmem>>, vector<16xf32>,
      %get3A_509 = vector.shape_cast %get3A_508 : vector<16xf32> to vector<16xf32>
      %get3A_510 = arith.index_cast %add3A_506 : i32 to index
      %get3A_511 = tpu.vector_load %arg26[%get3A_510] {strides = array<i32>} : memref<16384xf32, #tpu.memory_space<vmem>>, vector<16xf32>,
      %get3A_512 = vector.shape_cast %get3A_511 : vector<16xf32> to vector<16xf32>
      %get3A_513 = arith.index_cast %add3A_506 : i32 to index
      %get3A_514 = tpu.vector_load %arg27[%get3A_513] {strides = array<i32>} : memref<16384xf32, #tpu.memory_space<vmem>>, vector<16xf32>,
      %get3A_515 = vector.shape_cast %get3A_514 : vector<16xf32> to vector<16xf32>
      %sub3A_516 = arith.subf %get3A_512, %get3A_515 : vector<16xf32>
      %mul3A_517 = arith.mulf %get3A_509, %sub3A_516 : vector<16xf32>
      %add3A_518 = arith.addf %add3A_502, %mul3A_517 : vector<16xf32>
      %add3A_519 = arith.constant 0 : i32
      %add3A_520 = arith.addi %add3A_407, %add3A_519 : i32
      %add3A_521 = arith.constant 896 : i32
      %add3A_522 = arith.addi %add3A_520, %add3A_521 : i32
      %get3A_523 = arith.index_cast %add3A_522 : i32 to index
      %get3A_524 = tpu.vector_load %arg25[%get3A_523] {strides = array<i32>} : memref<16384xf32, #tpu.memory_space<vmem>>, vector<16xf32>,
      %get3A_525 = vector.shape_cast %get3A_524 : vector<16xf32> to vector<16xf32>
      %get3A_526 = arith.index_cast %add3A_522 : i32 to index
      %get3A_527 = tpu.vector_load %arg26[%get3A_526] {strides = array<i32>} : memref<16384xf32, #tpu.memory_space<vmem>>, vector<16xf32>,
      %get3A_528 = vector.shape_cast %get3A_527 : vector<16xf32> to vector<16xf32>
      %get3A_529 = arith.index_cast %add3A_522 : i32 to index
      %get3A_530 = tpu.vector_load %arg27[%get3A_529] {strides = array<i32>} : memref<16384xf32, #tpu.memory_space<vmem>>, vector<16xf32>,
      %get3A_531 = vector.shape_cast %get3A_530 : vector<16xf32> to vector<16xf32>
      %sub3A_532 = arith.subf %get3A_528, %get3A_531 : vector<16xf32>
      %mul3A_533 = arith.mulf %get3A_525, %sub3A_532 : vector<16xf32>
      %add3A_534 = arith.addf %add3A_518, %mul3A_533 : vector<16xf32>
      %mul3A_535 = arith.constant 16 : i32
      %mul3A_536 = arith.muli %scan3A_400, %mul3A_535 : i32
      %swap3A = arith.index_cast %mul3A_536 : i32 to index
      %swap3A_537 = tpu.vector_load %arg28[%swap3A] {strides = array<i32>} : memref<512xf32, #tpu.memory_space<vmem>>, vector<16xf32>,
      %swap3A_538 = vector.shape_cast %swap3A_537 : vector<16xf32> to vector<16xf32>
      %swap3A_539 = vector.shape_cast %add3A_534 : vector<16xf32> to vector<16xf32>
      tpu.vector_store %arg28[%swap3A], %swap3A_539 {strides = array<i32>} : memref<512xf32, #tpu.memory_space<vmem>>, vector<16xf32>,
    }
    %scan3A_179 = arith.constant 32 : i32
    %dma_wait3A_180 = arith.constant 4096 : i32
    %dma_wait3A_181 = tpu.memref_slice %arg25[%dma_wait3A_180] : memref<16384xf32, #tpu.memory_space<vmem>> -> memref<4096xf32, #tpu.memory_space<vmem>>
    %dma_wait3A_182 = arith.constant 0 : i32
    %dma_wait3A_183 = tpu.memref_slice %arg2[%dma_wait3A_182] : memref<64000000xf32, #tpu.memory_space<hbm>> -> memref<64000000xf32, #tpu.memory_space<hbm>>
    tpu.wait_indirect_dma semaphore(%arg30 : memref<!tpu.dma_semaphore, #tpu.memory_space<semaphore_mem>>) src(%dma_wait3A_183 : memref<64000000xf32, #tpu.memory_space<hbm>>) dst(%dma_wait3A_181 : memref<4096xf32, #tpu.memory_space<vmem>>)
    %mul3A_184 = arith.constant 8 : i32
    %mul3A_185 = arith.muli %mul3A_2, %mul3A_184 : i32
    %add3A_186 = arith.constant 131072 : i32
    %add3A_187 = arith.addi %add3A_186, %mul3A_185 : i32
    %dma_start3A_188 = arith.constant 4096 : i32
    %dma_start3A_189 = tpu.memref_slice %arg25[%dma_start3A_188] : memref<16384xf32, #tpu.memory_space<vmem>> -> memref<4096xf32, #tpu.memory_space<vmem>>
    %dma_start3A_190 = tpu.memref_slice %arg6[%add3A_187] : memref<524288xf32, #tpu.memory_space<hbm>> -> memref<4096xf32, #tpu.memory_space<hbm>>
    %dma_start3A_191 = tpu.memref_slice %arg6[%add3A_187] : memref<524288xf32, #tpu.memory_space<hbm>> -> memref<4096xf32, #tpu.memory_space<hbm>>
    %dma_start3A_192 = arith.constant 4096 : i32
    %dma_start3A_193 = tpu.memref_slice %arg25[%dma_start3A_192] : memref<16384xf32, #tpu.memory_space<vmem>> -> memref<4096xf32, #tpu.memory_space<vmem>>
    tpu.enqueue_dma source(%dma_start3A_193 : memref<4096xf32, #tpu.memory_space<vmem>>) target(%dma_start3A_191 : memref<4096xf32, #tpu.memory_space<hbm>>) target_semaphore(%arg41 : memref<!tpu.dma_semaphore, #tpu.memory_space<semaphore_mem>>)
    %dma_wait3A_194 = arith.constant 4096 : i32
    %dma_wait3A_195 = tpu.memref_slice %arg26[%dma_wait3A_194] : memref<16384xf32, #tpu.memory_space<vmem>> -> memref<4096xf32, #tpu.memory_space<vmem>>
    %dma_wait3A_196 = arith.constant 0 : i32
    %dma_wait3A_197 = tpu.memref_slice %arg2[%dma_wait3A_196] : memref<64000000xf32, #tpu.memory_space<hbm>> -> memref<64000000xf32, #tpu.memory_space<hbm>>
    tpu.wait_indirect_dma semaphore(%arg34 : memref<!tpu.dma_semaphore, #tpu.memory_space<semaphore_mem>>) src(%dma_wait3A_197 : memref<64000000xf32, #tpu.memory_space<hbm>>) dst(%dma_wait3A_195 : memref<4096xf32, #tpu.memory_space<vmem>>)
    %mul3A_198 = arith.constant 8 : i32
    %mul3A_199 = arith.muli %mul3A_2, %mul3A_198 : i32
    %add3A_200 = arith.constant 131072 : i32
    %add3A_201 = arith.addi %add3A_200, %mul3A_199 : i32
    %dma_start3A_202 = arith.constant 4096 : i32
    %dma_start3A_203 = tpu.memref_slice %arg26[%dma_start3A_202] : memref<16384xf32, #tpu.memory_space<vmem>> -> memref<4096xf32, #tpu.memory_space<vmem>>
    %dma_start3A_204 = tpu.memref_slice %arg7[%add3A_201] : memref<524288xf32, #tpu.memory_space<hbm>> -> memref<4096xf32, #tpu.memory_space<hbm>>
    %dma_start3A_205 = tpu.memref_slice %arg7[%add3A_201] : memref<524288xf32, #tpu.memory_space<hbm>> -> memref<4096xf32, #tpu.memory_space<hbm>>
    %dma_start3A_206 = arith.constant 4096 : i32
    %dma_start3A_207 = tpu.memref_slice %arg26[%dma_start3A_206] : memref<16384xf32, #tpu.memory_space<vmem>> -> memref<4096xf32, #tpu.memory_space<vmem>>
    tpu.enqueue_dma source(%dma_start3A_207 : memref<4096xf32, #tpu.memory_space<vmem>>) target(%dma_start3A_205 : memref<4096xf32, #tpu.memory_space<hbm>>) target_semaphore(%arg41 : memref<!tpu.dma_semaphore, #tpu.memory_space<semaphore_mem>>)
    %dma_wait3A_208 = arith.constant 4096 : i32
    %dma_wait3A_209 = tpu.memref_slice %arg27[%dma_wait3A_208] : memref<16384xf32, #tpu.memory_space<vmem>> -> memref<4096xf32, #tpu.memory_space<vmem>>
    %dma_wait3A_210 = arith.constant 0 : i32
    %dma_wait3A_211 = tpu.memref_slice %arg2[%dma_wait3A_210] : memref<64000000xf32, #tpu.memory_space<hbm>> -> memref<64000000xf32, #tpu.memory_space<hbm>>
    tpu.wait_indirect_dma semaphore(%arg38 : memref<!tpu.dma_semaphore, #tpu.memory_space<semaphore_mem>>) src(%dma_wait3A_211 : memref<64000000xf32, #tpu.memory_space<hbm>>) dst(%dma_wait3A_209 : memref<4096xf32, #tpu.memory_space<vmem>>)
    %mul3A_212 = arith.constant 8 : i32
    %mul3A_213 = arith.muli %mul3A_2, %mul3A_212 : i32
    %add3A_214 = arith.constant 131072 : i32
    %add3A_215 = arith.addi %add3A_214, %mul3A_213 : i32
    %dma_start3A_216 = arith.constant 4096 : i32
    %dma_start3A_217 = tpu.memref_slice %arg27[%dma_start3A_216] : memref<16384xf32, #tpu.memory_space<vmem>> -> memref<4096xf32, #tpu.memory_space<vmem>>
    %dma_start3A_218 = tpu.memref_slice %arg8[%add3A_215] : memref<524288xf32, #tpu.memory_space<hbm>> -> memref<4096xf32, #tpu.memory_space<hbm>>
    %dma_start3A_219 = tpu.memref_slice %arg8[%add3A_215] : memref<524288xf32, #tpu.memory_space<hbm>> -> memref<4096xf32, #tpu.memory_space<hbm>>
    %dma_start3A_220 = arith.constant 4096 : i32
    %dma_start3A_221 = tpu.memref_slice %arg27[%dma_start3A_220] : memref<16384xf32, #tpu.memory_space<vmem>> -> memref<4096xf32, #tpu.memory_space<vmem>>
    tpu.enqueue_dma source(%dma_start3A_221 : memref<4096xf32, #tpu.memory_space<vmem>>) target(%dma_start3A_219 : memref<4096xf32, #tpu.memory_space<hbm>>) target_semaphore(%arg41 : memref<!tpu.dma_semaphore, #tpu.memory_space<semaphore_mem>>)
    %scan3A_222 = arith.constant 0 : i32
    %scan3A_223 = arith.constant 0 : i32
    %scan3A_224 = arith.constant 32 : i32
    %scan3A_225 = arith.addi %scan3A_223, %scan3A_224 : i32
    %scan3A_226 = arith.constant 1 : i32
    scf.for %scan3A_400 = %scan3A_223 to %scan3A_225 step %scan3A_226  : i32 {
      %shift_right_arithmetic3A = arith.constant 3 : i32
      %shift_right_arithmetic3A_401 = arith.shrsi %scan3A_400, %shift_right_arithmetic3A : i32
      %mul3A_402 = arith.constant 1024 : i32
      %mul3A_403 = arith.muli %shift_right_arithmetic3A_401, %mul3A_402 : i32
      %and3A = arith.constant 7 : i32
      %and3A_404 = arith.andi %scan3A_400, %and3A : i32
      %mul3A_405 = arith.constant 16 : i32
      %mul3A_406 = arith.muli %and3A_404, %mul3A_405 : i32
      %add3A_407 = arith.addi %mul3A_403, %mul3A_406 : i32
      %mul3A_408 = arith.constant 16 : i32
      %mul3A_409 = arith.muli %scan3A_400, %mul3A_408 : i32
      %get3A = arith.index_cast %mul3A_409 : i32 to index
      %get3A_410 = tpu.vector_load %arg28[%get3A] {strides = array<i32>} : memref<512xf32, #tpu.memory_space<vmem>>, vector<16xf32>,
      %get3A_411 = vector.shape_cast %get3A_410 : vector<16xf32> to vector<16xf32>
      %add3A_412 = arith.constant 4096 : i32
      %add3A_413 = arith.addi %add3A_407, %add3A_412 : i32
      %add3A_414 = arith.constant 0 : i32
      %add3A_415 = arith.addi %add3A_413, %add3A_414 : i32
      %get3A_416 = arith.index_cast %add3A_415 : i32 to index
      %get3A_417 = tpu.vector_load %arg25[%get3A_416] {strides = array<i32>} : memref<16384xf32, #tpu.memory_space<vmem>>, vector<16xf32>,
      %get3A_418 = vector.shape_cast %get3A_417 : vector<16xf32> to vector<16xf32>
      %get3A_419 = arith.index_cast %add3A_415 : i32 to index
      %get3A_420 = tpu.vector_load %arg26[%get3A_419] {strides = array<i32>} : memref<16384xf32, #tpu.memory_space<vmem>>, vector<16xf32>,
      %get3A_421 = vector.shape_cast %get3A_420 : vector<16xf32> to vector<16xf32>
      %get3A_422 = arith.index_cast %add3A_415 : i32 to index
      %get3A_423 = tpu.vector_load %arg27[%get3A_422] {strides = array<i32>} : memref<16384xf32, #tpu.memory_space<vmem>>, vector<16xf32>,
      %get3A_424 = vector.shape_cast %get3A_423 : vector<16xf32> to vector<16xf32>
      %sub3A = arith.subf %get3A_421, %get3A_424 : vector<16xf32>
      %mul3A_425 = arith.mulf %get3A_418, %sub3A : vector<16xf32>
      %add3A_426 = arith.addf %get3A_411, %mul3A_425 : vector<16xf32>
      %add3A_427 = arith.constant 4096 : i32
      %add3A_428 = arith.addi %add3A_407, %add3A_427 : i32
      %add3A_429 = arith.constant 128 : i32
      %add3A_430 = arith.addi %add3A_428, %add3A_429 : i32
      %get3A_431 = arith.index_cast %add3A_430 : i32 to index
      %get3A_432 = tpu.vector_load %arg25[%get3A_431] {strides = array<i32>} : memref<16384xf32, #tpu.memory_space<vmem>>, vector<16xf32>,
      %get3A_433 = vector.shape_cast %get3A_432 : vector<16xf32> to vector<16xf32>
      %get3A_434 = arith.index_cast %add3A_430 : i32 to index
      %get3A_435 = tpu.vector_load %arg26[%get3A_434] {strides = array<i32>} : memref<16384xf32, #tpu.memory_space<vmem>>, vector<16xf32>,
      %get3A_436 = vector.shape_cast %get3A_435 : vector<16xf32> to vector<16xf32>
      %get3A_437 = arith.index_cast %add3A_430 : i32 to index
      %get3A_438 = tpu.vector_load %arg27[%get3A_437] {strides = array<i32>} : memref<16384xf32, #tpu.memory_space<vmem>>, vector<16xf32>,
      %get3A_439 = vector.shape_cast %get3A_438 : vector<16xf32> to vector<16xf32>
      %sub3A_440 = arith.subf %get3A_436, %get3A_439 : vector<16xf32>
      %mul3A_441 = arith.mulf %get3A_433, %sub3A_440 : vector<16xf32>
      %add3A_442 = arith.addf %add3A_426, %mul3A_441 : vector<16xf32>
      %add3A_443 = arith.constant 4096 : i32
      %add3A_444 = arith.addi %add3A_407, %add3A_443 : i32
      %add3A_445 = arith.constant 256 : i32
      %add3A_446 = arith.addi %add3A_444, %add3A_445 : i32
      %get3A_447 = arith.index_cast %add3A_446 : i32 to index
      %get3A_448 = tpu.vector_load %arg25[%get3A_447] {strides = array<i32>} : memref<16384xf32, #tpu.memory_space<vmem>>, vector<16xf32>,
      %get3A_449 = vector.shape_cast %get3A_448 : vector<16xf32> to vector<16xf32>
      %get3A_450 = arith.index_cast %add3A_446 : i32 to index
      %get3A_451 = tpu.vector_load %arg26[%get3A_450] {strides = array<i32>} : memref<16384xf32, #tpu.memory_space<vmem>>, vector<16xf32>,
      %get3A_452 = vector.shape_cast %get3A_451 : vector<16xf32> to vector<16xf32>
      %get3A_453 = arith.index_cast %add3A_446 : i32 to index
      %get3A_454 = tpu.vector_load %arg27[%get3A_453] {strides = array<i32>} : memref<16384xf32, #tpu.memory_space<vmem>>, vector<16xf32>,
      %get3A_455 = vector.shape_cast %get3A_454 : vector<16xf32> to vector<16xf32>
      %sub3A_456 = arith.subf %get3A_452, %get3A_455 : vector<16xf32>
      %mul3A_457 = arith.mulf %get3A_449, %sub3A_456 : vector<16xf32>
      %add3A_458 = arith.addf %add3A_442, %mul3A_457 : vector<16xf32>
      %add3A_459 = arith.constant 4096 : i32
      %add3A_460 = arith.addi %add3A_407, %add3A_459 : i32
      %add3A_461 = arith.constant 384 : i32
      %add3A_462 = arith.addi %add3A_460, %add3A_461 : i32
      %get3A_463 = arith.index_cast %add3A_462 : i32 to index
      %get3A_464 = tpu.vector_load %arg25[%get3A_463] {strides = array<i32>} : memref<16384xf32, #tpu.memory_space<vmem>>, vector<16xf32>,
      %get3A_465 = vector.shape_cast %get3A_464 : vector<16xf32> to vector<16xf32>
      %get3A_466 = arith.index_cast %add3A_462 : i32 to index
      %get3A_467 = tpu.vector_load %arg26[%get3A_466] {strides = array<i32>} : memref<16384xf32, #tpu.memory_space<vmem>>, vector<16xf32>,
      %get3A_468 = vector.shape_cast %get3A_467 : vector<16xf32> to vector<16xf32>
      %get3A_469 = arith.index_cast %add3A_462 : i32 to index
      %get3A_470 = tpu.vector_load %arg27[%get3A_469] {strides = array<i32>} : memref<16384xf32, #tpu.memory_space<vmem>>, vector<16xf32>,
      %get3A_471 = vector.shape_cast %get3A_470 : vector<16xf32> to vector<16xf32>
      %sub3A_472 = arith.subf %get3A_468, %get3A_471 : vector<16xf32>
      %mul3A_473 = arith.mulf %get3A_465, %sub3A_472 : vector<16xf32>
      %add3A_474 = arith.addf %add3A_458, %mul3A_473 : vector<16xf32>
      %add3A_475 = arith.constant 4096 : i32
      %add3A_476 = arith.addi %add3A_407, %add3A_475 : i32
      %add3A_477 = arith.constant 512 : i32
      %add3A_478 = arith.addi %add3A_476, %add3A_477 : i32
      %get3A_479 = arith.index_cast %add3A_478 : i32 to index
      %get3A_480 = tpu.vector_load %arg25[%get3A_479] {strides = array<i32>} : memref<16384xf32, #tpu.memory_space<vmem>>, vector<16xf32>,
      %get3A_481 = vector.shape_cast %get3A_480 : vector<16xf32> to vector<16xf32>
      %get3A_482 = arith.index_cast %add3A_478 : i32 to index
      %get3A_483 = tpu.vector_load %arg26[%get3A_482] {strides = array<i32>} : memref<16384xf32, #tpu.memory_space<vmem>>, vector<16xf32>,
      %get3A_484 = vector.shape_cast %get3A_483 : vector<16xf32> to vector<16xf32>
      %get3A_485 = arith.index_cast %add3A_478 : i32 to index
      %get3A_486 = tpu.vector_load %arg27[%get3A_485] {strides = array<i32>} : memref<16384xf32, #tpu.memory_space<vmem>>, vector<16xf32>,
      %get3A_487 = vector.shape_cast %get3A_486 : vector<16xf32> to vector<16xf32>
      %sub3A_488 = arith.subf %get3A_484, %get3A_487 : vector<16xf32>
      %mul3A_489 = arith.mulf %get3A_481, %sub3A_488 : vector<16xf32>
      %add3A_490 = arith.addf %add3A_474, %mul3A_489 : vector<16xf32>
      %add3A_491 = arith.constant 4096 : i32
      %add3A_492 = arith.addi %add3A_407, %add3A_491 : i32
      %add3A_493 = arith.constant 640 : i32
      %add3A_494 = arith.addi %add3A_492, %add3A_493 : i32
      %get3A_495 = arith.index_cast %add3A_494 : i32 to index
      %get3A_496 = tpu.vector_load %arg25[%get3A_495] {strides = array<i32>} : memref<16384xf32, #tpu.memory_space<vmem>>, vector<16xf32>,
      %get3A_497 = vector.shape_cast %get3A_496 : vector<16xf32> to vector<16xf32>
      %get3A_498 = arith.index_cast %add3A_494 : i32 to index
      %get3A_499 = tpu.vector_load %arg26[%get3A_498] {strides = array<i32>} : memref<16384xf32, #tpu.memory_space<vmem>>, vector<16xf32>,
      %get3A_500 = vector.shape_cast %get3A_499 : vector<16xf32> to vector<16xf32>
      %get3A_501 = arith.index_cast %add3A_494 : i32 to index
      %get3A_502 = tpu.vector_load %arg27[%get3A_501] {strides = array<i32>} : memref<16384xf32, #tpu.memory_space<vmem>>, vector<16xf32>,
      %get3A_503 = vector.shape_cast %get3A_502 : vector<16xf32> to vector<16xf32>
      %sub3A_504 = arith.subf %get3A_500, %get3A_503 : vector<16xf32>
      %mul3A_505 = arith.mulf %get3A_497, %sub3A_504 : vector<16xf32>
      %add3A_506 = arith.addf %add3A_490, %mul3A_505 : vector<16xf32>
      %add3A_507 = arith.constant 4096 : i32
      %add3A_508 = arith.addi %add3A_407, %add3A_507 : i32
      %add3A_509 = arith.constant 768 : i32
      %add3A_510 = arith.addi %add3A_508, %add3A_509 : i32
      %get3A_511 = arith.index_cast %add3A_510 : i32 to index
      %get3A_512 = tpu.vector_load %arg25[%get3A_511] {strides = array<i32>} : memref<16384xf32, #tpu.memory_space<vmem>>, vector<16xf32>,
      %get3A_513 = vector.shape_cast %get3A_512 : vector<16xf32> to vector<16xf32>
      %get3A_514 = arith.index_cast %add3A_510 : i32 to index
      %get3A_515 = tpu.vector_load %arg26[%get3A_514] {strides = array<i32>} : memref<16384xf32, #tpu.memory_space<vmem>>, vector<16xf32>,
      %get3A_516 = vector.shape_cast %get3A_515 : vector<16xf32> to vector<16xf32>
      %get3A_517 = arith.index_cast %add3A_510 : i32 to index
      %get3A_518 = tpu.vector_load %arg27[%get3A_517] {strides = array<i32>} : memref<16384xf32, #tpu.memory_space<vmem>>, vector<16xf32>,
      %get3A_519 = vector.shape_cast %get3A_518 : vector<16xf32> to vector<16xf32>
      %sub3A_520 = arith.subf %get3A_516, %get3A_519 : vector<16xf32>
      %mul3A_521 = arith.mulf %get3A_513, %sub3A_520 : vector<16xf32>
      %add3A_522 = arith.addf %add3A_506, %mul3A_521 : vector<16xf32>
      %add3A_523 = arith.constant 4096 : i32
      %add3A_524 = arith.addi %add3A_407, %add3A_523 : i32
      %add3A_525 = arith.constant 896 : i32
      %add3A_526 = arith.addi %add3A_524, %add3A_525 : i32
      %get3A_527 = arith.index_cast %add3A_526 : i32 to index
      %get3A_528 = tpu.vector_load %arg25[%get3A_527] {strides = array<i32>} : memref<16384xf32, #tpu.memory_space<vmem>>, vector<16xf32>,
      %get3A_529 = vector.shape_cast %get3A_528 : vector<16xf32> to vector<16xf32>
      %get3A_530 = arith.index_cast %add3A_526 : i32 to index
      %get3A_531 = tpu.vector_load %arg26[%get3A_530] {strides = array<i32>} : memref<16384xf32, #tpu.memory_space<vmem>>, vector<16xf32>,
      %get3A_532 = vector.shape_cast %get3A_531 : vector<16xf32> to vector<16xf32>
      %get3A_533 = arith.index_cast %add3A_526 : i32 to index
      %get3A_534 = tpu.vector_load %arg27[%get3A_533] {strides = array<i32>} : memref<16384xf32, #tpu.memory_space<vmem>>, vector<16xf32>,
      %get3A_535 = vector.shape_cast %get3A_534 : vector<16xf32> to vector<16xf32>
      %sub3A_536 = arith.subf %get3A_532, %get3A_535 : vector<16xf32>
      %mul3A_537 = arith.mulf %get3A_529, %sub3A_536 : vector<16xf32>
      %add3A_538 = arith.addf %add3A_522, %mul3A_537 : vector<16xf32>
      %mul3A_539 = arith.constant 16 : i32
      %mul3A_540 = arith.muli %scan3A_400, %mul3A_539 : i32
      %swap3A = arith.index_cast %mul3A_540 : i32 to index
      %swap3A_541 = tpu.vector_load %arg28[%swap3A] {strides = array<i32>} : memref<512xf32, #tpu.memory_space<vmem>>, vector<16xf32>,
      %swap3A_542 = vector.shape_cast %swap3A_541 : vector<16xf32> to vector<16xf32>
      %swap3A_543 = vector.shape_cast %add3A_538 : vector<16xf32> to vector<16xf32>
      tpu.vector_store %arg28[%swap3A], %swap3A_543 {strides = array<i32>} : memref<512xf32, #tpu.memory_space<vmem>>, vector<16xf32>,
    }
    %scan3A_227 = arith.constant 32 : i32
    %dma_wait3A_228 = arith.constant 8192 : i32
    %dma_wait3A_229 = tpu.memref_slice %arg25[%dma_wait3A_228] : memref<16384xf32, #tpu.memory_space<vmem>> -> memref<4096xf32, #tpu.memory_space<vmem>>
    %dma_wait3A_230 = arith.constant 0 : i32
    %dma_wait3A_231 = tpu.memref_slice %arg2[%dma_wait3A_230] : memref<64000000xf32, #tpu.memory_space<hbm>> -> memref<64000000xf32, #tpu.memory_space<hbm>>
    tpu.wait_indirect_dma semaphore(%arg31 : memref<!tpu.dma_semaphore, #tpu.memory_space<semaphore_mem>>) src(%dma_wait3A_231 : memref<64000000xf32, #tpu.memory_space<hbm>>) dst(%dma_wait3A_229 : memref<4096xf32, #tpu.memory_space<vmem>>)
    %mul3A_232 = arith.constant 8 : i32
    %mul3A_233 = arith.muli %mul3A_2, %mul3A_232 : i32
    %add3A_234 = arith.constant 262144 : i32
    %add3A_235 = arith.addi %add3A_234, %mul3A_233 : i32
    %dma_start3A_236 = arith.constant 8192 : i32
    %dma_start3A_237 = tpu.memref_slice %arg25[%dma_start3A_236] : memref<16384xf32, #tpu.memory_space<vmem>> -> memref<4096xf32, #tpu.memory_space<vmem>>
    %dma_start3A_238 = tpu.memref_slice %arg6[%add3A_235] : memref<524288xf32, #tpu.memory_space<hbm>> -> memref<4096xf32, #tpu.memory_space<hbm>>
    %dma_start3A_239 = tpu.memref_slice %arg6[%add3A_235] : memref<524288xf32, #tpu.memory_space<hbm>> -> memref<4096xf32, #tpu.memory_space<hbm>>
    %dma_start3A_240 = arith.constant 8192 : i32
    %dma_start3A_241 = tpu.memref_slice %arg25[%dma_start3A_240] : memref<16384xf32, #tpu.memory_space<vmem>> -> memref<4096xf32, #tpu.memory_space<vmem>>
    tpu.enqueue_dma source(%dma_start3A_241 : memref<4096xf32, #tpu.memory_space<vmem>>) target(%dma_start3A_239 : memref<4096xf32, #tpu.memory_space<hbm>>) target_semaphore(%arg41 : memref<!tpu.dma_semaphore, #tpu.memory_space<semaphore_mem>>)
    %dma_wait3A_242 = arith.constant 8192 : i32
    %dma_wait3A_243 = tpu.memref_slice %arg26[%dma_wait3A_242] : memref<16384xf32, #tpu.memory_space<vmem>> -> memref<4096xf32, #tpu.memory_space<vmem>>
    %dma_wait3A_244 = arith.constant 0 : i32
    %dma_wait3A_245 = tpu.memref_slice %arg2[%dma_wait3A_244] : memref<64000000xf32, #tpu.memory_space<hbm>> -> memref<64000000xf32, #tpu.memory_space<hbm>>
    tpu.wait_indirect_dma semaphore(%arg35 : memref<!tpu.dma_semaphore, #tpu.memory_space<semaphore_mem>>) src(%dma_wait3A_245 : memref<64000000xf32, #tpu.memory_space<hbm>>) dst(%dma_wait3A_243 : memref<4096xf32, #tpu.memory_space<vmem>>)
    %mul3A_246 = arith.constant 8 : i32
    %mul3A_247 = arith.muli %mul3A_2, %mul3A_246 : i32
    %add3A_248 = arith.constant 262144 : i32
    %add3A_249 = arith.addi %add3A_248, %mul3A_247 : i32
    %dma_start3A_250 = arith.constant 8192 : i32
    %dma_start3A_251 = tpu.memref_slice %arg26[%dma_start3A_250] : memref<16384xf32, #tpu.memory_space<vmem>> -> memref<4096xf32, #tpu.memory_space<vmem>>
    %dma_start3A_252 = tpu.memref_slice %arg7[%add3A_249] : memref<524288xf32, #tpu.memory_space<hbm>> -> memref<4096xf32, #tpu.memory_space<hbm>>
    %dma_start3A_253 = tpu.memref_slice %arg7[%add3A_249] : memref<524288xf32, #tpu.memory_space<hbm>> -> memref<4096xf32, #tpu.memory_space<hbm>>
    %dma_start3A_254 = arith.constant 8192 : i32
    %dma_start3A_255 = tpu.memref_slice %arg26[%dma_start3A_254] : memref<16384xf32, #tpu.memory_space<vmem>> -> memref<4096xf32, #tpu.memory_space<vmem>>
    tpu.enqueue_dma source(%dma_start3A_255 : memref<4096xf32, #tpu.memory_space<vmem>>) target(%dma_start3A_253 : memref<4096xf32, #tpu.memory_space<hbm>>) target_semaphore(%arg41 : memref<!tpu.dma_semaphore, #tpu.memory_space<semaphore_mem>>)
    %dma_wait3A_256 = arith.constant 8192 : i32
    %dma_wait3A_257 = tpu.memref_slice %arg27[%dma_wait3A_256] : memref<16384xf32, #tpu.memory_space<vmem>> -> memref<4096xf32, #tpu.memory_space<vmem>>
    %dma_wait3A_258 = arith.constant 0 : i32
    %dma_wait3A_259 = tpu.memref_slice %arg2[%dma_wait3A_258] : memref<64000000xf32, #tpu.memory_space<hbm>> -> memref<64000000xf32, #tpu.memory_space<hbm>>
    tpu.wait_indirect_dma semaphore(%arg39 : memref<!tpu.dma_semaphore, #tpu.memory_space<semaphore_mem>>) src(%dma_wait3A_259 : memref<64000000xf32, #tpu.memory_space<hbm>>) dst(%dma_wait3A_257 : memref<4096xf32, #tpu.memory_space<vmem>>)
    %mul3A_260 = arith.constant 8 : i32
    %mul3A_261 = arith.muli %mul3A_2, %mul3A_260 : i32
    %add3A_262 = arith.constant 262144 : i32
    %add3A_263 = arith.addi %add3A_262, %mul3A_261 : i32
    %dma_start3A_264 = arith.constant 8192 : i32
    %dma_start3A_265 = tpu.memref_slice %arg27[%dma_start3A_264] : memref<16384xf32, #tpu.memory_space<vmem>> -> memref<4096xf32, #tpu.memory_space<vmem>>
    %dma_start3A_266 = tpu.memref_slice %arg8[%add3A_263] : memref<524288xf32, #tpu.memory_space<hbm>> -> memref<4096xf32, #tpu.memory_space<hbm>>
    %dma_start3A_267 = tpu.memref_slice %arg8[%add3A_263] : memref<524288xf32, #tpu.memory_space<hbm>> -> memref<4096xf32, #tpu.memory_space<hbm>>
    %dma_start3A_268 = arith.constant 8192 : i32
    %dma_start3A_269 = tpu.memref_slice %arg27[%dma_start3A_268] : memref<16384xf32, #tpu.memory_space<vmem>> -> memref<4096xf32, #tpu.memory_space<vmem>>
    tpu.enqueue_dma source(%dma_start3A_269 : memref<4096xf32, #tpu.memory_space<vmem>>) target(%dma_start3A_267 : memref<4096xf32, #tpu.memory_space<hbm>>) target_semaphore(%arg41 : memref<!tpu.dma_semaphore, #tpu.memory_space<semaphore_mem>>)
    %scan3A_270 = arith.constant 0 : i32
    %scan3A_271 = arith.constant 0 : i32
    %scan3A_272 = arith.constant 32 : i32
    %scan3A_273 = arith.addi %scan3A_271, %scan3A_272 : i32
    %scan3A_274 = arith.constant 1 : i32
    scf.for %scan3A_400 = %scan3A_271 to %scan3A_273 step %scan3A_274  : i32 {
      %shift_right_arithmetic3A = arith.constant 3 : i32
      %shift_right_arithmetic3A_401 = arith.shrsi %scan3A_400, %shift_right_arithmetic3A : i32
      %mul3A_402 = arith.constant 1024 : i32
      %mul3A_403 = arith.muli %shift_right_arithmetic3A_401, %mul3A_402 : i32
      %and3A = arith.constant 7 : i32
      %and3A_404 = arith.andi %scan3A_400, %and3A : i32
      %mul3A_405 = arith.constant 16 : i32
      %mul3A_406 = arith.muli %and3A_404, %mul3A_405 : i32
      %add3A_407 = arith.addi %mul3A_403, %mul3A_406 : i32
      %mul3A_408 = arith.constant 16 : i32
      %mul3A_409 = arith.muli %scan3A_400, %mul3A_408 : i32
      %get3A = arith.index_cast %mul3A_409 : i32 to index
      %get3A_410 = tpu.vector_load %arg28[%get3A] {strides = array<i32>} : memref<512xf32, #tpu.memory_space<vmem>>, vector<16xf32>,
      %get3A_411 = vector.shape_cast %get3A_410 : vector<16xf32> to vector<16xf32>
      %add3A_412 = arith.constant 8192 : i32
      %add3A_413 = arith.addi %add3A_407, %add3A_412 : i32
      %add3A_414 = arith.constant 0 : i32
      %add3A_415 = arith.addi %add3A_413, %add3A_414 : i32
      %get3A_416 = arith.index_cast %add3A_415 : i32 to index
      %get3A_417 = tpu.vector_load %arg25[%get3A_416] {strides = array<i32>} : memref<16384xf32, #tpu.memory_space<vmem>>, vector<16xf32>,
      %get3A_418 = vector.shape_cast %get3A_417 : vector<16xf32> to vector<16xf32>
      %get3A_419 = arith.index_cast %add3A_415 : i32 to index
      %get3A_420 = tpu.vector_load %arg26[%get3A_419] {strides = array<i32>} : memref<16384xf32, #tpu.memory_space<vmem>>, vector<16xf32>,
      %get3A_421 = vector.shape_cast %get3A_420 : vector<16xf32> to vector<16xf32>
      %get3A_422 = arith.index_cast %add3A_415 : i32 to index
      %get3A_423 = tpu.vector_load %arg27[%get3A_422] {strides = array<i32>} : memref<16384xf32, #tpu.memory_space<vmem>>, vector<16xf32>,
      %get3A_424 = vector.shape_cast %get3A_423 : vector<16xf32> to vector<16xf32>
      %sub3A = arith.subf %get3A_421, %get3A_424 : vector<16xf32>
      %mul3A_425 = arith.mulf %get3A_418, %sub3A : vector<16xf32>
      %add3A_426 = arith.addf %get3A_411, %mul3A_425 : vector<16xf32>
      %add3A_427 = arith.constant 8192 : i32
      %add3A_428 = arith.addi %add3A_407, %add3A_427 : i32
      %add3A_429 = arith.constant 128 : i32
      %add3A_430 = arith.addi %add3A_428, %add3A_429 : i32
      %get3A_431 = arith.index_cast %add3A_430 : i32 to index
      %get3A_432 = tpu.vector_load %arg25[%get3A_431] {strides = array<i32>} : memref<16384xf32, #tpu.memory_space<vmem>>, vector<16xf32>,
      %get3A_433 = vector.shape_cast %get3A_432 : vector<16xf32> to vector<16xf32>
      %get3A_434 = arith.index_cast %add3A_430 : i32 to index
      %get3A_435 = tpu.vector_load %arg26[%get3A_434] {strides = array<i32>} : memref<16384xf32, #tpu.memory_space<vmem>>, vector<16xf32>,
      %get3A_436 = vector.shape_cast %get3A_435 : vector<16xf32> to vector<16xf32>
      %get3A_437 = arith.index_cast %add3A_430 : i32 to index
      %get3A_438 = tpu.vector_load %arg27[%get3A_437] {strides = array<i32>} : memref<16384xf32, #tpu.memory_space<vmem>>, vector<16xf32>,
      %get3A_439 = vector.shape_cast %get3A_438 : vector<16xf32> to vector<16xf32>
      %sub3A_440 = arith.subf %get3A_436, %get3A_439 : vector<16xf32>
      %mul3A_441 = arith.mulf %get3A_433, %sub3A_440 : vector<16xf32>
      %add3A_442 = arith.addf %add3A_426, %mul3A_441 : vector<16xf32>
      %add3A_443 = arith.constant 8192 : i32
      %add3A_444 = arith.addi %add3A_407, %add3A_443 : i32
      %add3A_445 = arith.constant 256 : i32
      %add3A_446 = arith.addi %add3A_444, %add3A_445 : i32
      %get3A_447 = arith.index_cast %add3A_446 : i32 to index
      %get3A_448 = tpu.vector_load %arg25[%get3A_447] {strides = array<i32>} : memref<16384xf32, #tpu.memory_space<vmem>>, vector<16xf32>,
      %get3A_449 = vector.shape_cast %get3A_448 : vector<16xf32> to vector<16xf32>
      %get3A_450 = arith.index_cast %add3A_446 : i32 to index
      %get3A_451 = tpu.vector_load %arg26[%get3A_450] {strides = array<i32>} : memref<16384xf32, #tpu.memory_space<vmem>>, vector<16xf32>,
      %get3A_452 = vector.shape_cast %get3A_451 : vector<16xf32> to vector<16xf32>
      %get3A_453 = arith.index_cast %add3A_446 : i32 to index
      %get3A_454 = tpu.vector_load %arg27[%get3A_453] {strides = array<i32>} : memref<16384xf32, #tpu.memory_space<vmem>>, vector<16xf32>,
      %get3A_455 = vector.shape_cast %get3A_454 : vector<16xf32> to vector<16xf32>
      %sub3A_456 = arith.subf %get3A_452, %get3A_455 : vector<16xf32>
      %mul3A_457 = arith.mulf %get3A_449, %sub3A_456 : vector<16xf32>
      %add3A_458 = arith.addf %add3A_442, %mul3A_457 : vector<16xf32>
      %add3A_459 = arith.constant 8192 : i32
      %add3A_460 = arith.addi %add3A_407, %add3A_459 : i32
      %add3A_461 = arith.constant 384 : i32
      %add3A_462 = arith.addi %add3A_460, %add3A_461 : i32
      %get3A_463 = arith.index_cast %add3A_462 : i32 to index
      %get3A_464 = tpu.vector_load %arg25[%get3A_463] {strides = array<i32>} : memref<16384xf32, #tpu.memory_space<vmem>>, vector<16xf32>,
      %get3A_465 = vector.shape_cast %get3A_464 : vector<16xf32> to vector<16xf32>
      %get3A_466 = arith.index_cast %add3A_462 : i32 to index
      %get3A_467 = tpu.vector_load %arg26[%get3A_466] {strides = array<i32>} : memref<16384xf32, #tpu.memory_space<vmem>>, vector<16xf32>,
      %get3A_468 = vector.shape_cast %get3A_467 : vector<16xf32> to vector<16xf32>
      %get3A_469 = arith.index_cast %add3A_462 : i32 to index
      %get3A_470 = tpu.vector_load %arg27[%get3A_469] {strides = array<i32>} : memref<16384xf32, #tpu.memory_space<vmem>>, vector<16xf32>,
      %get3A_471 = vector.shape_cast %get3A_470 : vector<16xf32> to vector<16xf32>
      %sub3A_472 = arith.subf %get3A_468, %get3A_471 : vector<16xf32>
      %mul3A_473 = arith.mulf %get3A_465, %sub3A_472 : vector<16xf32>
      %add3A_474 = arith.addf %add3A_458, %mul3A_473 : vector<16xf32>
      %add3A_475 = arith.constant 8192 : i32
      %add3A_476 = arith.addi %add3A_407, %add3A_475 : i32
      %add3A_477 = arith.constant 512 : i32
      %add3A_478 = arith.addi %add3A_476, %add3A_477 : i32
      %get3A_479 = arith.index_cast %add3A_478 : i32 to index
      %get3A_480 = tpu.vector_load %arg25[%get3A_479] {strides = array<i32>} : memref<16384xf32, #tpu.memory_space<vmem>>, vector<16xf32>,
      %get3A_481 = vector.shape_cast %get3A_480 : vector<16xf32> to vector<16xf32>
      %get3A_482 = arith.index_cast %add3A_478 : i32 to index
      %get3A_483 = tpu.vector_load %arg26[%get3A_482] {strides = array<i32>} : memref<16384xf32, #tpu.memory_space<vmem>>, vector<16xf32>,
      %get3A_484 = vector.shape_cast %get3A_483 : vector<16xf32> to vector<16xf32>
      %get3A_485 = arith.index_cast %add3A_478 : i32 to index
      %get3A_486 = tpu.vector_load %arg27[%get3A_485] {strides = array<i32>} : memref<16384xf32, #tpu.memory_space<vmem>>, vector<16xf32>,
      %get3A_487 = vector.shape_cast %get3A_486 : vector<16xf32> to vector<16xf32>
      %sub3A_488 = arith.subf %get3A_484, %get3A_487 : vector<16xf32>
      %mul3A_489 = arith.mulf %get3A_481, %sub3A_488 : vector<16xf32>
      %add3A_490 = arith.addf %add3A_474, %mul3A_489 : vector<16xf32>
      %add3A_491 = arith.constant 8192 : i32
      %add3A_492 = arith.addi %add3A_407, %add3A_491 : i32
      %add3A_493 = arith.constant 640 : i32
      %add3A_494 = arith.addi %add3A_492, %add3A_493 : i32
      %get3A_495 = arith.index_cast %add3A_494 : i32 to index
      %get3A_496 = tpu.vector_load %arg25[%get3A_495] {strides = array<i32>} : memref<16384xf32, #tpu.memory_space<vmem>>, vector<16xf32>,
      %get3A_497 = vector.shape_cast %get3A_496 : vector<16xf32> to vector<16xf32>
      %get3A_498 = arith.index_cast %add3A_494 : i32 to index
      %get3A_499 = tpu.vector_load %arg26[%get3A_498] {strides = array<i32>} : memref<16384xf32, #tpu.memory_space<vmem>>, vector<16xf32>,
      %get3A_500 = vector.shape_cast %get3A_499 : vector<16xf32> to vector<16xf32>
      %get3A_501 = arith.index_cast %add3A_494 : i32 to index
      %get3A_502 = tpu.vector_load %arg27[%get3A_501] {strides = array<i32>} : memref<16384xf32, #tpu.memory_space<vmem>>, vector<16xf32>,
      %get3A_503 = vector.shape_cast %get3A_502 : vector<16xf32> to vector<16xf32>
      %sub3A_504 = arith.subf %get3A_500, %get3A_503 : vector<16xf32>
      %mul3A_505 = arith.mulf %get3A_497, %sub3A_504 : vector<16xf32>
      %add3A_506 = arith.addf %add3A_490, %mul3A_505 : vector<16xf32>
      %add3A_507 = arith.constant 8192 : i32
      %add3A_508 = arith.addi %add3A_407, %add3A_507 : i32
      %add3A_509 = arith.constant 768 : i32
      %add3A_510 = arith.addi %add3A_508, %add3A_509 : i32
      %get3A_511 = arith.index_cast %add3A_510 : i32 to index
      %get3A_512 = tpu.vector_load %arg25[%get3A_511] {strides = array<i32>} : memref<16384xf32, #tpu.memory_space<vmem>>, vector<16xf32>,
      %get3A_513 = vector.shape_cast %get3A_512 : vector<16xf32> to vector<16xf32>
      %get3A_514 = arith.index_cast %add3A_510 : i32 to index
      %get3A_515 = tpu.vector_load %arg26[%get3A_514] {strides = array<i32>} : memref<16384xf32, #tpu.memory_space<vmem>>, vector<16xf32>,
      %get3A_516 = vector.shape_cast %get3A_515 : vector<16xf32> to vector<16xf32>
      %get3A_517 = arith.index_cast %add3A_510 : i32 to index
      %get3A_518 = tpu.vector_load %arg27[%get3A_517] {strides = array<i32>} : memref<16384xf32, #tpu.memory_space<vmem>>, vector<16xf32>,
      %get3A_519 = vector.shape_cast %get3A_518 : vector<16xf32> to vector<16xf32>
      %sub3A_520 = arith.subf %get3A_516, %get3A_519 : vector<16xf32>
      %mul3A_521 = arith.mulf %get3A_513, %sub3A_520 : vector<16xf32>
      %add3A_522 = arith.addf %add3A_506, %mul3A_521 : vector<16xf32>
      %add3A_523 = arith.constant 8192 : i32
      %add3A_524 = arith.addi %add3A_407, %add3A_523 : i32
      %add3A_525 = arith.constant 896 : i32
      %add3A_526 = arith.addi %add3A_524, %add3A_525 : i32
      %get3A_527 = arith.index_cast %add3A_526 : i32 to index
      %get3A_528 = tpu.vector_load %arg25[%get3A_527] {strides = array<i32>} : memref<16384xf32, #tpu.memory_space<vmem>>, vector<16xf32>,
      %get3A_529 = vector.shape_cast %get3A_528 : vector<16xf32> to vector<16xf32>
      %get3A_530 = arith.index_cast %add3A_526 : i32 to index
      %get3A_531 = tpu.vector_load %arg26[%get3A_530] {strides = array<i32>} : memref<16384xf32, #tpu.memory_space<vmem>>, vector<16xf32>,
      %get3A_532 = vector.shape_cast %get3A_531 : vector<16xf32> to vector<16xf32>
      %get3A_533 = arith.index_cast %add3A_526 : i32 to index
      %get3A_534 = tpu.vector_load %arg27[%get3A_533] {strides = array<i32>} : memref<16384xf32, #tpu.memory_space<vmem>>, vector<16xf32>,
      %get3A_535 = vector.shape_cast %get3A_534 : vector<16xf32> to vector<16xf32>
      %sub3A_536 = arith.subf %get3A_532, %get3A_535 : vector<16xf32>
      %mul3A_537 = arith.mulf %get3A_529, %sub3A_536 : vector<16xf32>
      %add3A_538 = arith.addf %add3A_522, %mul3A_537 : vector<16xf32>
      %mul3A_539 = arith.constant 16 : i32
      %mul3A_540 = arith.muli %scan3A_400, %mul3A_539 : i32
      %swap3A = arith.index_cast %mul3A_540 : i32 to index
      %swap3A_541 = tpu.vector_load %arg28[%swap3A] {strides = array<i32>} : memref<512xf32, #tpu.memory_space<vmem>>, vector<16xf32>,
      %swap3A_542 = vector.shape_cast %swap3A_541 : vector<16xf32> to vector<16xf32>
      %swap3A_543 = vector.shape_cast %add3A_538 : vector<16xf32> to vector<16xf32>
      tpu.vector_store %arg28[%swap3A], %swap3A_543 {strides = array<i32>} : memref<512xf32, #tpu.memory_space<vmem>>, vector<16xf32>,
    }
    %scan3A_275 = arith.constant 32 : i32
    %dma_wait3A_276 = arith.constant 12288 : i32
    %dma_wait3A_277 = tpu.memref_slice %arg25[%dma_wait3A_276] : memref<16384xf32, #tpu.memory_space<vmem>> -> memref<4096xf32, #tpu.memory_space<vmem>>
    %dma_wait3A_278 = arith.constant 0 : i32
    %dma_wait3A_279 = tpu.memref_slice %arg2[%dma_wait3A_278] : memref<64000000xf32, #tpu.memory_space<hbm>> -> memref<64000000xf32, #tpu.memory_space<hbm>>
    tpu.wait_indirect_dma semaphore(%arg32 : memref<!tpu.dma_semaphore, #tpu.memory_space<semaphore_mem>>) src(%dma_wait3A_279 : memref<64000000xf32, #tpu.memory_space<hbm>>) dst(%dma_wait3A_277 : memref<4096xf32, #tpu.memory_space<vmem>>)
    %mul3A_280 = arith.constant 8 : i32
    %mul3A_281 = arith.muli %mul3A_2, %mul3A_280 : i32
    %add3A_282 = arith.constant 393216 : i32
    %add3A_283 = arith.addi %add3A_282, %mul3A_281 : i32
    %dma_start3A_284 = arith.constant 12288 : i32
    %dma_start3A_285 = tpu.memref_slice %arg25[%dma_start3A_284] : memref<16384xf32, #tpu.memory_space<vmem>> -> memref<4096xf32, #tpu.memory_space<vmem>>
    %dma_start3A_286 = tpu.memref_slice %arg6[%add3A_283] : memref<524288xf32, #tpu.memory_space<hbm>> -> memref<4096xf32, #tpu.memory_space<hbm>>
    %dma_start3A_287 = tpu.memref_slice %arg6[%add3A_283] : memref<524288xf32, #tpu.memory_space<hbm>> -> memref<4096xf32, #tpu.memory_space<hbm>>
    %dma_start3A_288 = arith.constant 12288 : i32
    %dma_start3A_289 = tpu.memref_slice %arg25[%dma_start3A_288] : memref<16384xf32, #tpu.memory_space<vmem>> -> memref<4096xf32, #tpu.memory_space<vmem>>
    tpu.enqueue_dma source(%dma_start3A_289 : memref<4096xf32, #tpu.memory_space<vmem>>) target(%dma_start3A_287 : memref<4096xf32, #tpu.memory_space<hbm>>) target_semaphore(%arg41 : memref<!tpu.dma_semaphore, #tpu.memory_space<semaphore_mem>>)
    %dma_wait3A_290 = arith.constant 12288 : i32
    %dma_wait3A_291 = tpu.memref_slice %arg26[%dma_wait3A_290] : memref<16384xf32, #tpu.memory_space<vmem>> -> memref<4096xf32, #tpu.memory_space<vmem>>
    %dma_wait3A_292 = arith.constant 0 : i32
    %dma_wait3A_293 = tpu.memref_slice %arg2[%dma_wait3A_292] : memref<64000000xf32, #tpu.memory_space<hbm>> -> memref<64000000xf32, #tpu.memory_space<hbm>>
    tpu.wait_indirect_dma semaphore(%arg36 : memref<!tpu.dma_semaphore, #tpu.memory_space<semaphore_mem>>) src(%dma_wait3A_293 : memref<64000000xf32, #tpu.memory_space<hbm>>) dst(%dma_wait3A_291 : memref<4096xf32, #tpu.memory_space<vmem>>)
    %mul3A_294 = arith.constant 8 : i32
    %mul3A_295 = arith.muli %mul3A_2, %mul3A_294 : i32
    %add3A_296 = arith.constant 393216 : i32
    %add3A_297 = arith.addi %add3A_296, %mul3A_295 : i32
    %dma_start3A_298 = arith.constant 12288 : i32
    %dma_start3A_299 = tpu.memref_slice %arg26[%dma_start3A_298] : memref<16384xf32, #tpu.memory_space<vmem>> -> memref<4096xf32, #tpu.memory_space<vmem>>
    %dma_start3A_300 = tpu.memref_slice %arg7[%add3A_297] : memref<524288xf32, #tpu.memory_space<hbm>> -> memref<4096xf32, #tpu.memory_space<hbm>>
    %dma_start3A_301 = tpu.memref_slice %arg7[%add3A_297] : memref<524288xf32, #tpu.memory_space<hbm>> -> memref<4096xf32, #tpu.memory_space<hbm>>
    %dma_start3A_302 = arith.constant 12288 : i32
    %dma_start3A_303 = tpu.memref_slice %arg26[%dma_start3A_302] : memref<16384xf32, #tpu.memory_space<vmem>> -> memref<4096xf32, #tpu.memory_space<vmem>>
    tpu.enqueue_dma source(%dma_start3A_303 : memref<4096xf32, #tpu.memory_space<vmem>>) target(%dma_start3A_301 : memref<4096xf32, #tpu.memory_space<hbm>>) target_semaphore(%arg41 : memref<!tpu.dma_semaphore, #tpu.memory_space<semaphore_mem>>)
    %dma_wait3A_304 = arith.constant 12288 : i32
    %dma_wait3A_305 = tpu.memref_slice %arg27[%dma_wait3A_304] : memref<16384xf32, #tpu.memory_space<vmem>> -> memref<4096xf32, #tpu.memory_space<vmem>>
    %dma_wait3A_306 = arith.constant 0 : i32
    %dma_wait3A_307 = tpu.memref_slice %arg2[%dma_wait3A_306] : memref<64000000xf32, #tpu.memory_space<hbm>> -> memref<64000000xf32, #tpu.memory_space<hbm>>
    tpu.wait_indirect_dma semaphore(%arg40 : memref<!tpu.dma_semaphore, #tpu.memory_space<semaphore_mem>>) src(%dma_wait3A_307 : memref<64000000xf32, #tpu.memory_space<hbm>>) dst(%dma_wait3A_305 : memref<4096xf32, #tpu.memory_space<vmem>>)
    %mul3A_308 = arith.constant 8 : i32
    %mul3A_309 = arith.muli %mul3A_2, %mul3A_308 : i32
    %add3A_310 = arith.constant 393216 : i32
    %add3A_311 = arith.addi %add3A_310, %mul3A_309 : i32
    %dma_start3A_312 = arith.constant 12288 : i32
    %dma_start3A_313 = tpu.memref_slice %arg27[%dma_start3A_312] : memref<16384xf32, #tpu.memory_space<vmem>> -> memref<4096xf32, #tpu.memory_space<vmem>>
    %dma_start3A_314 = tpu.memref_slice %arg8[%add3A_311] : memref<524288xf32, #tpu.memory_space<hbm>> -> memref<4096xf32, #tpu.memory_space<hbm>>
    %dma_start3A_315 = tpu.memref_slice %arg8[%add3A_311] : memref<524288xf32, #tpu.memory_space<hbm>> -> memref<4096xf32, #tpu.memory_space<hbm>>
    %dma_start3A_316 = arith.constant 12288 : i32
    %dma_start3A_317 = tpu.memref_slice %arg27[%dma_start3A_316] : memref<16384xf32, #tpu.memory_space<vmem>> -> memref<4096xf32, #tpu.memory_space<vmem>>
    tpu.enqueue_dma source(%dma_start3A_317 : memref<4096xf32, #tpu.memory_space<vmem>>) target(%dma_start3A_315 : memref<4096xf32, #tpu.memory_space<hbm>>) target_semaphore(%arg41 : memref<!tpu.dma_semaphore, #tpu.memory_space<semaphore_mem>>)
    %scan3A_318 = arith.constant 0 : i32
    %scan3A_319 = arith.constant 0 : i32
    %scan3A_320 = arith.constant 32 : i32
    %scan3A_321 = arith.addi %scan3A_319, %scan3A_320 : i32
    %scan3A_322 = arith.constant 1 : i32
    scf.for %scan3A_400 = %scan3A_319 to %scan3A_321 step %scan3A_322  : i32 {
      %shift_right_arithmetic3A = arith.constant 3 : i32
      %shift_right_arithmetic3A_401 = arith.shrsi %scan3A_400, %shift_right_arithmetic3A : i32
      %mul3A_402 = arith.constant 1024 : i32
      %mul3A_403 = arith.muli %shift_right_arithmetic3A_401, %mul3A_402 : i32
      %and3A = arith.constant 7 : i32
      %and3A_404 = arith.andi %scan3A_400, %and3A : i32
      %mul3A_405 = arith.constant 16 : i32
      %mul3A_406 = arith.muli %and3A_404, %mul3A_405 : i32
      %add3A_407 = arith.addi %mul3A_403, %mul3A_406 : i32
      %mul3A_408 = arith.constant 16 : i32
      %mul3A_409 = arith.muli %scan3A_400, %mul3A_408 : i32
      %get3A = arith.index_cast %mul3A_409 : i32 to index
      %get3A_410 = tpu.vector_load %arg28[%get3A] {strides = array<i32>} : memref<512xf32, #tpu.memory_space<vmem>>, vector<16xf32>,
      %get3A_411 = vector.shape_cast %get3A_410 : vector<16xf32> to vector<16xf32>
      %add3A_412 = arith.constant 12288 : i32
      %add3A_413 = arith.addi %add3A_407, %add3A_412 : i32
      %add3A_414 = arith.constant 0 : i32
      %add3A_415 = arith.addi %add3A_413, %add3A_414 : i32
      %get3A_416 = arith.index_cast %add3A_415 : i32 to index
      %get3A_417 = tpu.vector_load %arg25[%get3A_416] {strides = array<i32>} : memref<16384xf32, #tpu.memory_space<vmem>>, vector<16xf32>,
      %get3A_418 = vector.shape_cast %get3A_417 : vector<16xf32> to vector<16xf32>
      %get3A_419 = arith.index_cast %add3A_415 : i32 to index
      %get3A_420 = tpu.vector_load %arg26[%get3A_419] {strides = array<i32>} : memref<16384xf32, #tpu.memory_space<vmem>>, vector<16xf32>,
      %get3A_421 = vector.shape_cast %get3A_420 : vector<16xf32> to vector<16xf32>
      %get3A_422 = arith.index_cast %add3A_415 : i32 to index
      %get3A_423 = tpu.vector_load %arg27[%get3A_422] {strides = array<i32>} : memref<16384xf32, #tpu.memory_space<vmem>>, vector<16xf32>,
      %get3A_424 = vector.shape_cast %get3A_423 : vector<16xf32> to vector<16xf32>
      %sub3A = arith.subf %get3A_421, %get3A_424 : vector<16xf32>
      %mul3A_425 = arith.mulf %get3A_418, %sub3A : vector<16xf32>
      %add3A_426 = arith.addf %get3A_411, %mul3A_425 : vector<16xf32>
      %add3A_427 = arith.constant 12288 : i32
      %add3A_428 = arith.addi %add3A_407, %add3A_427 : i32
      %add3A_429 = arith.constant 128 : i32
      %add3A_430 = arith.addi %add3A_428, %add3A_429 : i32
      %get3A_431 = arith.index_cast %add3A_430 : i32 to index
      %get3A_432 = tpu.vector_load %arg25[%get3A_431] {strides = array<i32>} : memref<16384xf32, #tpu.memory_space<vmem>>, vector<16xf32>,
      %get3A_433 = vector.shape_cast %get3A_432 : vector<16xf32> to vector<16xf32>
      %get3A_434 = arith.index_cast %add3A_430 : i32 to index
      %get3A_435 = tpu.vector_load %arg26[%get3A_434] {strides = array<i32>} : memref<16384xf32, #tpu.memory_space<vmem>>, vector<16xf32>,
      %get3A_436 = vector.shape_cast %get3A_435 : vector<16xf32> to vector<16xf32>
      %get3A_437 = arith.index_cast %add3A_430 : i32 to index
      %get3A_438 = tpu.vector_load %arg27[%get3A_437] {strides = array<i32>} : memref<16384xf32, #tpu.memory_space<vmem>>, vector<16xf32>,
      %get3A_439 = vector.shape_cast %get3A_438 : vector<16xf32> to vector<16xf32>
      %sub3A_440 = arith.subf %get3A_436, %get3A_439 : vector<16xf32>
      %mul3A_441 = arith.mulf %get3A_433, %sub3A_440 : vector<16xf32>
      %add3A_442 = arith.addf %add3A_426, %mul3A_441 : vector<16xf32>
      %add3A_443 = arith.constant 12288 : i32
      %add3A_444 = arith.addi %add3A_407, %add3A_443 : i32
      %add3A_445 = arith.constant 256 : i32
      %add3A_446 = arith.addi %add3A_444, %add3A_445 : i32
      %get3A_447 = arith.index_cast %add3A_446 : i32 to index
      %get3A_448 = tpu.vector_load %arg25[%get3A_447] {strides = array<i32>} : memref<16384xf32, #tpu.memory_space<vmem>>, vector<16xf32>,
      %get3A_449 = vector.shape_cast %get3A_448 : vector<16xf32> to vector<16xf32>
      %get3A_450 = arith.index_cast %add3A_446 : i32 to index
      %get3A_451 = tpu.vector_load %arg26[%get3A_450] {strides = array<i32>} : memref<16384xf32, #tpu.memory_space<vmem>>, vector<16xf32>,
      %get3A_452 = vector.shape_cast %get3A_451 : vector<16xf32> to vector<16xf32>
      %get3A_453 = arith.index_cast %add3A_446 : i32 to index
      %get3A_454 = tpu.vector_load %arg27[%get3A_453] {strides = array<i32>} : memref<16384xf32, #tpu.memory_space<vmem>>, vector<16xf32>,
      %get3A_455 = vector.shape_cast %get3A_454 : vector<16xf32> to vector<16xf32>
      %sub3A_456 = arith.subf %get3A_452, %get3A_455 : vector<16xf32>
      %mul3A_457 = arith.mulf %get3A_449, %sub3A_456 : vector<16xf32>
      %add3A_458 = arith.addf %add3A_442, %mul3A_457 : vector<16xf32>
      %add3A_459 = arith.constant 12288 : i32
      %add3A_460 = arith.addi %add3A_407, %add3A_459 : i32
      %add3A_461 = arith.constant 384 : i32
      %add3A_462 = arith.addi %add3A_460, %add3A_461 : i32
      %get3A_463 = arith.index_cast %add3A_462 : i32 to index
      %get3A_464 = tpu.vector_load %arg25[%get3A_463] {strides = array<i32>} : memref<16384xf32, #tpu.memory_space<vmem>>, vector<16xf32>,
      %get3A_465 = vector.shape_cast %get3A_464 : vector<16xf32> to vector<16xf32>
      %get3A_466 = arith.index_cast %add3A_462 : i32 to index
      %get3A_467 = tpu.vector_load %arg26[%get3A_466] {strides = array<i32>} : memref<16384xf32, #tpu.memory_space<vmem>>, vector<16xf32>,
      %get3A_468 = vector.shape_cast %get3A_467 : vector<16xf32> to vector<16xf32>
      %get3A_469 = arith.index_cast %add3A_462 : i32 to index
      %get3A_470 = tpu.vector_load %arg27[%get3A_469] {strides = array<i32>} : memref<16384xf32, #tpu.memory_space<vmem>>, vector<16xf32>,
      %get3A_471 = vector.shape_cast %get3A_470 : vector<16xf32> to vector<16xf32>
      %sub3A_472 = arith.subf %get3A_468, %get3A_471 : vector<16xf32>
      %mul3A_473 = arith.mulf %get3A_465, %sub3A_472 : vector<16xf32>
      %add3A_474 = arith.addf %add3A_458, %mul3A_473 : vector<16xf32>
      %add3A_475 = arith.constant 12288 : i32
      %add3A_476 = arith.addi %add3A_407, %add3A_475 : i32
      %add3A_477 = arith.constant 512 : i32
      %add3A_478 = arith.addi %add3A_476, %add3A_477 : i32
      %get3A_479 = arith.index_cast %add3A_478 : i32 to index
      %get3A_480 = tpu.vector_load %arg25[%get3A_479] {strides = array<i32>} : memref<16384xf32, #tpu.memory_space<vmem>>, vector<16xf32>,
      %get3A_481 = vector.shape_cast %get3A_480 : vector<16xf32> to vector<16xf32>
      %get3A_482 = arith.index_cast %add3A_478 : i32 to index
      %get3A_483 = tpu.vector_load %arg26[%get3A_482] {strides = array<i32>} : memref<16384xf32, #tpu.memory_space<vmem>>, vector<16xf32>,
      %get3A_484 = vector.shape_cast %get3A_483 : vector<16xf32> to vector<16xf32>
      %get3A_485 = arith.index_cast %add3A_478 : i32 to index
      %get3A_486 = tpu.vector_load %arg27[%get3A_485] {strides = array<i32>} : memref<16384xf32, #tpu.memory_space<vmem>>, vector<16xf32>,
      %get3A_487 = vector.shape_cast %get3A_486 : vector<16xf32> to vector<16xf32>
      %sub3A_488 = arith.subf %get3A_484, %get3A_487 : vector<16xf32>
      %mul3A_489 = arith.mulf %get3A_481, %sub3A_488 : vector<16xf32>
      %add3A_490 = arith.addf %add3A_474, %mul3A_489 : vector<16xf32>
      %add3A_491 = arith.constant 12288 : i32
      %add3A_492 = arith.addi %add3A_407, %add3A_491 : i32
      %add3A_493 = arith.constant 640 : i32
      %add3A_494 = arith.addi %add3A_492, %add3A_493 : i32
      %get3A_495 = arith.index_cast %add3A_494 : i32 to index
      %get3A_496 = tpu.vector_load %arg25[%get3A_495] {strides = array<i32>} : memref<16384xf32, #tpu.memory_space<vmem>>, vector<16xf32>,
      %get3A_497 = vector.shape_cast %get3A_496 : vector<16xf32> to vector<16xf32>
      %get3A_498 = arith.index_cast %add3A_494 : i32 to index
      %get3A_499 = tpu.vector_load %arg26[%get3A_498] {strides = array<i32>} : memref<16384xf32, #tpu.memory_space<vmem>>, vector<16xf32>,
      %get3A_500 = vector.shape_cast %get3A_499 : vector<16xf32> to vector<16xf32>
      %get3A_501 = arith.index_cast %add3A_494 : i32 to index
      %get3A_502 = tpu.vector_load %arg27[%get3A_501] {strides = array<i32>} : memref<16384xf32, #tpu.memory_space<vmem>>, vector<16xf32>,
      %get3A_503 = vector.shape_cast %get3A_502 : vector<16xf32> to vector<16xf32>
      %sub3A_504 = arith.subf %get3A_500, %get3A_503 : vector<16xf32>
      %mul3A_505 = arith.mulf %get3A_497, %sub3A_504 : vector<16xf32>
      %add3A_506 = arith.addf %add3A_490, %mul3A_505 : vector<16xf32>
      %add3A_507 = arith.constant 12288 : i32
      %add3A_508 = arith.addi %add3A_407, %add3A_507 : i32
      %add3A_509 = arith.constant 768 : i32
      %add3A_510 = arith.addi %add3A_508, %add3A_509 : i32
      %get3A_511 = arith.index_cast %add3A_510 : i32 to index
      %get3A_512 = tpu.vector_load %arg25[%get3A_511] {strides = array<i32>} : memref<16384xf32, #tpu.memory_space<vmem>>, vector<16xf32>,
      %get3A_513 = vector.shape_cast %get3A_512 : vector<16xf32> to vector<16xf32>
      %get3A_514 = arith.index_cast %add3A_510 : i32 to index
      %get3A_515 = tpu.vector_load %arg26[%get3A_514] {strides = array<i32>} : memref<16384xf32, #tpu.memory_space<vmem>>, vector<16xf32>,
      %get3A_516 = vector.shape_cast %get3A_515 : vector<16xf32> to vector<16xf32>
      %get3A_517 = arith.index_cast %add3A_510 : i32 to index
      %get3A_518 = tpu.vector_load %arg27[%get3A_517] {strides = array<i32>} : memref<16384xf32, #tpu.memory_space<vmem>>, vector<16xf32>,
      %get3A_519 = vector.shape_cast %get3A_518 : vector<16xf32> to vector<16xf32>
      %sub3A_520 = arith.subf %get3A_516, %get3A_519 : vector<16xf32>
      %mul3A_521 = arith.mulf %get3A_513, %sub3A_520 : vector<16xf32>
      %add3A_522 = arith.addf %add3A_506, %mul3A_521 : vector<16xf32>
      %add3A_523 = arith.constant 12288 : i32
      %add3A_524 = arith.addi %add3A_407, %add3A_523 : i32
      %add3A_525 = arith.constant 896 : i32
      %add3A_526 = arith.addi %add3A_524, %add3A_525 : i32
      %get3A_527 = arith.index_cast %add3A_526 : i32 to index
      %get3A_528 = tpu.vector_load %arg25[%get3A_527] {strides = array<i32>} : memref<16384xf32, #tpu.memory_space<vmem>>, vector<16xf32>,
      %get3A_529 = vector.shape_cast %get3A_528 : vector<16xf32> to vector<16xf32>
      %get3A_530 = arith.index_cast %add3A_526 : i32 to index
      %get3A_531 = tpu.vector_load %arg26[%get3A_530] {strides = array<i32>} : memref<16384xf32, #tpu.memory_space<vmem>>, vector<16xf32>,
      %get3A_532 = vector.shape_cast %get3A_531 : vector<16xf32> to vector<16xf32>
      %get3A_533 = arith.index_cast %add3A_526 : i32 to index
      %get3A_534 = tpu.vector_load %arg27[%get3A_533] {strides = array<i32>} : memref<16384xf32, #tpu.memory_space<vmem>>, vector<16xf32>,
      %get3A_535 = vector.shape_cast %get3A_534 : vector<16xf32> to vector<16xf32>
      %sub3A_536 = arith.subf %get3A_532, %get3A_535 : vector<16xf32>
      %mul3A_537 = arith.mulf %get3A_529, %sub3A_536 : vector<16xf32>
      %add3A_538 = arith.addf %add3A_522, %mul3A_537 : vector<16xf32>
      %mul3A_539 = arith.constant 16 : i32
      %mul3A_540 = arith.muli %scan3A_400, %mul3A_539 : i32
      %swap3A = arith.index_cast %mul3A_540 : i32 to index
      %swap3A_541 = tpu.vector_load %arg28[%swap3A] {strides = array<i32>} : memref<512xf32, #tpu.memory_space<vmem>>, vector<16xf32>,
      %swap3A_542 = vector.shape_cast %swap3A_541 : vector<16xf32> to vector<16xf32>
      %swap3A_543 = vector.shape_cast %add3A_538 : vector<16xf32> to vector<16xf32>
      tpu.vector_store %arg28[%swap3A], %swap3A_543 {strides = array<i32>} : memref<512xf32, #tpu.memory_space<vmem>>, vector<16xf32>,
    }
    %scan3A_323 = arith.constant 32 : i32
    %dma_start3A_324 = tpu.memref_slice %arg9[%mul3A_2] : memref<16384xf32, #tpu.memory_space<hbm>> -> memref<512xf32, #tpu.memory_space<hbm>>
    %dma_start3A_325 = tpu.memref_slice %arg9[%mul3A_2] : memref<16384xf32, #tpu.memory_space<hbm>> -> memref<512xf32, #tpu.memory_space<hbm>>
    tpu.enqueue_dma source(%arg28 : memref<512xf32, #tpu.memory_space<vmem>>) target(%dma_start3A_325 : memref<512xf32, #tpu.memory_space<hbm>>) target_semaphore(%arg41 : memref<!tpu.dma_semaphore, #tpu.memory_space<semaphore_mem>>)
    %dma_wait3A_326 = arith.constant 0 : i32
    %dma_wait3A_327 = tpu.memref_slice %arg25[%dma_wait3A_326] : memref<16384xf32, #tpu.memory_space<vmem>> -> memref<4096xf32, #tpu.memory_space<vmem>>
    %dma_wait3A_328 = tpu.memref_slice %arg6[%add3A_139] : memref<524288xf32, #tpu.memory_space<hbm>> -> memref<4096xf32, #tpu.memory_space<hbm>>
    %dma_wait3A_329 = tpu.memref_slice %arg6[%add3A_139] : memref<524288xf32, #tpu.memory_space<hbm>> -> memref<4096xf32, #tpu.memory_space<hbm>>
    %dma_wait3A_330 = arith.constant 0 : i32
    %dma_wait3A_331 = tpu.memref_slice %arg25[%dma_wait3A_330] : memref<16384xf32, #tpu.memory_space<vmem>> -> memref<4096xf32, #tpu.memory_space<vmem>>
    tpu.wait_dma2 semaphore(%arg41 : memref<!tpu.dma_semaphore, #tpu.memory_space<semaphore_mem>>) src(%dma_wait3A_331 : memref<4096xf32, #tpu.memory_space<vmem>>) dst(%dma_wait3A_329 : memref<4096xf32, #tpu.memory_space<hbm>>)
    %dma_wait3A_332 = arith.constant 0 : i32
    %dma_wait3A_333 = tpu.memref_slice %arg26[%dma_wait3A_332] : memref<16384xf32, #tpu.memory_space<vmem>> -> memref<4096xf32, #tpu.memory_space<vmem>>
    %dma_wait3A_334 = tpu.memref_slice %arg7[%add3A_153] : memref<524288xf32, #tpu.memory_space<hbm>> -> memref<4096xf32, #tpu.memory_space<hbm>>
    %dma_wait3A_335 = tpu.memref_slice %arg7[%add3A_153] : memref<524288xf32, #tpu.memory_space<hbm>> -> memref<4096xf32, #tpu.memory_space<hbm>>
    %dma_wait3A_336 = arith.constant 0 : i32
    %dma_wait3A_337 = tpu.memref_slice %arg26[%dma_wait3A_336] : memref<16384xf32, #tpu.memory_space<vmem>> -> memref<4096xf32, #tpu.memory_space<vmem>>
    tpu.wait_dma2 semaphore(%arg41 : memref<!tpu.dma_semaphore, #tpu.memory_space<semaphore_mem>>) src(%dma_wait3A_337 : memref<4096xf32, #tpu.memory_space<vmem>>) dst(%dma_wait3A_335 : memref<4096xf32, #tpu.memory_space<hbm>>)
    %dma_wait3A_338 = arith.constant 0 : i32
    %dma_wait3A_339 = tpu.memref_slice %arg27[%dma_wait3A_338] : memref<16384xf32, #tpu.memory_space<vmem>> -> memref<4096xf32, #tpu.memory_space<vmem>>
    %dma_wait3A_340 = tpu.memref_slice %arg8[%add3A_167] : memref<524288xf32, #tpu.memory_space<hbm>> -> memref<4096xf32, #tpu.memory_space<hbm>>
    %dma_wait3A_341 = tpu.memref_slice %arg8[%add3A_167] : memref<524288xf32, #tpu.memory_space<hbm>> -> memref<4096xf32, #tpu.memory_space<hbm>>
    %dma_wait3A_342 = arith.constant 0 : i32
    %dma_wait3A_343 = tpu.memref_slice %arg27[%dma_wait3A_342] : memref<16384xf32, #tpu.memory_space<vmem>> -> memref<4096xf32, #tpu.memory_space<vmem>>
    tpu.wait_dma2 semaphore(%arg41 : memref<!tpu.dma_semaphore, #tpu.memory_space<semaphore_mem>>) src(%dma_wait3A_343 : memref<4096xf32, #tpu.memory_space<vmem>>) dst(%dma_wait3A_341 : memref<4096xf32, #tpu.memory_space<hbm>>)
    %dma_wait3A_344 = arith.constant 4096 : i32
    %dma_wait3A_345 = tpu.memref_slice %arg25[%dma_wait3A_344] : memref<16384xf32, #tpu.memory_space<vmem>> -> memref<4096xf32, #tpu.memory_space<vmem>>
    %dma_wait3A_346 = tpu.memref_slice %arg6[%add3A_187] : memref<524288xf32, #tpu.memory_space<hbm>> -> memref<4096xf32, #tpu.memory_space<hbm>>
    %dma_wait3A_347 = tpu.memref_slice %arg6[%add3A_187] : memref<524288xf32, #tpu.memory_space<hbm>> -> memref<4096xf32, #tpu.memory_space<hbm>>
    %dma_wait3A_348 = arith.constant 4096 : i32
    %dma_wait3A_349 = tpu.memref_slice %arg25[%dma_wait3A_348] : memref<16384xf32, #tpu.memory_space<vmem>> -> memref<4096xf32, #tpu.memory_space<vmem>>
    tpu.wait_dma2 semaphore(%arg41 : memref<!tpu.dma_semaphore, #tpu.memory_space<semaphore_mem>>) src(%dma_wait3A_349 : memref<4096xf32, #tpu.memory_space<vmem>>) dst(%dma_wait3A_347 : memref<4096xf32, #tpu.memory_space<hbm>>)
    %dma_wait3A_350 = arith.constant 4096 : i32
    %dma_wait3A_351 = tpu.memref_slice %arg26[%dma_wait3A_350] : memref<16384xf32, #tpu.memory_space<vmem>> -> memref<4096xf32, #tpu.memory_space<vmem>>
    %dma_wait3A_352 = tpu.memref_slice %arg7[%add3A_201] : memref<524288xf32, #tpu.memory_space<hbm>> -> memref<4096xf32, #tpu.memory_space<hbm>>
    %dma_wait3A_353 = tpu.memref_slice %arg7[%add3A_201] : memref<524288xf32, #tpu.memory_space<hbm>> -> memref<4096xf32, #tpu.memory_space<hbm>>
    %dma_wait3A_354 = arith.constant 4096 : i32
    %dma_wait3A_355 = tpu.memref_slice %arg26[%dma_wait3A_354] : memref<16384xf32, #tpu.memory_space<vmem>> -> memref<4096xf32, #tpu.memory_space<vmem>>
    tpu.wait_dma2 semaphore(%arg41 : memref<!tpu.dma_semaphore, #tpu.memory_space<semaphore_mem>>) src(%dma_wait3A_355 : memref<4096xf32, #tpu.memory_space<vmem>>) dst(%dma_wait3A_353 : memref<4096xf32, #tpu.memory_space<hbm>>)
    %dma_wait3A_356 = arith.constant 4096 : i32
    %dma_wait3A_357 = tpu.memref_slice %arg27[%dma_wait3A_356] : memref<16384xf32, #tpu.memory_space<vmem>> -> memref<4096xf32, #tpu.memory_space<vmem>>
    %dma_wait3A_358 = tpu.memref_slice %arg8[%add3A_215] : memref<524288xf32, #tpu.memory_space<hbm>> -> memref<4096xf32, #tpu.memory_space<hbm>>
    %dma_wait3A_359 = tpu.memref_slice %arg8[%add3A_215] : memref<524288xf32, #tpu.memory_space<hbm>> -> memref<4096xf32, #tpu.memory_space<hbm>>
    %dma_wait3A_360 = arith.constant 4096 : i32
    %dma_wait3A_361 = tpu.memref_slice %arg27[%dma_wait3A_360] : memref<16384xf32, #tpu.memory_space<vmem>> -> memref<4096xf32, #tpu.memory_space<vmem>>
    tpu.wait_dma2 semaphore(%arg41 : memref<!tpu.dma_semaphore, #tpu.memory_space<semaphore_mem>>) src(%dma_wait3A_361 : memref<4096xf32, #tpu.memory_space<vmem>>) dst(%dma_wait3A_359 : memref<4096xf32, #tpu.memory_space<hbm>>)
    %dma_wait3A_362 = arith.constant 8192 : i32
    %dma_wait3A_363 = tpu.memref_slice %arg25[%dma_wait3A_362] : memref<16384xf32, #tpu.memory_space<vmem>> -> memref<4096xf32, #tpu.memory_space<vmem>>
    %dma_wait3A_364 = tpu.memref_slice %arg6[%add3A_235] : memref<524288xf32, #tpu.memory_space<hbm>> -> memref<4096xf32, #tpu.memory_space<hbm>>
    %dma_wait3A_365 = tpu.memref_slice %arg6[%add3A_235] : memref<524288xf32, #tpu.memory_space<hbm>> -> memref<4096xf32, #tpu.memory_space<hbm>>
    %dma_wait3A_366 = arith.constant 8192 : i32
    %dma_wait3A_367 = tpu.memref_slice %arg25[%dma_wait3A_366] : memref<16384xf32, #tpu.memory_space<vmem>> -> memref<4096xf32, #tpu.memory_space<vmem>>
    tpu.wait_dma2 semaphore(%arg41 : memref<!tpu.dma_semaphore, #tpu.memory_space<semaphore_mem>>) src(%dma_wait3A_367 : memref<4096xf32, #tpu.memory_space<vmem>>) dst(%dma_wait3A_365 : memref<4096xf32, #tpu.memory_space<hbm>>)
    %dma_wait3A_368 = arith.constant 8192 : i32
    %dma_wait3A_369 = tpu.memref_slice %arg26[%dma_wait3A_368] : memref<16384xf32, #tpu.memory_space<vmem>> -> memref<4096xf32, #tpu.memory_space<vmem>>
    %dma_wait3A_370 = tpu.memref_slice %arg7[%add3A_249] : memref<524288xf32, #tpu.memory_space<hbm>> -> memref<4096xf32, #tpu.memory_space<hbm>>
    %dma_wait3A_371 = tpu.memref_slice %arg7[%add3A_249] : memref<524288xf32, #tpu.memory_space<hbm>> -> memref<4096xf32, #tpu.memory_space<hbm>>
    %dma_wait3A_372 = arith.constant 8192 : i32
    %dma_wait3A_373 = tpu.memref_slice %arg26[%dma_wait3A_372] : memref<16384xf32, #tpu.memory_space<vmem>> -> memref<4096xf32, #tpu.memory_space<vmem>>
    tpu.wait_dma2 semaphore(%arg41 : memref<!tpu.dma_semaphore, #tpu.memory_space<semaphore_mem>>) src(%dma_wait3A_373 : memref<4096xf32, #tpu.memory_space<vmem>>) dst(%dma_wait3A_371 : memref<4096xf32, #tpu.memory_space<hbm>>)
    %dma_wait3A_374 = arith.constant 8192 : i32
    %dma_wait3A_375 = tpu.memref_slice %arg27[%dma_wait3A_374] : memref<16384xf32, #tpu.memory_space<vmem>> -> memref<4096xf32, #tpu.memory_space<vmem>>
    %dma_wait3A_376 = tpu.memref_slice %arg8[%add3A_263] : memref<524288xf32, #tpu.memory_space<hbm>> -> memref<4096xf32, #tpu.memory_space<hbm>>
    %dma_wait3A_377 = tpu.memref_slice %arg8[%add3A_263] : memref<524288xf32, #tpu.memory_space<hbm>> -> memref<4096xf32, #tpu.memory_space<hbm>>
    %dma_wait3A_378 = arith.constant 8192 : i32
    %dma_wait3A_379 = tpu.memref_slice %arg27[%dma_wait3A_378] : memref<16384xf32, #tpu.memory_space<vmem>> -> memref<4096xf32, #tpu.memory_space<vmem>>
    tpu.wait_dma2 semaphore(%arg41 : memref<!tpu.dma_semaphore, #tpu.memory_space<semaphore_mem>>) src(%dma_wait3A_379 : memref<4096xf32, #tpu.memory_space<vmem>>) dst(%dma_wait3A_377 : memref<4096xf32, #tpu.memory_space<hbm>>)
    %dma_wait3A_380 = arith.constant 12288 : i32
    %dma_wait3A_381 = tpu.memref_slice %arg25[%dma_wait3A_380] : memref<16384xf32, #tpu.memory_space<vmem>> -> memref<4096xf32, #tpu.memory_space<vmem>>
    %dma_wait3A_382 = tpu.memref_slice %arg6[%add3A_283] : memref<524288xf32, #tpu.memory_space<hbm>> -> memref<4096xf32, #tpu.memory_space<hbm>>
    %dma_wait3A_383 = tpu.memref_slice %arg6[%add3A_283] : memref<524288xf32, #tpu.memory_space<hbm>> -> memref<4096xf32, #tpu.memory_space<hbm>>
    %dma_wait3A_384 = arith.constant 12288 : i32
    %dma_wait3A_385 = tpu.memref_slice %arg25[%dma_wait3A_384] : memref<16384xf32, #tpu.memory_space<vmem>> -> memref<4096xf32, #tpu.memory_space<vmem>>
    tpu.wait_dma2 semaphore(%arg41 : memref<!tpu.dma_semaphore, #tpu.memory_space<semaphore_mem>>) src(%dma_wait3A_385 : memref<4096xf32, #tpu.memory_space<vmem>>) dst(%dma_wait3A_383 : memref<4096xf32, #tpu.memory_space<hbm>>)
    %dma_wait3A_386 = arith.constant 12288 : i32
    %dma_wait3A_387 = tpu.memref_slice %arg26[%dma_wait3A_386] : memref<16384xf32, #tpu.memory_space<vmem>> -> memref<4096xf32, #tpu.memory_space<vmem>>
    %dma_wait3A_388 = tpu.memref_slice %arg7[%add3A_297] : memref<524288xf32, #tpu.memory_space<hbm>> -> memref<4096xf32, #tpu.memory_space<hbm>>
    %dma_wait3A_389 = tpu.memref_slice %arg7[%add3A_297] : memref<524288xf32, #tpu.memory_space<hbm>> -> memref<4096xf32, #tpu.memory_space<hbm>>
    %dma_wait3A_390 = arith.constant 12288 : i32
    %dma_wait3A_391 = tpu.memref_slice %arg26[%dma_wait3A_390] : memref<16384xf32, #tpu.memory_space<vmem>> -> memref<4096xf32, #tpu.memory_space<vmem>>
    tpu.wait_dma2 semaphore(%arg41 : memref<!tpu.dma_semaphore, #tpu.memory_space<semaphore_mem>>) src(%dma_wait3A_391 : memref<4096xf32, #tpu.memory_space<vmem>>) dst(%dma_wait3A_389 : memref<4096xf32, #tpu.memory_space<hbm>>)
    %dma_wait3A_392 = arith.constant 12288 : i32
    %dma_wait3A_393 = tpu.memref_slice %arg27[%dma_wait3A_392] : memref<16384xf32, #tpu.memory_space<vmem>> -> memref<4096xf32, #tpu.memory_space<vmem>>
    %dma_wait3A_394 = tpu.memref_slice %arg8[%add3A_311] : memref<524288xf32, #tpu.memory_space<hbm>> -> memref<4096xf32, #tpu.memory_space<hbm>>
    %dma_wait3A_395 = tpu.memref_slice %arg8[%add3A_311] : memref<524288xf32, #tpu.memory_space<hbm>> -> memref<4096xf32, #tpu.memory_space<hbm>>
    %dma_wait3A_396 = arith.constant 12288 : i32
    %dma_wait3A_397 = tpu.memref_slice %arg27[%dma_wait3A_396] : memref<16384xf32, #tpu.memory_space<vmem>> -> memref<4096xf32, #tpu.memory_space<vmem>>
    tpu.wait_dma2 semaphore(%arg41 : memref<!tpu.dma_semaphore, #tpu.memory_space<semaphore_mem>>) src(%dma_wait3A_397 : memref<4096xf32, #tpu.memory_space<vmem>>) dst(%dma_wait3A_395 : memref<4096xf32, #tpu.memory_space<hbm>>)
    %dma_wait3A_398 = tpu.memref_slice %arg9[%mul3A_2] : memref<16384xf32, #tpu.memory_space<hbm>> -> memref<512xf32, #tpu.memory_space<hbm>>
    %dma_wait3A_399 = tpu.memref_slice %arg9[%mul3A_2] : memref<16384xf32, #tpu.memory_space<hbm>> -> memref<512xf32, #tpu.memory_space<hbm>>
    tpu.wait_dma2 semaphore(%arg41 : memref<!tpu.dma_semaphore, #tpu.memory_space<semaphore_mem>>) src(%arg28 : memref<512xf32, #tpu.memory_space<vmem>>) dst(%dma_wait3A_399 : memref<512xf32, #tpu.memory_space<hbm>>)
    return
  }
}

module attributes {stable_mosaic.version = 14 : i64} {
  func.func @_loss_body(%arg0: memref<128x128xf32, #tpu.memory_space<vmem>>, %arg1: memref<1x1xf32, #tpu.memory_space<smem>>) attributes {dimension_semantics = [], scalar_prefetch = 0 : i64, scratch_operands = 0 : i64, tpu.core_type = #tpu.core_type<tc>} {
    %get3A = arith.constant 0 : index
    %get3A_0 = arith.constant 0 : index
    %get3A_1 = vector.load %arg0[%get3A, %get3A_0] : memref<128x128xf32, #tpu.memory_space<vmem>>, vector<128x128xf32>
    %neg3A = arith.constant 0.000000e+00 : f32
    %neg3A_2 = vector.broadcast %neg3A : f32 to vector<128x128xf32>
    %neg3A_3 = arith.subf %neg3A_2, %get3A_1 : vector<128x128xf32>
    %max3A = arith.constant 0.000000e+00 : f32
    %max3A_4 = vector.broadcast %max3A : f32 to vector<128x128xf32>
    %max3A_5 = arith.maximumf %neg3A_3, %max3A_4 : vector<128x128xf32>
    %abs3A = math.absf %neg3A_3 : vector<128x128xf32>
    %neg3A_6 = arith.constant 0.000000e+00 : f32
    %neg3A_7 = vector.broadcast %neg3A_6 : f32 to vector<128x128xf32>
    %neg3A_8 = arith.subf %neg3A_7, %abs3A : vector<128x128xf32>
    %exp3A = math.exp %neg3A_8 : vector<128x128xf32>
    %log1p3A = math.log1p %exp3A : vector<128x128xf32>
    %add3A = arith.addf %max3A_5, %log1p3A : vector<128x128xf32>
    %reduce_sum3A = vector.shape_cast %add3A : vector<128x128xf32> to vector<1x128x128xf32>
    %reduce_sum3A_9 = arith.constant dense<0.000000e+00> : vector<1xf32>
    %reduce_sum3A_10 = vector.multi_reduction <add>, %reduce_sum3A, %reduce_sum3A_9 [1, 2] : vector<1x128x128xf32> to vector<1xf32>
    %reduce_sum3A_11 = vector.shape_cast %reduce_sum3A_10 : vector<1xf32> to vector<1x1x1xf32>
    %reduce_sum3A_12 = vector.extract %reduce_sum3A_11[0, 0, 0] : f32 from vector<1x1x1xf32>
    %div3A = arith.constant 1.638400e+04 : f32
    %div3A_13 = arith.divf %reduce_sum3A_12, %div3A : f32
    %swap3A = arith.constant 0 : index
    %swap3A_14 = arith.constant 0 : index
    %swap3A_15 = memref.load %arg1[%swap3A, %swap3A_14] : memref<1x1xf32, #tpu.memory_space<smem>>
    memref.store %div3A_13, %arg1[%swap3A, %swap3A_14] : memref<1x1xf32, #tpu.memory_space<smem>>
    return
  }
}

</mosaic_0001>

<sc_bundles>
// kernel: kernel.4.cloned.1.call-start
scs
__scs_entry_jumppad:
0x0: {  	(pc) =	sbr.rel $0x88, $3  }
0x1: {  	(tag) =	ssettag $0x0;
	lr =	simm.s32 $0x1  }
0x2: {  	[smem:$0x3F9D] =	sst lr;
	_ =	strace $0xD0000000  }
0x3: {  	_ = 	snop  }
0x4: {  	_ = 	snop  }
0x5: {  	_ = 	snop  }
0x6: {  	_ = 	snop  }
0x7: {  	_ = 	snop  }
__scs_overlays_trampoline_lowered:
0x8: {  	[smem:$0x3FAC] =	sst s0  }
0x9: {  	[smem:$0x3FAD] =	sst s1  }
0xa: {  	[smem:$0x3FAE] =	sst s2  }
0xb: {  	[smem:$0x3FAF] =	sst s3  }
0xc: {  	[smem:$0x3FB0] =	sst s4  }
0xd: {  	[smem:$0x3FB1] =	sst s5  }
0xe: {  	[smem:$0x3FB2] =	sst s6  }
0xf: {  	[smem:$0x3FB3] =	sst s7  }
0x10: {  	[smem:$0x3FB4] =	sst s8  }
0x11: {  	[smem:$0x3FB5] =	sst s9;
	s0 =	simm.s32 @!p0 $0x0  }
0x12: {  	s1 =	sld [smem:$0x3F9B];
	s0 =	simm.s32 @p0 $0x1  }
0x13: {  	[smem:$0x3FB6] =	sst s0;
	s0 =	simm.s32 @!p1 $0x0  }
0x14: {  	s2 =	sld [smem:$0x3F9A];
	s0 =	simm.s32 @p1 $0x1  }
0x15: {  	[smem:$0x3FB7] =	sst s0;
	s0 =	simm.s32 @!p2 $0x0  }
0x16: {  	s3 =	sld [smem:$0x3FDB];
	s0 =	simm.s32 @p2 $0x1  }
0x17: {  	s4 =	simm.s32 $0x1BF5;
	[smem:$0x3FB9] =	sst s0  }
0x18: {  	s0 =	sld [smem:$0x3F9C];
	_ =	swait.ge [sflag:s4], $0x0  }
0x19: {  	s7 =	sld [smem:$0x3F9D]  }
0x1a: {  	s8 =	sadd.s32 $0xFFFFE003, lr  }
0x1b: {  	s9 =	sadd.s32 $0xFFFFFEF7, lr;
	s5 =	simm.s32 $0xFFFFFFFF;
	p2 =	slt.u32 s8, $0xFFFFF086  }
0x1c: {  	p1 =	slt.u32 s9, $0xF7A;
	s5 =	simm.s32 @!p2 $0x0  }
0x1d: {  	s5 =	simm.s32 @p1 $0x1;
	p0 =	seq.s32 s7, s2  }
0x1e: {  	s7 =	smul.u32 @!p0 $0xF7A, s2;
	p2 =	seq.s32 @!p0 s5, $0x0  }
0x1f: {  	s9 =	smul.u32 $0xF7A, s1;
	s8 =	simm.s32 @!p0 $0x1BF5;
	p2 =	por !p2, p0  }
0x20: {  	[sflag:s8] =	ssyncset.s32 @!p0 $0xFFFFF086;
	s6 =	sadd.s32 @!p0 s3, s7;
	s7 =	simm.s32 @!p0 $0x108  }
0x21: {  	s3 =	sadd.s32 s3, s9;
	s6 =	sadd.s32 @!p0 $0x88, s6;
	s7 =	simm.s32 @p2 $0x1082  }
0x22: {  	[simem:s7], [sflag:s8] =	dma.local @!p0 [hbm:s6], $0xF7A  }
0x23: {  	s9 =	sor.u32 $0xD0000000, s2;
	s6 =	simm.s32 $0x108;
	_ =	swait.ge @!p0 [sflag:s8], $0x0  }
0x24: {  	s3 =	sadd.s32 $0x88, s3;
	s6 =	simm.s32 @!p1 $0x1082;
	[sflag:s4] =	ssyncset.s32 $0xFFFFF086  }
0x25: {  	[simem:s6], [sflag:s4] =	dma.local [hbm:s3], $0xF7A  }
0x26: {  	[smem:$0x3F9D] =	sst s1;
	(tag) =	ssettag s2;
	_ =	strace s9  }
0x27: {  	s1 =	sld [smem:$0x3FAD]  }
0x28: {  	s2 =	sld [smem:$0x3FAE]  }
0x29: {  	s4 =	sld [smem:$0x3FB0]  }
0x2a: {  	p0 =	seq.s32 s5, $0x0;
	s5 =	sld [smem:$0x3FB1]  }
0x2b: {  	s6 =	sld [smem:$0x3FB2]  }
0x2c: {  	s7 =	sld [smem:$0x3FB3]  }
0x2d: {  	s3 =	simm.s32 $0x108;
	s8 =	sld [smem:$0x3FB4]  }
0x2e: {  	s3 =	simm.s32 @!p0 $0x1082;
	s9 =	sld [smem:$0x3FB5]  }
0x2f: {  	lr =	sadd.s32 s0, s3;
	s0 =	sld [smem:$0x3FAC]  }
0x30: {  	s3 =	sld [smem:$0x3FAF]  }
0x31: {  	[smem:$0x3FB8] =	sst s10  }
0x32: {  	s10 =	sld [smem:$0x3FB6];
	_ =	sdelay $0x3  }
0x33: {  	p0 =	seq.s32 s10, $0x1;
	s10 =	sld [smem:$0x3FB8];
	_ =	sdelay $0x3  }
0x34: {  	[smem:$0x3FB8] =	sst s10  }
0x35: {  	s10 =	sld [smem:$0x3FB7];
	_ =	sdelay $0x3  }
0x36: {  	p1 =	seq.s32 s10, $0x1;
	s10 =	sld [smem:$0x3FB8];
	_ =	sdelay $0x3  }
0x37: {  	[smem:$0x3FB8] =	sst s10  }
0x38: {  	s10 =	sld [smem:$0x3FB9]  }
0x39: {  	_ = 	snop;
	(pc) =	sbr.ind lr, $3  }
0x3a: {  	_ = 	snop  }
0x3b: {  	_ = 	snop  }
0x3c: {  	p2 =	seq.s32 s10, $0x1;
	s10 =	sld [smem:$0x3FB8]  }
0x3d: {  	_ =	shalt  }
0x3e: {  	_ =	shalt  }
0x3f: {  	_ =	shalt  }
0x40: {  	_ =	shalt  }
0x41: {  	_ =	shalt  }
0x42: {  	_ =	shalt  }
0x43: {  	_ =	shalt  }
0x44: {  	_ =	shalt  }
0x45: {  	_ =	shalt  }
0x46: {  	_ =	shalt  }
0x47: {  	_ =	shalt  }
0x48: {  	_ =	shalt  }
0x49: {  	_ =	shalt  }
0x4a: {  	_ =	shalt  }
0x4b: {  	_ =	shalt  }
0x4c: {  	_ =	shalt  }
0x4d: {  	_ =	shalt  }
0x4e: {  	_ =	shalt  }
0x4f: {  	_ =	shalt  }
0x50: {  	_ =	shalt  }
0x51: {  	_ =	shalt  }
0x52: {  	_ =	shalt  }
0x53: {  	_ =	shalt  }
0x54: {  	_ =	shalt  }
0x55: {  	_ =	shalt  }
0x56: {  	_ =	shalt  }
0x57: {  	_ =	shalt  }
0x58: {  	_ =	shalt  }
0x59: {  	_ =	shalt  }
0x5a: {  	_ =	shalt  }
0x5b: {  	_ =	shalt  }
0x5c: {  	_ =	shalt  }
0x5d: {  	_ =	shalt  }
0x5e: {  	_ =	shalt  }
0x5f: {  	_ =	shalt  }
0x60: {  	_ =	shalt  }
0x61: {  	_ =	shalt  }
0x62: {  	_ =	shalt  }
0x63: {  	_ =	shalt  }
0x64: {  	_ =	shalt  }
0x65: {  	_ =	shalt  }
0x66: {  	_ =	shalt  }
0x67: {  	_ =	shalt  }
0x68: {  	_ =	shalt  }
0x69: {  	_ =	shalt  }
0x6a: {  	_ =	shalt  }
0x6b: {  	_ =	shalt  }
0x6c: {  	_ =	shalt  }
0x6d: {  	_ =	shalt  }
0x6e: {  	_ =	shalt  }
0x6f: {  	_ =	shalt  }
0x70: {  	_ =	shalt  }
0x71: {  	_ =	shalt  }
0x72: {  	_ =	shalt  }
0x73: {  	_ =	shalt  }
0x74: {  	_ =	shalt  }
0x75: {  	_ =	shalt  }
0x76: {  	_ =	shalt  }
0x77: {  	_ =	shalt  }
0x78: {  	_ =	shalt  }
0x79: {  	_ =	shalt  }
0x7a: {  	_ =	shalt  }
0x7b: {  	_ =	shalt  }
0x7c: {  	_ =	shalt  }
0x7d: {  	_ =	shalt  }
0x7e: {  	_ =	shalt  }
0x7f: {  	_ =	shalt  }
0x80: {  	_ =	shalt  }
0x81: {  	_ =	shalt  }
0x82: {  	_ =	shalt  }
0x83: {  	_ =	shalt  }
0x84: {  	_ =	shalt  }
0x85: {  	_ =	shalt  }
0x86: {  	_ =	shalt  }
0x87: {  	_ =	shalt  }
.Lfunc_end0:
.L_simem_size_0:
called_computation_lowered:
.L_overlay_start_0:
0x88: {  	s2 =	sld [smem:$0x3FD9]  }
0x89: {  	s3 =	sld [smem:$0x3FFE];
	_ =	sdelay $0x1  }
0x8a: {  	s1 =	srdreg.scid  }
0x8b: {  	s0 =	sand.u32 $0x1, s1  }
0x8c: {  	s14 =	sshll.u32 s0, $0xA;
	s2 =	sadd.s32 s3, s2  }
0x8d: {  	s2 =	sadd.s32 s2, s14  }
0x8e: {  	[smem:$0x3FC4] =	sst s2  }
0x8f: {  	_ = 	snop  }
0x90: {  	s2 =	sld [smem:$0x3FC9]  }
0x91: {  	s15 =	sld [smem:$0x3FD0]  }
0x92: {  	s4 =	sld [smem:$0x3FC8]  }
0x93: {  	s5 =	sld [smem:$0x3FC7]  }
0x94: {  	s7 =	simm.s32 $0xA;
	s8 =	simm.s32 $0x10;
	s6 =	sld [smem:$0x3FC6]  }
0x95: {  	[smem:s8], [sflag:s7] =	dma.local [hbm:s15], $0x1  }
0x96: {  	_ =	swait.eq [sflag:s7], $0x1  }
0x97: {  	s16 =	sld [smem:$0x10];
	[sflag:s7] =	ssyncset.done $0x0  }
0x98: {  	s17 =	sld [smem:$0x11];
	[sflag:s7] =	ssyncadd.s32 $0xFFFFFFFF  }
0x99: {  	s18 =	sld [smem:$0x12];
	(tm) =	ssettm $0x1  }
0x9a: {  	s9 =	sld [smem:$0x3FFB];
	_ =	sdelay $0x3  }
0x9b: {  	_ =	strace s9  }
0x9c: {  	s9 =	sld [smem:$0x3FFC];
	_ =	sdelay $0x3  }
0x9d: {  	_ =	strace s9  }
0x9e: {  	s9 =	sld [smem:$0x3FFD];
	_ =	sdelay $0x3  }
0x9f: {  	_ =	strace s9  }
0xa0: {  	_ =	strace $0x8FFFFFFF  }
0xa1: {  	s19 =	sld [smem:$0x3FDB];
	_ =	sdelay $0x1  }
0xa2: {  	s10 =	simm.s32 $_scs_section_size  }
0xa3: {  	s11 =	simm.s32 $_size__tile_overlayer_lowered;
	s12 =	simm.s32 $_tile_overlayer_lowered  }
0xa4: {  	s22 =	simm.s32 $0x1BFF;
	s21 =	sshll.u32 s12, $0x1;
	s9 =	sadd.s32 s10, s19  }
0xa5: {  	s13 =	simm.s32 $0x0;
	s20 =	sshll.u32 s11, $0x1;
	s11 =	sadd.s32 s21, s9  }
0xa6: {  	[timem:s13], [sflag:s22] =	dma.local [hbm:s11], s20  }
0xa7: {  	_ =	swait.ge [sflag:s22], s20  }
0xa8: {  	s10 =	ssub.s32 $0x0, s20;
	[sflag:s22] =	ssyncset.done $0x0  }
0xa9: {  	[sflag:s22] =	ssyncadd.s32 s10;
	_ =	sdelay $0x1  }
0xaa: {  	s23 =	simm.s32 $0x1B8B  }
0xab: {  	_ =	swait.ge [sflag:s23], $0x1  }
0xac: {  	[sflag:s23] =	ssyncset.done $0x0  }
0xad: {  	s25 =	simm.s32 $0x1B8E;
	s24 =	sld [smem:$0x3FFE];
	[sflag:s23] =	ssyncadd.s32 $0xFFFFFFFF  }
0xae: {  	s26 =	simm.s32 $execute0_lowered;
	[smem:$0x3FD2] =	sst s25  }
0xaf: {  	s11 =	sshll.u32 s26, $0x1;
	_ =	strace $0x80000046;
	[dreg:$0x1] =	wrdreg $0xFFFFFFFF  }
0xb0: {  	s28 =	simm.s32 $_size_execute0_lowered;
	s9 =	sadd.s32 s9, s11;
	[dreg:$0x0] =	wrdreg $0x0  }
0xb1: {  	s11 =	sshll.u32 s28, $0x1;
	[dreg:$0x2] =	wrdreg s9  }
0xb2: {  	[dreg:$0x3] =	wrdreg s11  }
0xb3: {  	[dreg:$0x4] =	wrdreg $0xC0  }
0xb4: {  	_ =	task [dreg:s13], $0x5FFFF  }
0xb5: {  	[dreg:$0x1] =	wrdreg $0xFFFFFFFF  }
0xb6: {  	[dreg:$0x0] =	wrdreg $0x60  }
0xb7: {  	[dreg:$0x2] =	wrdreg s2  }
0xb8: {  	[dreg:$0x3] =	wrdreg s4  }
0xb9: {  	[dreg:$0x4] =	wrdreg s5  }
0xba: {  	[dreg:$0x5] =	wrdreg s6  }
0xbb: {  	[dreg:$0x6] =	wrdreg s16  }
0xbc: {  	[dreg:$0x7] =	wrdreg s17  }
0xbd: {  	[dreg:$0x8] =	wrdreg s18  }
0xbe: {  	[dreg:$0x9] =	wrdreg s24  }
0xbf: {  	[dreg:$0xa] =	wrdreg $0x9  }
0xc0: {  	_ =	task.clear_ibuf [dreg:s13], $0xBFFFF;
	_ =	strace $0x90000046  }
0xc1: {  	s29 =	simm.s32 $0x9;
	_ =	strace $0x80000048  }
0xc2: {  	_ =	swait.ge [sflag:s29], $0x1  }
0xc3: {  	[sflag:s29] =	ssyncadd.s32 $0xFFFFFFFF  }
0xc4: {  	_ =	strace $0x90000048  }
0xc5: {  	_ =	sfence  }
0xc6: {  	s30 =	sld [smem:$0x0];
	_ =	sdelay $0x2  }
0xc7: {  	s31 =	sshll.u32 s1, $0xD;
	s1 =	sshrl.u32 s1, $0x2  }
0xc8: {  	s3 =	sand.u32 $0x4000, s31;
	s1 =	sadd.s32 s1, s30  }
0xc9: {  	s0 =	sor.u32 s3, s0;
	s1 =	sshll.u32 s1, $0x11  }
0xca: {  	s0 =	sor.u32 s1, s0  }
0xcb: {  	s0 =	sadd.s32 $0x8F2B, s0  }
0xcc: {  	[sflag:s0] =	ssyncadd.remote.s32 $0x1  }
0xcd: {  	_ =	sfence.sel $0xFFFF  }
0xce: {  	[dreg:$0x0] =	wrdreg $0xFFFFFFFF;
	(pc) =	sbr.abs _section_cstart, $3  }
0xcf: {  	[dreg:$0x1] =	wrdreg $0xFFFFFFFF  }
0xd0: {  	_ =	task.clear_ibuf [dreg:s13], $0x2FFFF;
	_ =	strace $0x9FFFFFFF  }
0xd1: {  	(tm) =	ssettm $0x7FFFFFFF  }
tec
execute0_lowered:
.L_overlay_start_1:
0x0: {  	(tag) =	ssettag $0x1  }
0x1: {  	s0 =	rddreg [dreg:$0x0]  }
0x2: {  	s1 =	rddreg [dreg:$0x1]  }
0x3: {  	s2 =	rddreg [dreg:$0x2]  }
0x4: {  	s4 =	rddreg [dreg:$0x3]  }
0x5: {  	s5 =	rddreg [dreg:$0x4]  }
0x6: {  	s6 =	rddreg [dreg:$0x5]  }
0x7: {  	s7 =	rddreg [dreg:$0x6]  }
0x8: {  	s8 =	rddreg [dreg:$0x7]  }
0x9: {  	s3 =	srdreg.scid;
	s10 =	stileid.u32;
	s28 =	simm.s32 $0x9  }
0xa: {  	s29 =	simm.s32 $0x15600;
	s31 =	simm.s32 $0x2;
	s30 =	simm.s32 $0xC  }
0xb: {  	s9 =	sand.u32 $0x1, s3;
	s10 =	sshll.u32 s10, $0x1;
	s3 =	simm.s32 $0x0  }
0xc: {  	s10 =	sor.u32 s9, s10;
	s9 =	ssub.s32 $0x2, s9;
	[smem:$0x7FF] =	sst s3  }
0xd: {  	s11 =	sshll.u32 s10, $0x6;
	s12 =	sshrl.u32 s9, $0x1;
	_ =	strace $0x80000047  }
0xe: {  	s14 =	sshll.u32 s10, $0x9;
	s10 =	simm.s32 $0x8;
	s1 =	sadd.s32 s1, s11  }
0xf: {  	s8 =	sadd.s32 s11, s8;
	s13 =	sadd.s32 s2, s11;
	[dreg:$0x9] =	wrdreg s1  }
0x10: {  	s9 =	ssub.s32 s9, s12;
	s15 =	sadd.s32 s4, s11;
	[dreg:$0xa] =	wrdreg s13  }
0x11: {  	s16 =	sadd.s32 s5, s14;
	s17 =	sor.u32 $0x4000, s14;
	[dreg:$0xb] =	wrdreg s15  }
0x12: {  	s18 =	sadd.s32 s6, s14;
	s19 =	sadd.s32 s7, s14;
	[dreg:$0xc] =	wrdreg s16  }
0x13: {  	s22 =	sor.u32 $0x8000, s14;
	s4 =	simm.s32 $0x16600;
	[dreg:$0xd] =	wrdreg s18  }
0x14: {  	s11 =	simm.s32 $0xD;
	[dreg:$0xe] =	wrdreg s19;
	s20 =	sadd.s32 s5, s17  }
0x15: {  	s12 =	simm.s32 $0x0;
	s21 =	sadd.s32 s6, s17;
	[dreg:$0xf] =	wrdreg s20  }
0x16: {  	s2 =	sadd.s32 s7, s17;
	s23 =	sadd.s32 s5, s22;
	[dreg:$0x10] =	wrdreg s21  }
0x17: {  	s24 =	sadd.s32 s6, s22;
	s1 =	sor.u32 $0xC000, s14;
	[dreg:$0x11] =	wrdreg s2  }
0x18: {  	s19 =	sadd.s32 $0xA00, s8;
	s8 =	simm.s32 $0x7;
	[dreg:$0x12] =	wrdreg s23  }
0x19: {  	[dreg:$0x13] =	wrdreg s24;
	s2 =	sadd.s32 s7, s22;
	s25 =	sadd.s32 s5, s1  }
0x1a: {  	s26 =	sadd.s32 s6, s1;
	s18 =	sadd.s32 s7, s1;
	s20 =	smax.u32 s9, $0x1  }
0x1b: {  	s23 =	simm.s32 $0x1;
	s24 =	simm.s32 $0x1000;
	s21 =	simm.s32 $0x5  }
0x1c: {  	s5 =	simm.s32 $0x17600;
	s6 =	simm.s32 $0x6;
	[dreg:$0x14] =	wrdreg s2  }
0x1d: {  	s7 =	simm.s32 $0x3;
	s9 =	simm.s32 $0x4;
	[dreg:$0x15] =	wrdreg s25  }
0x1e: {  	[dreg:$0x16] =	wrdreg s26;
	s2 =	simm.s32 $0xA;
	s25 =	simm.s32 $0xB  }
.LBB2_1:
0x1f: {  	s1 =	rddreg [dreg:$0x9]  }
0x20: {  	[tilespmem:s3], [sflag:$0x1] =	stream.linear.gather [hbm4b:s1+s3], $0x200, $0x38;
	[tilespmem:$0x18800] =	vst v63  }
0x21: {  	s15 =	rddreg [dreg:$0xa];
	s13 =	simm.s32 $0x200  }
0x22: {  	[tilespmem:s13], [sflag:$0x5] =	stream.linear.gather [hbm4b:s15+s3], $0x200, $0x38;
	[tilespmem:$0x18800] =	vst v63  }
0x23: {  	s16 =	rddreg [dreg:$0xb];
	s17 =	simm.s32 $0x400  }
0x24: {  	[tilespmem:s17], [sflag:$0x9] =	stream.linear.gather [hbm4b:s16+s3], $0x200, $0x38;
	[tilespmem:$0x18800] =	vst v63  }
0x25: {  	_ =	swait.ge [sflag:s23], $0x200  }
0x26: {  	[sflag:s23] =	ssyncset.done $0x0  }
0x27: {  	[sflag:s23] =	ssyncadd.s32 $0xFFFFFE00  }
0x28: {  	v0 =	vld [tilespmem:s3+$0x0];
	_ =	sdelay $0x4  }
0x29: {  	v1 =	vshll.u32 v0, $0x3  }
0x2a: {  	s22 =	sand.u32 $0xC00, s3;
	s26 =	sand.u32 $0x70, s3;
	v0 =	vand.u32 $0x7F, v0;
	v1 =	vand.u32 $0xFFFFFC00, v1  }
0x2b: {  	s14 =	sor.u32 s26, s22;
	v1 =	vor.u32 v0, v1  }
0x2c: {  	s1 =	sor.u32 s3, s3;
	[tilespmem:s14+$0x600] =	vst v1;
	v2 =	vor.u32 $0x80, v1;
	v4 =	vor.u32 $0x100, v1;
	v0 =	vor.u32 $0x380, v1  }
0x2d: {  	s22 =	simm.s32 $0x0;
	s13 =	simm.s32 $0x80;
	s15 =	simm.s32 $0x0;
	v3 =	vor.u32 $0x180, v1;
	v5 =	vor.u32 $0x300, v1;
	[tilespmem:s14+$0x680] =	vst v2;
	v2 =	vor.u32 $0x200, v1  }
.LBB2_2:
0x2e: {  	p0 =	sne.s32 s13, $0xF80;
	[tilespmem:s14+$0x700] =	vst v4;
	v1 =	vor.u32 $0x280, v1;
	s15 =	sadd.s32 $0x10, s15;
	s22 =	sadd.s32 $0x10, s22  }
0x2f: {  	s16 =	smov.u32 s13;
	s26 =	sor.u32 s13, s15;
	[tilespmem:s14+$0x900] =	vst v5;
	s13 =	sadd.s32 $0x80, s13  }
0x30: {  	[tilespmem:s14+$0x880] =	vst v1  }
0x31: {  	s17 =	sor.u32 $0x380, s1;
	s1 =	smov.u32 s26;
	[tilespmem:s14+$0x780] =	vst v3  }
0x32: {  	[tilespmem:s14+$0x800] =	vst v2  }
0x33: {  	[tilespmem:s17+$0x600] =	vst v0  }
0x34: {  	v0 =	vld [tilespmem:s22+$0x0];
	_ =	sdelay $0x4  }
.Ltmp0:
0x35: {  	v1 =	vshll.u32 v0, $0x3;
	(pc) =	sbr.rel @p0 .LBB2_2-.Ltmp0, $4  }
0x36: {  	s14 =	sand.u32 $0xC00, s16;
	s16 =	sand.u32 $0x70, s15;
	v0 =	vand.u32 $0x7F, v0;
	v1 =	vand.u32 $0xFFFFFC00, v1  }
0x37: {  	s14 =	sor.u32 s16, s14;
	v1 =	vor.u32 v0, v1  }
0x38: {  	[tilespmem:s14+$0x600] =	vst v1;
	v2 =	vor.u32 $0x80, v1;
	v4 =	vor.u32 $0x100, v1;
	v0 =	vor.u32 $0x380, v1  }
0x39: {  	v3 =	vor.u32 $0x180, v1;
	v5 =	vor.u32 $0x300, v1;
	[tilespmem:s14+$0x680] =	vst v2;
	v2 =	vor.u32 $0x200, v1  }
0x3a: {  	[tilespmem:s14+$0x700] =	vst v4  }
0x3b: {  	[tilespmem:s14+$0x900] =	vst v5  }
0x3c: {  	[tilespmem:s14+$0x780] =	vst v3  }
0x3d: {  	v1 =	vor.u32 $0x280, v1;
	[tilespmem:s14+$0x800] =	vst v2  }
0x3e: {  	s1 =	sor.u32 $0x380, s1;
	[tilespmem:s14+$0x880] =	vst v1  }
0x3f: {  	s17 =	simm.s32 $0x600;
	s13 =	simm.s32 $0xC600;
	[tilespmem:s1+$0x600] =	vst v0;
	s1 =	simm.s32 $0x0  }
0x40: {  	[tilespmem:s13], [sflag:$0x1] =	stream.indirect.gather [hbm4b:s0+s24], $0x1, s17, s24, $0xb8;
	[tilespmem:$0x18800] =	vst v63  }
0x41: {  	v0 =	vld [tilespmem:s1+$0x0];
	_ =	sdelay $0x4  }
0x42: {  	v1 =	vshll.u32 v0, $0x3  }
0x43: {  	v0 =	vand.u32 $0x7F, v0;
	v1 =	vand.u32 $0xFFFFFC00, v1  }
0x44: {  	s22 =	sand.u32 $0xC00, s1;
	s26 =	sand.u32 $0x70, s1;
	v0 =	vor.u32 v0, v1  }
0x45: {  	s22 =	sor.u32 s26, s22;
	v1 =	vadd.s32 $0xF42400, v0;
	v2 =	vadd.s32 $0xF42480, v0;
	v4 =	vadd.s32 $0xF42700, v0  }
0x46: {  	s15 =	simm.s32 $0x0;
	s14 =	simm.s32 $0x80;
	s13 =	sor.u32 s1, s1;
	v3 =	vadd.s32 $0xF42500, v0;
	[tilespmem:s22+$0x1600] =	vst v1;
	v1 =	vadd.s32 $0xF42580, v0  }
.LBB2_4:
0x47: {  	p0 =	sne.s32 s14, $0xF80  }
0x48: {  	v5 =	vadd.s32 $0xF42600, v0;
	v6 =	vadd.s32 $0xF42680, v0;
	[tilespmem:s22+$0x1900] =	vst v4;
	s1 =	sadd.s32 $0x10, s1;
	s15 =	sadd.s32 $0x10, s15  }
0x49: {  	s17 =	smov.u32 s14;
	s16 =	sor.u32 s14, s1;
	[tilespmem:s22+$0x1680] =	vst v2;
	s14 =	sadd.s32 $0x80, s14  }
0x4a: {  	[tilespmem:s22+$0x1800] =	vst v5  }
0x4b: {  	v0 =	vadd.s32 $0xF42780, v0;
	[tilespmem:s22+$0x1700] =	vst v3  }
0x4c: {  	s26 =	sor.u32 $0x380, s13;
	s13 =	smov.u32 s16;
	[tilespmem:s22+$0x1780] =	vst v1  }
0x4d: {  	[tilespmem:s22+$0x1880] =	vst v6  }
0x4e: {  	[tilespmem:s26+$0x1600] =	vst v0  }
0x4f: {  	v0 =	vld [tilespmem:s15+$0x0];
	_ =	sdelay $0x4  }
.Ltmp1:
0x50: {  	v1 =	vshll.u32 v0, $0x3;
	(pc) =	sbr.rel @p0 .LBB2_4-.Ltmp1, $4  }
0x51: {  	v0 =	vand.u32 $0x7F, v0;
	v1 =	vand.u32 $0xFFFFFC00, v1  }
0x52: {  	s16 =	sand.u32 $0xC00, s17;
	s17 =	sand.u32 $0x70, s1;
	v0 =	vor.u32 v0, v1  }
0x53: {  	s22 =	sor.u32 s17, s16;
	v1 =	vadd.s32 $0xF42400, v0;
	v2 =	vadd.s32 $0xF42480, v0;
	v4 =	vadd.s32 $0xF42700, v0  }
0x54: {  	v3 =	vadd.s32 $0xF42500, v0;
	[tilespmem:s22+$0x1600] =	vst v1;
	v1 =	vadd.s32 $0xF42580, v0  }
0x55: {  	[tilespmem:s22+$0x1900] =	vst v4  }
0x56: {  	[tilespmem:s22+$0x1680] =	vst v2  }
0x57: {  	[tilespmem:s22+$0x1700] =	vst v3  }
0x58: {  	v4 =	vadd.s32 $0xF42600, v0;
	[tilespmem:s22+$0x1780] =	vst v1  }
0x59: {  	v2 =	vadd.s32 $0xF42680, v0;
	[tilespmem:s22+$0x1800] =	vst v4  }
0x5a: {  	v0 =	vadd.s32 $0xF42780, v0;
	s1 =	sor.u32 $0x380, s13;
	[tilespmem:s22+$0x1880] =	vst v2  }
0x5b: {  	s17 =	simm.s32 $0x1600;
	s22 =	simm.s32 $0xD600;
	[tilespmem:s1+$0x1600] =	vst v0;
	s1 =	simm.s32 $0x0  }
0x5c: {  	[tilespmem:s22], [sflag:$0x2] =	stream.indirect.gather [hbm4b:s0+s24], $0x1, s17, s24, $0xb8;
	[tilespmem:$0x18800] =	vst v63  }
0x5d: {  	v0 =	vld [tilespmem:s1+$0x0];
	_ =	sdelay $0x4  }
0x5e: {  	v1 =	vshll.u32 v0, $0x3  }
0x5f: {  	v0 =	vand.u32 $0x7F, v0;
	v1 =	vand.u32 $0xFFFFFC00, v1  }
0x60: {  	s26 =	sand.u32 $0xC00, s1;
	s14 =	sand.u32 $0x70, s1;
	v0 =	vor.u32 v0, v1  }
0x61: {  	s22 =	sor.u32 s14, s26;
	v1 =	vadd.s32 $0x1E84800, v0;
	v2 =	vadd.s32 $0x1E84880, v0;
	v4 =	vadd.s32 $0x1E84B00, v0  }
0x62: {  	s15 =	simm.s32 $0x0;
	s13 =	sor.u32 s1, s1;
	s14 =	simm.s32 $0x80;
	v3 =	vadd.s32 $0x1E84900, v0;
	[tilespmem:s22+$0x2600] =	vst v1;
	v1 =	vadd.s32 $0x1E84980, v0  }
.LBB2_6:
0x63: {  	p0 =	sne.s32 s14, $0xF80  }
0x64: {  	v5 =	vadd.s32 $0x1E84A00, v0;
	v6 =	vadd.s32 $0x1E84A80, v0;
	[tilespmem:s22+$0x2900] =	vst v4;
	s1 =	sadd.s32 $0x10, s1;
	s15 =	sadd.s32 $0x10, s15  }
0x65: {  	s17 =	smov.u32 s14;
	s16 =	sor.u32 s14, s1;
	[tilespmem:s22+$0x2680] =	vst v2;
	s14 =	sadd.s32 $0x80, s14  }
0x66: {  	[tilespmem:s22+$0x2800] =	vst v5  }
0x67: {  	v0 =	vadd.s32 $0x1E84B80, v0;
	[tilespmem:s22+$0x2700] =	vst v3  }
0x68: {  	s26 =	sor.u32 $0x380, s13;
	s13 =	smov.u32 s16;
	[tilespmem:s22+$0x2780] =	vst v1  }
0x69: {  	[tilespmem:s22+$0x2880] =	vst v6  }
0x6a: {  	[tilespmem:s26+$0x2600] =	vst v0  }
0x6b: {  	v0 =	vld [tilespmem:s15+$0x0];
	_ =	sdelay $0x4  }
.Ltmp2:
0x6c: {  	v1 =	vshll.u32 v0, $0x3;
	(pc) =	sbr.rel @p0 .LBB2_6-.Ltmp2, $4  }
0x6d: {  	v0 =	vand.u32 $0x7F, v0;
	v1 =	vand.u32 $0xFFFFFC00, v1  }
0x6e: {  	s16 =	sand.u32 $0xC00, s17;
	s17 =	sand.u32 $0x70, s1;
	v0 =	vor.u32 v0, v1  }
0x6f: {  	s22 =	sor.u32 s17, s16;
	v1 =	vadd.s32 $0x1E84800, v0;
	v2 =	vadd.s32 $0x1E84880, v0;
	v4 =	vadd.s32 $0x1E84B00, v0  }
0x70: {  	v3 =	vadd.s32 $0x1E84900, v0;
	[tilespmem:s22+$0x2600] =	vst v1;
	v1 =	vadd.s32 $0x1E84980, v0  }
0x71: {  	[tilespmem:s22+$0x2900] =	vst v4  }
0x72: {  	[tilespmem:s22+$0x2680] =	vst v2  }
0x73: {  	[tilespmem:s22+$0x2700] =	vst v3  }
0x74: {  	v4 =	vadd.s32 $0x1E84A00, v0;
	[tilespmem:s22+$0x2780] =	vst v1  }
0x75: {  	v2 =	vadd.s32 $0x1E84A80, v0;
	[tilespmem:s22+$0x2800] =	vst v4  }
0x76: {  	v0 =	vadd.s32 $0x1E84B80, v0;
	s1 =	sor.u32 $0x380, s13;
	[tilespmem:s22+$0x2880] =	vst v2  }
0x77: {  	s17 =	simm.s32 $0x2600;
	s22 =	simm.s32 $0xE600;
	[tilespmem:s1+$0x2600] =	vst v0;
	s1 =	simm.s32 $0x0  }
0x78: {  	[tilespmem:s22], [sflag:$0x3] =	stream.indirect.gather [hbm4b:s0+s24], $0x1, s17, s24, $0xb8;
	[tilespmem:$0x18800] =	vst v63  }
0x79: {  	v0 =	vld [tilespmem:s1+$0x0];
	_ =	sdelay $0x4  }
0x7a: {  	v1 =	vshll.u32 v0, $0x3  }
0x7b: {  	v0 =	vand.u32 $0x7F, v0;
	v1 =	vand.u32 $0xFFFFFC00, v1  }
0x7c: {  	s26 =	sand.u32 $0xC00, s1;
	s14 =	sand.u32 $0x70, s1;
	v0 =	vor.u32 v0, v1  }
0x7d: {  	s22 =	sor.u32 s14, s26;
	v1 =	vadd.s32 $0x2DC6C00, v0;
	v2 =	vadd.s32 $0x2DC6C80, v0;
	v4 =	vadd.s32 $0x2DC6F00, v0  }
0x7e: {  	s15 =	simm.s32 $0x0;
	s13 =	sor.u32 s1, s1;
	s14 =	simm.s32 $0x80;
	v3 =	vadd.s32 $0x2DC6D00, v0;
	[tilespmem:s22+$0x3600] =	vst v1;
	v1 =	vadd.s32 $0x2DC6D80, v0  }
.LBB2_8:
0x7f: {  	p0 =	sne.s32 s14, $0xF80  }
0x80: {  	v5 =	vadd.s32 $0x2DC6E00, v0;
	v6 =	vadd.s32 $0x2DC6E80, v0;
	[tilespmem:s22+$0x3900] =	vst v4;
	s1 =	sadd.s32 $0x10, s1;
	s15 =	sadd.s32 $0x10, s15  }
0x81: {  	s17 =	smov.u32 s14;
	s16 =	sor.u32 s14, s1;
	[tilespmem:s22+$0x3680] =	vst v2;
	s14 =	sadd.s32 $0x80, s14  }
0x82: {  	[tilespmem:s22+$0x3800] =	vst v5  }
0x83: {  	v0 =	vadd.s32 $0x2DC6F80, v0;
	[tilespmem:s22+$0x3700] =	vst v3  }
0x84: {  	s26 =	sor.u32 $0x380, s13;
	s13 =	smov.u32 s16;
	[tilespmem:s22+$0x3780] =	vst v1  }
0x85: {  	[tilespmem:s22+$0x3880] =	vst v6  }
0x86: {  	[tilespmem:s26+$0x3600] =	vst v0  }
0x87: {  	v0 =	vld [tilespmem:s15+$0x0];
	_ =	sdelay $0x4  }
.Ltmp3:
0x88: {  	v1 =	vshll.u32 v0, $0x3;
	(pc) =	sbr.rel @p0 .LBB2_8-.Ltmp3, $4  }
0x89: {  	v0 =	vand.u32 $0x7F, v0;
	v1 =	vand.u32 $0xFFFFFC00, v1  }
0x8a: {  	s16 =	sand.u32 $0xC00, s17;
	s17 =	sand.u32 $0x70, s1;
	v0 =	vor.u32 v0, v1  }
0x8b: {  	s22 =	sor.u32 s17, s16;
	v1 =	vadd.s32 $0x2DC6C00, v0;
	v2 =	vadd.s32 $0x2DC6C80, v0;
	v4 =	vadd.s32 $0x2DC6F00, v0  }
0x8c: {  	v3 =	vadd.s32 $0x2DC6D00, v0;
	[tilespmem:s22+$0x3600] =	vst v1;
	v1 =	vadd.s32 $0x2DC6D80, v0  }
0x8d: {  	[tilespmem:s22+$0x3900] =	vst v4  }
0x8e: {  	[tilespmem:s22+$0x3680] =	vst v2  }
0x8f: {  	[tilespmem:s22+$0x3700] =	vst v3  }
0x90: {  	v4 =	vadd.s32 $0x2DC6E00, v0;
	[tilespmem:s22+$0x3780] =	vst v1  }
0x91: {  	v2 =	vadd.s32 $0x2DC6E80, v0;
	[tilespmem:s22+$0x3800] =	vst v4  }
0x92: {  	v0 =	vadd.s32 $0x2DC6F80, v0;
	s1 =	sor.u32 $0x380, s13;
	[tilespmem:s22+$0x3880] =	vst v2  }
0x93: {  	s26 =	simm.s32 $0xF600;
	s22 =	simm.s32 $0x3600;
	[tilespmem:s1+$0x3600] =	vst v0  }
0x94: {  	[tilespmem:s26], [sflag:$0x4] =	stream.indirect.gather [hbm4b:s0+s24], $0x1, s22, s24, $0xb8;
	[tilespmem:$0x18800] =	vst v63  }
0x95: {  	_ =	swait.ge [sflag:s21], $0x200  }
0x96: {  	[sflag:s21] =	ssyncset.done $0x0  }
0x97: {  	s1 =	simm.s32 $0x200;
	[sflag:s21] =	ssyncadd.s32 $0xFFFFFE00  }
0x98: {  	v0 =	vld [tilespmem:s1+$0x0];
	_ =	sdelay $0x4  }
0x99: {  	s13 =	simm.s32 $0x0;
	v1 =	vshll.u32 v0, $0x3  }
0x9a: {  	s14 =	sand.u32 $0xC00, s13;
	s15 =	sand.u32 $0x70, s13;
	v0 =	vand.u32 $0x7F, v0;
	v1 =	vand.u32 $0xFFFFFC00, v1  }
0x9b: {  	s22 =	sor.u32 s15, s14;
	v1 =	vor.u32 v0, v1  }
0x9c: {  	[tilespmem:s22+$0x4600] =	vst v1;
	v2 =	vor.u32 $0x80, v1;
	v4 =	vor.u32 $0x100, v1;
	v0 =	vor.u32 $0x380, v1  }
0x9d: {  	s14 =	sor.u32 s13, s13;
	s15 =	simm.s32 $0x80;
	v3 =	vor.u32 $0x180, v1;
	v5 =	vor.u32 $0x300, v1;
	[tilespmem:s22+$0x4680] =	vst v2;
	v2 =	vor.u32 $0x200, v1  }
.LBB2_10:
0x9e: {  	p0 =	sne.s32 s15, $0xF80;
	[tilespmem:s22+$0x4700] =	vst v4;
	v1 =	vor.u32 $0x280, v1;
	s13 =	sadd.s32 $0x10, s13;
	s1 =	sadd.s32 $0x10, s1  }
0x9f: {  	s17 =	smov.u32 s15;
	s16 =	sor.u32 s15, s13;
	[tilespmem:s22+$0x4900] =	vst v5;
	s15 =	sadd.s32 $0x80, s15  }
0xa0: {  	[tilespmem:s22+$0x4880] =	vst v1  }
0xa1: {  	s26 =	sor.u32 $0x380, s14;
	s14 =	smov.u32 s16;
	[tilespmem:s22+$0x4780] =	vst v3  }
0xa2: {  	[tilespmem:s22+$0x4800] =	vst v2  }
0xa3: {  	[tilespmem:s26+$0x4600] =	vst v0  }
0xa4: {  	v0 =	vld [tilespmem:s1+$0x0];
	_ =	sdelay $0x4  }
.Ltmp4:
0xa5: {  	v1 =	vshll.u32 v0, $0x3;
	(pc) =	sbr.rel @p0 .LBB2_10-.Ltmp4, $4  }
0xa6: {  	s16 =	sand.u32 $0xC00, s17;
	s17 =	sand.u32 $0x70, s13;
	v0 =	vand.u32 $0x7F, v0;
	v1 =	vand.u32 $0xFFFFFC00, v1  }
0xa7: {  	s22 =	sor.u32 s17, s16;
	v1 =	vor.u32 v0, v1  }
0xa8: {  	[tilespmem:s22+$0x4600] =	vst v1;
	v2 =	vor.u32 $0x80, v1;
	v4 =	vor.u32 $0x100, v1;
	v0 =	vor.u32 $0x380, v1  }
0xa9: {  	v3 =	vor.u32 $0x180, v1;
	v5 =	vor.u32 $0x300, v1;
	[tilespmem:s22+$0x4680] =	vst v2;
	v2 =	vor.u32 $0x200, v1  }
0xaa: {  	[tilespmem:s22+$0x4700] =	vst v4  }
0xab: {  	[tilespmem:s22+$0x4900] =	vst v5  }
0xac: {  	[tilespmem:s22+$0x4780] =	vst v3  }
0xad: {  	v1 =	vor.u32 $0x280, v1;
	[tilespmem:s22+$0x4800] =	vst v2  }
0xae: {  	s1 =	sor.u32 $0x380, s14;
	[tilespmem:s22+$0x4880] =	vst v1  }
0xaf: {  	s13 =	simm.s32 $0x10600;
	s22 =	simm.s32 $0x4600;
	[tilespmem:s1+$0x4600] =	vst v0;
	s1 =	simm.s32 $0x200  }
0xb0: {  	[tilespmem:s13], [sflag:$0x5] =	stream.indirect.gather [hbm4b:s0+s24], $0x1, s22, s24, $0xb8;
	[tilespmem:$0x18800] =	vst v63  }
0xb1: {  	v0 =	vld [tilespmem:s1+$0x0];
	_ =	sdelay $0x4  }
0xb2: {  	v1 =	vshll.u32 v0, $0x3  }
0xb3: {  	s13 =	simm.s32 $0x0;
	v0 =	vand.u32 $0x7F, v0;
	v1 =	vand.u32 $0xFFFFFC00, v1  }
0xb4: {  	s26 =	sand.u32 $0xC00, s13;
	s15 =	sand.u32 $0x70, s13;
	v0 =	vor.u32 v0, v1  }
0xb5: {  	s22 =	sor.u32 s15, s26;
	v1 =	vadd.s32 $0xF42400, v0;
	v2 =	vadd.s32 $0xF42480, v0;
	v4 =	vadd.s32 $0xF42700, v0  }
0xb6: {  	s14 =	sor.u32 s13, s13;
	s15 =	simm.s32 $0x80;
	v3 =	vadd.s32 $0xF42500, v0;
	[tilespmem:s22+$0x5600] =	vst v1;
	v1 =	vadd.s32 $0xF42580, v0  }
.LBB2_12:
0xb7: {  	p0 =	sne.s32 s15, $0xF80  }
0xb8: {  	v5 =	vadd.s32 $0xF42600, v0;
	v6 =	vadd.s32 $0xF42680, v0;
	[tilespmem:s22+$0x5900] =	vst v4;
	s13 =	sadd.s32 $0x10, s13;
	s1 =	sadd.s32 $0x10, s1  }
0xb9: {  	s17 =	smov.u32 s15;
	s16 =	sor.u32 s15, s13;
	[tilespmem:s22+$0x5680] =	vst v2;
	s15 =	sadd.s32 $0x80, s15  }
0xba: {  	[tilespmem:s22+$0x5800] =	vst v5  }
0xbb: {  	v0 =	vadd.s32 $0xF42780, v0;
	[tilespmem:s22+$0x5700] =	vst v3  }
0xbc: {  	s26 =	sor.u32 $0x380, s14;
	s14 =	smov.u32 s16;
	[tilespmem:s22+$0x5780] =	vst v1  }
0xbd: {  	[tilespmem:s22+$0x5880] =	vst v6  }
0xbe: {  	[tilespmem:s26+$0x5600] =	vst v0  }
0xbf: {  	v0 =	vld [tilespmem:s1+$0x0];
	_ =	sdelay $0x4  }
.Ltmp5:
0xc0: {  	v1 =	vshll.u32 v0, $0x3;
	(pc) =	sbr.rel @p0 .LBB2_12-.Ltmp5, $4  }
0xc1: {  	v0 =	vand.u32 $0x7F, v0;
	v1 =	vand.u32 $0xFFFFFC00, v1  }
0xc2: {  	s16 =	sand.u32 $0xC00, s17;
	s17 =	sand.u32 $0x70, s13;
	v0 =	vor.u32 v0, v1  }
0xc3: {  	s22 =	sor.u32 s17, s16;
	v1 =	vadd.s32 $0xF42400, v0;
	v2 =	vadd.s32 $0xF42480, v0;
	v4 =	vadd.s32 $0xF42700, v0  }
0xc4: {  	v3 =	vadd.s32 $0xF42500, v0;
	[tilespmem:s22+$0x5600] =	vst v1;
	v1 =	vadd.s32 $0xF42580, v0  }
0xc5: {  	[tilespmem:s22+$0x5900] =	vst v4  }
0xc6: {  	[tilespmem:s22+$0x5680] =	vst v2  }
0xc7: {  	[tilespmem:s22+$0x5700] =	vst v3  }
0xc8: {  	v4 =	vadd.s32 $0xF42600, v0;
	[tilespmem:s22+$0x5780] =	vst v1  }
0xc9: {  	v2 =	vadd.s32 $0xF42680, v0;
	[tilespmem:s22+$0x5800] =	vst v4  }
0xca: {  	v0 =	vadd.s32 $0xF42780, v0;
	s1 =	sor.u32 $0x380, s14;
	[tilespmem:s22+$0x5880] =	vst v2  }
0xcb: {  	s13 =	simm.s32 $0x11600;
	s22 =	simm.s32 $0x5600;
	[tilespmem:s1+$0x5600] =	vst v0;
	s1 =	simm.s32 $0x200  }
0xcc: {  	[tilespmem:s13], [sflag:$0x6] =	stream.indirect.gather [hbm4b:s0+s24], $0x1, s22, s24, $0xb8;
	[tilespmem:$0x18800] =	vst v63  }
0xcd: {  	v0 =	vld [tilespmem:s1+$0x0];
	_ =	sdelay $0x4  }
0xce: {  	v1 =	vshll.u32 v0, $0x3  }
0xcf: {  	s13 =	simm.s32 $0x0;
	v0 =	vand.u32 $0x7F, v0;
	v1 =	vand.u32 $0xFFFFFC00, v1  }
0xd0: {  	s26 =	sand.u32 $0xC00, s13;
	s15 =	sand.u32 $0x70, s13;
	v0 =	vor.u32 v0, v1  }
0xd1: {  	s22 =	sor.u32 s15, s26;
	v1 =	vadd.s32 $0x1E84800, v0;
	v2 =	vadd.s32 $0x1E84880, v0;
	v4 =	vadd.s32 $0x1E84B00, v0  }
0xd2: {  	s14 =	sor.u32 s13, s13;
	s15 =	simm.s32 $0x80;
	v3 =	vadd.s32 $0x1E84900, v0;
	[tilespmem:s22+$0x6600] =	vst v1;
	v1 =	vadd.s32 $0x1E84980, v0  }
.LBB2_14:
0xd3: {  	p0 =	sne.s32 s15, $0xF80  }
0xd4: {  	v5 =	vadd.s32 $0x1E84A00, v0;
	v6 =	vadd.s32 $0x1E84A80, v0;
	[tilespmem:s22+$0x6900] =	vst v4;
	s13 =	sadd.s32 $0x10, s13;
	s1 =	sadd.s32 $0x10, s1  }
0xd5: {  	s17 =	smov.u32 s15;
	s16 =	sor.u32 s15, s13;
	[tilespmem:s22+$0x6680] =	vst v2;
	s15 =	sadd.s32 $0x80, s15  }
0xd6: {  	[tilespmem:s22+$0x6800] =	vst v5  }
0xd7: {  	v0 =	vadd.s32 $0x1E84B80, v0;
	[tilespmem:s22+$0x6700] =	vst v3  }
0xd8: {  	s26 =	sor.u32 $0x380, s14;
	s14 =	smov.u32 s16;
	[tilespmem:s22+$0x6780] =	vst v1  }
0xd9: {  	[tilespmem:s22+$0x6880] =	vst v6  }
0xda: {  	[tilespmem:s26+$0x6600] =	vst v0  }
0xdb: {  	v0 =	vld [tilespmem:s1+$0x0];
	_ =	sdelay $0x4  }
.Ltmp6:
0xdc: {  	v1 =	vshll.u32 v0, $0x3;
	(pc) =	sbr.rel @p0 .LBB2_14-.Ltmp6, $4  }
0xdd: {  	v0 =	vand.u32 $0x7F, v0;
	v1 =	vand.u32 $0xFFFFFC00, v1  }
0xde: {  	s16 =	sand.u32 $0xC00, s17;
	s17 =	sand.u32 $0x70, s13;
	v0 =	vor.u32 v0, v1  }
0xdf: {  	s22 =	sor.u32 s17, s16;
	v1 =	vadd.s32 $0x1E84800, v0;
	v2 =	vadd.s32 $0x1E84880, v0;
	v4 =	vadd.s32 $0x1E84B00, v0  }
0xe0: {  	v3 =	vadd.s32 $0x1E84900, v0;
	[tilespmem:s22+$0x6600] =	vst v1;
	v1 =	vadd.s32 $0x1E84980, v0  }
0xe1: {  	[tilespmem:s22+$0x6900] =	vst v4  }
0xe2: {  	[tilespmem:s22+$0x6680] =	vst v2  }
0xe3: {  	[tilespmem:s22+$0x6700] =	vst v3  }
0xe4: {  	v4 =	vadd.s32 $0x1E84A00, v0;
	[tilespmem:s22+$0x6780] =	vst v1  }
0xe5: {  	v2 =	vadd.s32 $0x1E84A80, v0;
	[tilespmem:s22+$0x6800] =	vst v4  }
0xe6: {  	v0 =	vadd.s32 $0x1E84B80, v0;
	s1 =	sor.u32 $0x380, s14;
	[tilespmem:s22+$0x6880] =	vst v2  }
0xe7: {  	s13 =	simm.s32 $0x12600;
	s22 =	simm.s32 $0x6600;
	[tilespmem:s1+$0x6600] =	vst v0;
	s1 =	simm.s32 $0x200  }
0xe8: {  	[tilespmem:s13], [sflag:$0x7] =	stream.indirect.gather [hbm4b:s0+s24], $0x1, s22, s24, $0xb8;
	[tilespmem:$0x18800] =	vst v63  }
0xe9: {  	v0 =	vld [tilespmem:s1+$0x0];
	_ =	sdelay $0x4  }
0xea: {  	v1 =	vshll.u32 v0, $0x3  }
0xeb: {  	s13 =	simm.s32 $0x0;
	v0 =	vand.u32 $0x7F, v0;
	v1 =	vand.u32 $0xFFFFFC00, v1  }
0xec: {  	s26 =	sand.u32 $0xC00, s13;
	s15 =	sand.u32 $0x70, s13;
	v0 =	vor.u32 v0, v1  }
0xed: {  	s22 =	sor.u32 s15, s26;
	v1 =	vadd.s32 $0x2DC6C00, v0;
	v2 =	vadd.s32 $0x2DC6C80, v0;
	v4 =	vadd.s32 $0x2DC6F00, v0  }
0xee: {  	s14 =	sor.u32 s13, s13;
	s15 =	simm.s32 $0x80;
	v3 =	vadd.s32 $0x2DC6D00, v0;
	[tilespmem:s22+$0x7600] =	vst v1;
	v1 =	vadd.s32 $0x2DC6D80, v0  }
.LBB2_16:
0xef: {  	p0 =	sne.s32 s15, $0xF80  }
0xf0: {  	v5 =	vadd.s32 $0x2DC6E00, v0;
	v6 =	vadd.s32 $0x2DC6E80, v0;
	[tilespmem:s22+$0x7900] =	vst v4;
	s13 =	sadd.s32 $0x10, s13;
	s1 =	sadd.s32 $0x10, s1  }
0xf1: {  	s17 =	smov.u32 s15;
	s16 =	sor.u32 s15, s13;
	[tilespmem:s22+$0x7680] =	vst v2;
	s15 =	sadd.s32 $0x80, s15  }
0xf2: {  	[tilespmem:s22+$0x7800] =	vst v5  }
0xf3: {  	v0 =	vadd.s32 $0x2DC6F80, v0;
	[tilespmem:s22+$0x7700] =	vst v3  }
0xf4: {  	s26 =	sor.u32 $0x380, s14;
	s14 =	smov.u32 s16;
	[tilespmem:s22+$0x7780] =	vst v1  }
0xf5: {  	[tilespmem:s22+$0x7880] =	vst v6  }
0xf6: {  	[tilespmem:s26+$0x7600] =	vst v0  }
0xf7: {  	v0 =	vld [tilespmem:s1+$0x0];
	_ =	sdelay $0x4  }
.Ltmp7:
0xf8: {  	v1 =	vshll.u32 v0, $0x3;
	(pc) =	sbr.rel @p0 .LBB2_16-.Ltmp7, $4  }
0xf9: {  	v0 =	vand.u32 $0x7F, v0;
	v1 =	vand.u32 $0xFFFFFC00, v1  }
0xfa: {  	s16 =	sand.u32 $0xC00, s17;
	s17 =	sand.u32 $0x70, s13;
	v0 =	vor.u32 v0, v1  }
0xfb: {  	s22 =	sor.u32 s17, s16;
	v1 =	vadd.s32 $0x2DC6C00, v0;
	v2 =	vadd.s32 $0x2DC6C80, v0;
	v4 =	vadd.s32 $0x2DC6F00, v0  }
0xfc: {  	v3 =	vadd.s32 $0x2DC6D00, v0;
	[tilespmem:s22+$0x7600] =	vst v1;
	v1 =	vadd.s32 $0x2DC6D80, v0  }
0xfd: {  	[tilespmem:s22+$0x7900] =	vst v4  }
0xfe: {  	[tilespmem:s22+$0x7680] =	vst v2  }
0xff: {  	[tilespmem:s22+$0x7700] =	vst v3  }
0x100: {  	v4 =	vadd.s32 $0x2DC6E00, v0;
	[tilespmem:s22+$0x7780] =	vst v1  }
0x101: {  	v2 =	vadd.s32 $0x2DC6E80, v0;
	[tilespmem:s22+$0x7800] =	vst v4  }
0x102: {  	v0 =	vadd.s32 $0x2DC6F80, v0;
	s1 =	sor.u32 $0x380, s14;
	[tilespmem:s22+$0x7880] =	vst v2  }
0x103: {  	s13 =	simm.s32 $0x13600;
	s22 =	simm.s32 $0x7600;
	[tilespmem:s1+$0x7600] =	vst v0  }
0x104: {  	[tilespmem:s13], [sflag:$0x8] =	stream.indirect.gather [hbm4b:s0+s24], $0x1, s22, s24, $0xb8;
	[tilespmem:$0x18800] =	vst v63  }
0x105: {  	_ =	swait.ge [sflag:s28], $0x200  }
0x106: {  	[sflag:s28] =	ssyncset.done $0x0  }
0x107: {  	s1 =	simm.s32 $0x400;
	[sflag:s28] =	ssyncadd.s32 $0xFFFFFE00  }
0x108: {  	v0 =	vld [tilespmem:s1+$0x0];
	_ =	sdelay $0x4  }
0x109: {  	s13 =	simm.s32 $0x0;
	v1 =	vshll.u32 v0, $0x3  }
0x10a: {  	s26 =	sand.u32 $0xC00, s13;
	s15 =	sand.u32 $0x70, s13;
	v0 =	vand.u32 $0x7F, v0;
	v1 =	vand.u32 $0xFFFFFC00, v1  }
0x10b: {  	s22 =	sor.u32 s15, s26;
	v1 =	vor.u32 v0, v1  }
0x10c: {  	[tilespmem:s22+$0x8600] =	vst v1;
	v2 =	vor.u32 $0x80, v1;
	v4 =	vor.u32 $0x100, v1;
	v0 =	vor.u32 $0x380, v1  }
0x10d: {  	s14 =	sor.u32 s13, s13;
	s15 =	simm.s32 $0x80;
	v3 =	vor.u32 $0x180, v1;
	v5 =	vor.u32 $0x300, v1;
	[tilespmem:s22+$0x8680] =	vst v2;
	v2 =	vor.u32 $0x200, v1  }
.LBB2_18:
0x10e: {  	p0 =	sne.s32 s15, $0xF80;
	[tilespmem:s22+$0x8700] =	vst v4;
	v1 =	vor.u32 $0x280, v1;
	s13 =	sadd.s32 $0x10, s13;
	s1 =	sadd.s32 $0x10, s1  }
0x10f: {  	s17 =	smov.u32 s15;
	s16 =	sor.u32 s15, s13;
	[tilespmem:s22+$0x8900] =	vst v5;
	s15 =	sadd.s32 $0x80, s15  }
0x110: {  	[tilespmem:s22+$0x8880] =	vst v1  }
0x111: {  	s26 =	sor.u32 $0x380, s14;
	s14 =	smov.u32 s16;
	[tilespmem:s22+$0x8780] =	vst v3  }
0x112: {  	[tilespmem:s22+$0x8800] =	vst v2  }
0x113: {  	[tilespmem:s26+$0x8600] =	vst v0  }
0x114: {  	v0 =	vld [tilespmem:s1+$0x0];
	_ =	sdelay $0x4  }
.Ltmp8:
0x115: {  	v1 =	vshll.u32 v0, $0x3;
	(pc) =	sbr.rel @p0 .LBB2_18-.Ltmp8, $4  }
0x116: {  	s16 =	sand.u32 $0xC00, s17;
	s17 =	sand.u32 $0x70, s13;
	v0 =	vand.u32 $0x7F, v0;
	v1 =	vand.u32 $0xFFFFFC00, v1  }
0x117: {  	s22 =	sor.u32 s17, s16;
	v1 =	vor.u32 v0, v1  }
0x118: {  	[tilespmem:s22+$0x8600] =	vst v1;
	v2 =	vor.u32 $0x80, v1;
	v4 =	vor.u32 $0x100, v1;
	v0 =	vor.u32 $0x380, v1  }
0x119: {  	v3 =	vor.u32 $0x180, v1;
	v5 =	vor.u32 $0x300, v1;
	[tilespmem:s22+$0x8680] =	vst v2;
	v2 =	vor.u32 $0x200, v1  }
0x11a: {  	[tilespmem:s22+$0x8700] =	vst v4  }
0x11b: {  	[tilespmem:s22+$0x8900] =	vst v5  }
0x11c: {  	[tilespmem:s22+$0x8780] =	vst v3  }
0x11d: {  	v1 =	vor.u32 $0x280, v1;
	[tilespmem:s22+$0x8800] =	vst v2  }
0x11e: {  	s1 =	sor.u32 $0x380, s14;
	[tilespmem:s22+$0x8880] =	vst v1  }
0x11f: {  	s13 =	simm.s32 $0x14600;
	s22 =	simm.s32 $0x8600;
	[tilespmem:s1+$0x8600] =	vst v0;
	s1 =	simm.s32 $0x400  }
0x120: {  	[tilespmem:s13], [sflag:$0x9] =	stream.indirect.gather [hbm4b:s0+s24], $0x1, s22, s24, $0xb8;
	[tilespmem:$0x18800] =	vst v63  }
0x121: {  	v0 =	vld [tilespmem:s1+$0x0];
	_ =	sdelay $0x4  }
0x122: {  	v1 =	vshll.u32 v0, $0x3  }
0x123: {  	s13 =	simm.s32 $0x0;
	v0 =	vand.u32 $0x7F, v0;
	v1 =	vand.u32 $0xFFFFFC00, v1  }
0x124: {  	s26 =	sand.u32 $0xC00, s13;
	s15 =	sand.u32 $0x70, s13;
	v0 =	vor.u32 v0, v1  }
0x125: {  	s22 =	sor.u32 s15, s26;
	v1 =	vadd.s32 $0xF42400, v0;
	v2 =	vadd.s32 $0xF42480, v0;
	v4 =	vadd.s32 $0xF42700, v0  }
0x126: {  	s14 =	sor.u32 s13, s13;
	s15 =	simm.s32 $0x80;
	v3 =	vadd.s32 $0xF42500, v0;
	[tilespmem:s22+$0x9600] =	vst v1;
	v1 =	vadd.s32 $0xF42580, v0  }
.LBB2_20:
0x127: {  	p0 =	sne.s32 s15, $0xF80  }
0x128: {  	v5 =	vadd.s32 $0xF42600, v0;
	v6 =	vadd.s32 $0xF42680, v0;
	[tilespmem:s22+$0x9900] =	vst v4;
	s13 =	sadd.s32 $0x10, s13;
	s1 =	sadd.s32 $0x10, s1  }
0x129: {  	s17 =	smov.u32 s15;
	s16 =	sor.u32 s15, s13;
	[tilespmem:s22+$0x9680] =	vst v2;
	s15 =	sadd.s32 $0x80, s15  }
0x12a: {  	[tilespmem:s22+$0x9800] =	vst v5  }
0x12b: {  	v0 =	vadd.s32 $0xF42780, v0;
	[tilespmem:s22+$0x9700] =	vst v3  }
0x12c: {  	s26 =	sor.u32 $0x380, s14;
	s14 =	smov.u32 s16;
	[tilespmem:s22+$0x9780] =	vst v1  }
0x12d: {  	[tilespmem:s22+$0x9880] =	vst v6  }
0x12e: {  	[tilespmem:s26+$0x9600] =	vst v0  }
0x12f: {  	v0 =	vld [tilespmem:s1+$0x0];
	_ =	sdelay $0x4  }
.Ltmp9:
0x130: {  	v1 =	vshll.u32 v0, $0x3;
	(pc) =	sbr.rel @p0 .LBB2_20-.Ltmp9, $4  }
0x131: {  	v0 =	vand.u32 $0x7F, v0;
	v1 =	vand.u32 $0xFFFFFC00, v1  }
0x132: {  	s16 =	sand.u32 $0xC00, s17;
	s17 =	sand.u32 $0x70, s13;
	v0 =	vor.u32 v0, v1  }
0x133: {  	s22 =	sor.u32 s17, s16;
	v1 =	vadd.s32 $0xF42400, v0;
	v2 =	vadd.s32 $0xF42480, v0;
	v4 =	vadd.s32 $0xF42700, v0  }
0x134: {  	v3 =	vadd.s32 $0xF42500, v0;
	[tilespmem:s22+$0x9600] =	vst v1;
	v1 =	vadd.s32 $0xF42580, v0  }
0x135: {  	[tilespmem:s22+$0x9900] =	vst v4  }
0x136: {  	[tilespmem:s22+$0x9680] =	vst v2  }
0x137: {  	[tilespmem:s22+$0x9700] =	vst v3  }
0x138: {  	v4 =	vadd.s32 $0xF42600, v0;
	[tilespmem:s22+$0x9780] =	vst v1  }
0x139: {  	v2 =	vadd.s32 $0xF42680, v0;
	[tilespmem:s22+$0x9800] =	vst v4  }
0x13a: {  	v0 =	vadd.s32 $0xF42780, v0;
	s1 =	sor.u32 $0x380, s14;
	[tilespmem:s22+$0x9880] =	vst v2  }
0x13b: {  	s22 =	simm.s32 $0x9600;
	[tilespmem:s1+$0x9600] =	vst v0;
	s1 =	simm.s32 $0x400  }
0x13c: {  	[tilespmem:s29], [sflag:$0xA] =	stream.indirect.gather [hbm4b:s0+s24], $0x1, s22, s24, $0xb8;
	[tilespmem:$0x18800] =	vst v63  }
0x13d: {  	v0 =	vld [tilespmem:s1+$0x0];
	_ =	sdelay $0x4  }
0x13e: {  	v1 =	vshll.u32 v0, $0x3  }
0x13f: {  	s13 =	simm.s32 $0x0;
	v0 =	vand.u32 $0x7F, v0;
	v1 =	vand.u32 $0xFFFFFC00, v1  }
0x140: {  	s26 =	sand.u32 $0xC00, s13;
	s15 =	sand.u32 $0x70, s13;
	v0 =	vor.u32 v0, v1  }
0x141: {  	s22 =	sor.u32 s15, s26;
	v1 =	vadd.s32 $0x1E84800, v0;
	v2 =	vadd.s32 $0x1E84880, v0;
	v4 =	vadd.s32 $0x1E84B00, v0  }
0x142: {  	s14 =	sor.u32 s13, s13;
	s15 =	simm.s32 $0x80;
	v3 =	vadd.s32 $0x1E84900, v0;
	[tilespmem:s22+$0xA600] =	vst v1;
	v1 =	vadd.s32 $0x1E84980, v0  }
.LBB2_22:
0x143: {  	p0 =	sne.s32 s15, $0xF80  }
0x144: {  	v5 =	vadd.s32 $0x1E84A00, v0;
	v6 =	vadd.s32 $0x1E84A80, v0;
	[tilespmem:s22+$0xA900] =	vst v4;
	s13 =	sadd.s32 $0x10, s13;
	s1 =	sadd.s32 $0x10, s1  }
0x145: {  	s17 =	smov.u32 s15;
	s16 =	sor.u32 s15, s13;
	[tilespmem:s22+$0xA680] =	vst v2;
	s15 =	sadd.s32 $0x80, s15  }
0x146: {  	[tilespmem:s22+$0xA800] =	vst v5  }
0x147: {  	v0 =	vadd.s32 $0x1E84B80, v0;
	[tilespmem:s22+$0xA700] =	vst v3  }
0x148: {  	s26 =	sor.u32 $0x380, s14;
	s14 =	smov.u32 s16;
	[tilespmem:s22+$0xA780] =	vst v1  }
0x149: {  	[tilespmem:s22+$0xA880] =	vst v6  }
0x14a: {  	[tilespmem:s26+$0xA600] =	vst v0  }
0x14b: {  	v0 =	vld [tilespmem:s1+$0x0];
	_ =	sdelay $0x4  }
.Ltmp10:
0x14c: {  	v1 =	vshll.u32 v0, $0x3;
	(pc) =	sbr.rel @p0 .LBB2_22-.Ltmp10, $4  }
0x14d: {  	v0 =	vand.u32 $0x7F, v0;
	v1 =	vand.u32 $0xFFFFFC00, v1  }
0x14e: {  	s16 =	sand.u32 $0xC00, s17;
	s17 =	sand.u32 $0x70, s13;
	v0 =	vor.u32 v0, v1  }
0x14f: {  	s22 =	sor.u32 s17, s16;
	v1 =	vadd.s32 $0x1E84800, v0;
	v2 =	vadd.s32 $0x1E84880, v0;
	v4 =	vadd.s32 $0x1E84B00, v0  }
0x150: {  	v3 =	vadd.s32 $0x1E84900, v0;
	[tilespmem:s22+$0xA600] =	vst v1;
	v1 =	vadd.s32 $0x1E84980, v0  }
0x151: {  	[tilespmem:s22+$0xA900] =	vst v4  }
0x152: {  	[tilespmem:s22+$0xA680] =	vst v2  }
0x153: {  	[tilespmem:s22+$0xA700] =	vst v3  }
0x154: {  	v4 =	vadd.s32 $0x1E84A00, v0;
	[tilespmem:s22+$0xA780] =	vst v1  }
0x155: {  	v2 =	vadd.s32 $0x1E84A80, v0;
	[tilespmem:s22+$0xA800] =	vst v4  }
0x156: {  	v0 =	vadd.s32 $0x1E84B80, v0;
	s1 =	sor.u32 $0x380, s14;
	[tilespmem:s22+$0xA880] =	vst v2  }
0x157: {  	s22 =	simm.s32 $0xA600;
	[tilespmem:s1+$0xA600] =	vst v0;
	s1 =	simm.s32 $0x400  }
0x158: {  	[tilespmem:s4], [sflag:$0xB] =	stream.indirect.gather [hbm4b:s0+s24], $0x1, s22, s24, $0xb8;
	[tilespmem:$0x18800] =	vst v63  }
0x159: {  	v0 =	vld [tilespmem:s1+$0x0];
	_ =	sdelay $0x4  }
0x15a: {  	v1 =	vshll.u32 v0, $0x3  }
0x15b: {  	s13 =	simm.s32 $0x0;
	v0 =	vand.u32 $0x7F, v0;
	v1 =	vand.u32 $0xFFFFFC00, v1  }
0x15c: {  	s26 =	sand.u32 $0xC00, s13;
	s15 =	sand.u32 $0x70, s13;
	v0 =	vor.u32 v0, v1  }
0x15d: {  	s22 =	sor.u32 s15, s26;
	v1 =	vadd.s32 $0x2DC6C00, v0;
	v2 =	vadd.s32 $0x2DC6C80, v0;
	v4 =	vadd.s32 $0x2DC6F00, v0  }
0x15e: {  	s14 =	sor.u32 s13, s13;
	s15 =	simm.s32 $0x80;
	v3 =	vadd.s32 $0x2DC6D00, v0;
	[tilespmem:s22+$0xB600] =	vst v1;
	v1 =	vadd.s32 $0x2DC6D80, v0  }
.LBB2_24:
0x15f: {  	p0 =	sne.s32 s15, $0xF80  }
0x160: {  	v5 =	vadd.s32 $0x2DC6E00, v0;
	v6 =	vadd.s32 $0x2DC6E80, v0;
	[tilespmem:s22+$0xB900] =	vst v4;
	s13 =	sadd.s32 $0x10, s13;
	s1 =	sadd.s32 $0x10, s1  }
0x161: {  	s17 =	smov.u32 s15;
	s16 =	sor.u32 s15, s13;
	[tilespmem:s22+$0xB680] =	vst v2;
	s15 =	sadd.s32 $0x80, s15  }
0x162: {  	[tilespmem:s22+$0xB800] =	vst v5  }
0x163: {  	v0 =	vadd.s32 $0x2DC6F80, v0;
	[tilespmem:s22+$0xB700] =	vst v3  }
0x164: {  	s26 =	sor.u32 $0x380, s14;
	s14 =	smov.u32 s16;
	[tilespmem:s22+$0xB780] =	vst v1  }
0x165: {  	[tilespmem:s22+$0xB880] =	vst v6  }
0x166: {  	[tilespmem:s26+$0xB600] =	vst v0  }
0x167: {  	v0 =	vld [tilespmem:s1+$0x0];
	_ =	sdelay $0x4  }
.Ltmp11:
0x168: {  	v1 =	vshll.u32 v0, $0x3;
	(pc) =	sbr.rel @p0 .LBB2_24-.Ltmp11, $4  }
0x169: {  	v0 =	vand.u32 $0x7F, v0;
	v1 =	vand.u32 $0xFFFFFC00, v1  }
0x16a: {  	s16 =	sand.u32 $0xC00, s17;
	s17 =	sand.u32 $0x70, s13;
	v0 =	vor.u32 v0, v1  }
0x16b: {  	s22 =	sor.u32 s17, s16;
	v1 =	vadd.s32 $0x2DC6C00, v0;
	v2 =	vadd.s32 $0x2DC6C80, v0;
	v4 =	vadd.s32 $0x2DC6F00, v0  }
0x16c: {  	v3 =	vadd.s32 $0x2DC6D00, v0;
	[tilespmem:s22+$0xB600] =	vst v1;
	v1 =	vadd.s32 $0x2DC6D80, v0  }
0x16d: {  	[tilespmem:s22+$0xB900] =	vst v4  }
0x16e: {  	[tilespmem:s22+$0xB680] =	vst v2  }
0x16f: {  	[tilespmem:s22+$0xB700] =	vst v3  }
0x170: {  	v4 =	vadd.s32 $0x2DC6E00, v0;
	[tilespmem:s22+$0xB780] =	vst v1  }
0x171: {  	v2 =	vadd.s32 $0x2DC6E80, v0;
	[tilespmem:s22+$0xB800] =	vst v4  }
0x172: {  	v0 =	vadd.s32 $0x2DC6F80, v0;
	s1 =	sor.u32 $0x380, s14;
	[tilespmem:s22+$0xB880] =	vst v2  }
0x173: {  	s16 =	simm.s32 $0xB600;
	[tilespmem:s1+$0xB600] =	vst v0  }
0x174: {  	[tilespmem:s5], [sflag:$0xC] =	stream.indirect.gather [hbm4b:s0+s24], $0x1, s16, s24, $0xb8;
	[tilespmem:$0x18800] =	vst v63  }
0x175: {  	_ =	swait.ge [sflag:s23], $0x1000  }
0x176: {  	s17 =	simm.s32 $0xC600;
	[sflag:s23] =	ssyncset.done $0x0  }
0x177: {  	s1 =	simm.s32 $0x0;
	s13 =	rddreg [dreg:$0xc];
	[sflag:s23] =	ssyncadd.s32 $0xFFFFF000  }
0x178: {  	[hbm4b:s13+s1] =	stream.linear.scatter [tilespmem:s17], [sflag:$0xD], $0x1000, $0x38;
	[tilespmem:$0x18800] =	vst v63  }
0x179: {  	_ =	swait.ge [sflag:s21], $0x1000  }
0x17a: {  	[sflag:s21] =	ssyncset.done $0x0  }
0x17b: {  	s26 =	simm.s32 $0x10600;
	s22 =	rddreg [dreg:$0xd];
	[sflag:s21] =	ssyncadd.s32 $0xFFFFF000  }
0x17c: {  	[hbm4b:s22+s1] =	stream.linear.scatter [tilespmem:s26], [sflag:$0xD], $0x1000, $0x38;
	[tilespmem:$0x18800] =	vst v63  }
0x17d: {  	s16 =	simm.s32 $0x14600;
	_ =	swait.ge [sflag:s28], $0x1000  }
0x17e: {  	s17 =	sand.u32 $0xC00, s1;
	s22 =	sand.u32 $0x70, s1;
	[sflag:s28] =	ssyncset.done $0x0  }
0x17f: {  	s14 =	sor.u32 s22, s17;
	s15 =	rddreg [dreg:$0xe];
	[sflag:s28] =	ssyncadd.s32 $0xFFFFF000  }
0x180: {  	[hbm4b:s15+s1] =	stream.linear.scatter [tilespmem:s16], [sflag:$0xD], $0x1000, $0x38;
	[tilespmem:$0x18800] =	vst v63  }
0x181: {  	v0 =	vld [tilespmem:s14+$0xC900]  }
0x182: {  	s13 =	sor.u32 s17, s1;
	v1 =	vld [tilespmem:s14+$0xC880]  }
0x183: {  	s13 =	sor.u32 $0x180, s13;
	v2 =	vld [tilespmem:s14+$0xC800]  }
0x184: {  	v3 =	vld [tilespmem:s13+$0xC600]  }
0x185: {  	v4 =	vld [tilespmem:s14+$0xC700]  }
0x186: {  	v5 =	vld [tilespmem:s14+$0xC680]  }
0x187: {  	v6 =	vld [tilespmem:s14+$0xC600]  }
0x188: {  	v7 =	vld [tilespmem:s14+$0x10600]  }
0x189: {  	v8 =	vld [tilespmem:s14+$0x14600]  }
0x18a: {  	v9 =	vld [tilespmem:s14+$0x10680]  }
0x18b: {  	v10 =	vld [tilespmem:s14+$0x14680]  }
0x18c: {  	v11 =	vld [tilespmem:s14+$0x10700]  }
0x18d: {  	v12 =	vld [tilespmem:s14+$0x14700]  }
0x18e: {  	v13 =	vld [tilespmem:s13+$0x14600];
	v7 =	vsub.f32 v7, v8  }
0x18f: {  	v8 =	vld [tilespmem:s13+$0x10600]  }
0x190: {  	v59 =	vld [tilespmem:s14+$0x10800];
	v6 =	vmul.f32 v7, v6;
	v7 =	vsub.f32 v9, v10  }
0x191: {  	v60 =	vld [tilespmem:s14+$0x14800]  }
0x192: {  	v61 =	vld [tilespmem:s14+$0x10880];
	v6 =	vadd.f32 $0.0e+00, v6;
	v5 =	vmul.f32 v7, v5;
	v7 =	vsub.f32 v11, v12  }
0x193: {  	v62 =	vld [tilespmem:s14+$0x14880]  }
0x194: {  	s1 =	sor.u32 s1, s1;
	v5 =	vadd.f32 v5, v6;
	v4 =	vmul.f32 v7, v4;
	v6 =	vsub.f32 v8, v13;
	v7 =	vld [tilespmem:s14+$0x10900]  }
0x195: {  	s1 =	sor.u32 $0x380, s1;
	v8 =	vld [tilespmem:s14+$0x14900]  }
0x196: {  	v63 =	vld [tilespmem:s1+$0x14600];
	v4 =	vadd.f32 v4, v5;
	v3 =	vmul.f32 v6, v3;
	v5 =	vsub.f32 v59, v60  }
0x197: {  	v6 =	vld [tilespmem:s1+$0x10600]  }
0x198: {  	v3 =	vadd.f32 v3, v4;
	v2 =	vmul.f32 v5, v2;
	v4 =	vsub.f32 v61, v62  }
0x199: {  	v5 =	vld [tilespmem:s1+$0xC600]  }
0x19a: {  	v2 =	vadd.f32 v2, v3;
	v1 =	vmul.f32 v4, v1;
	v3 =	vsub.f32 v7, v8;
	_ =	sdelay $0x1  }
0x19b: {  	v1 =	vadd.f32 v1, v2;
	v0 =	vmul.f32 v3, v0;
	v2 =	vsub.f32 v6, v63;
	_ =	sdelay $0x1  }
0x19c: {  	v0 =	vadd.f32 v0, v1;
	v1 =	vmul.f32 v2, v5;
	_ =	sdelay $0x1  }
0x19d: {  	s13 =	simm.s32 $0x80;
	s1 =	simm.s32 $0x10;
	v0 =	vadd.f32 v1, v0  }
0x19e: {  	s22 =	simm.s32 $0x18600;
	s26 =	sand.u32 $0xC00, s13;
	s15 =	sand.u32 $0x70, s1  }
0x19f: {  	s15 =	sor.u32 s15, s26;
	[tilespmem:s22+$0x0] =	vst v0  }
0x1a0: {  	v0 =	vld [tilespmem:s15+$0xC900]  }
0x1a1: {  	s14 =	sor.u32 s26, s1;
	v1 =	vld [tilespmem:s15+$0xC880]  }
0x1a2: {  	s26 =	sor.u32 $0x180, s14;
	v2 =	vld [tilespmem:s15+$0xC800]  }
0x1a3: {  	v3 =	vld [tilespmem:s26+$0xC600]  }
0x1a4: {  	v4 =	vld [tilespmem:s15+$0xC700]  }
0x1a5: {  	v5 =	vld [tilespmem:s15+$0xC680]  }
0x1a6: {  	s14 =	simm.s32 $0x100;
	v6 =	vld [tilespmem:s15+$0xC600]  }
.LBB2_26:
0x1a7: {  	p0 =	sne.s32 s14, $0xF80;
	v7 =	vld [tilespmem:s15+$0x10600]  }
0x1a8: {  	v8 =	vld [tilespmem:s15+$0x14600]  }
0x1a9: {  	v9 =	vld [tilespmem:s15+$0x10680]  }
0x1aa: {  	v10 =	vld [tilespmem:s15+$0x14680]  }
0x1ab: {  	v11 =	vld [tilespmem:s15+$0x10700]  }
0x1ac: {  	v12 =	vld [tilespmem:s15+$0x14700]  }
0x1ad: {  	v7 =	vsub.f32 v7, v8;
	v8 =	vld [tilespmem:s26+$0x10600]  }
0x1ae: {  	v13 =	vld [tilespmem:s26+$0x14600]  }
0x1af: {  	v6 =	vmul.f32 v7, v6;
	v7 =	vsub.f32 v9, v10;
	v9 =	vld [tilespmem:s15+$0x10800]  }
0x1b0: {  	v10 =	vld [tilespmem:s15+$0x14800]  }
0x1b1: {  	v6 =	vadd.f32 $0.0e+00, v6;
	v5 =	vmul.f32 v7, v5;
	v7 =	vsub.f32 v11, v12;
	v11 =	vld [tilespmem:s15+$0x10880]  }
0x1b2: {  	v12 =	vld [tilespmem:s15+$0x14880]  }
0x1b3: {  	s16 =	sor.u32 s13, s1;
	s13 =	smov.u32 s14;
	v5 =	vadd.f32 v5, v6;
	v4 =	vmul.f32 v7, v4;
	v6 =	vsub.f32 v8, v13;
	v7 =	vld [tilespmem:s15+$0x10900]  }
0x1b4: {  	v8 =	vld [tilespmem:s15+$0x14900];
	s15 =	sor.u32 $0x380, s16  }
0x1b5: {  	v4 =	vadd.f32 v4, v5;
	v3 =	vmul.f32 v6, v3;
	v5 =	vsub.f32 v9, v10;
	v6 =	vld [tilespmem:s15+$0x10600]  }
0x1b6: {  	v9 =	vld [tilespmem:s15+$0x14600]  }
0x1b7: {  	v3 =	vadd.f32 v3, v4;
	v2 =	vmul.f32 v5, v2;
	v4 =	vsub.f32 v11, v12  }
0x1b8: {  	v5 =	vld [tilespmem:s15+$0xC600]  }
0x1b9: {  	v2 =	vadd.f32 v2, v3;
	v1 =	vmul.f32 v4, v1;
	v3 =	vsub.f32 v7, v8;
	_ =	sdelay $0x1  }
0x1ba: {  	v1 =	vadd.f32 v1, v2;
	v0 =	vmul.f32 v3, v0;
	v2 =	vsub.f32 v6, v9;
	_ =	sdelay $0x1  }
0x1bb: {  	v0 =	vadd.f32 v0, v1;
	v1 =	vmul.f32 v2, v5;
	_ =	sdelay $0x1  }
0x1bc: {  	s1 =	sadd.s32 $0x10, s1;
	v0 =	vadd.f32 v1, v0  }
0x1bd: {  	s22 =	sadd.s32 $0x10, s22;
	s16 =	sand.u32 $0xC00, s14;
	s15 =	sand.u32 $0x70, s1  }
0x1be: {  	s15 =	sor.u32 s15, s16;
	[tilespmem:s22+$0x0] =	vst v0  }
0x1bf: {  	v0 =	vld [tilespmem:s15+$0xC900]  }
0x1c0: {  	s16 =	sor.u32 s16, s1;
	v1 =	vld [tilespmem:s15+$0xC880]  }
.Ltmp12:
0x1c1: {  	s26 =	sor.u32 $0x180, s16;
	v2 =	vld [tilespmem:s15+$0xC800];
	(pc) =	sbr.rel @p0 .LBB2_26-.Ltmp12, $4  }
0x1c2: {  	v3 =	vld [tilespmem:s26+$0xC600]  }
0x1c3: {  	v4 =	vld [tilespmem:s15+$0xC700]  }
0x1c4: {  	v5 =	vld [tilespmem:s15+$0xC680]  }
0x1c5: {  	s14 =	sadd.s32 $0x80, s14;
	v6 =	vld [tilespmem:s15+$0xC600]  }
0x1c6: {  	v7 =	vld [tilespmem:s15+$0x10600]  }
0x1c7: {  	v8 =	vld [tilespmem:s15+$0x14600]  }
0x1c8: {  	v9 =	vld [tilespmem:s15+$0x10680]  }
0x1c9: {  	v10 =	vld [tilespmem:s15+$0x14680]  }
0x1ca: {  	v11 =	vld [tilespmem:s15+$0x10700]  }
0x1cb: {  	v12 =	vld [tilespmem:s15+$0x14700]  }
0x1cc: {  	v13 =	vld [tilespmem:s26+$0x14600];
	v7 =	vsub.f32 v7, v8  }
0x1cd: {  	v8 =	vld [tilespmem:s26+$0x10600]  }
0x1ce: {  	v59 =	vld [tilespmem:s15+$0x10800];
	v6 =	vmul.f32 v7, v6;
	v7 =	vsub.f32 v9, v10  }
0x1cf: {  	v60 =	vld [tilespmem:s15+$0x14800]  }
0x1d0: {  	v61 =	vld [tilespmem:s15+$0x10880];
	v6 =	vadd.f32 $0.0e+00, v6;
	v5 =	vmul.f32 v7, v5;
	v7 =	vsub.f32 v11, v12  }
0x1d1: {  	v62 =	vld [tilespmem:s15+$0x14880]  }
0x1d2: {  	s1 =	sor.u32 s13, s1;
	v5 =	vadd.f32 v5, v6;
	v4 =	vmul.f32 v7, v4;
	v6 =	vsub.f32 v8, v13;
	v7 =	vld [tilespmem:s15+$0x10900]  }
0x1d3: {  	s1 =	sor.u32 $0x380, s1;
	v8 =	vld [tilespmem:s15+$0x14900]  }
0x1d4: {  	v63 =	vld [tilespmem:s1+$0x14600];
	v4 =	vadd.f32 v4, v5;
	v3 =	vmul.f32 v6, v3;
	v5 =	vsub.f32 v59, v60  }
0x1d5: {  	v6 =	vld [tilespmem:s1+$0x10600]  }
0x1d6: {  	v3 =	vadd.f32 v3, v4;
	v2 =	vmul.f32 v5, v2;
	v4 =	vsub.f32 v61, v62  }
0x1d7: {  	v5 =	vld [tilespmem:s1+$0xC600]  }
0x1d8: {  	v2 =	vadd.f32 v2, v3;
	v1 =	vmul.f32 v4, v1;
	v3 =	vsub.f32 v7, v8;
	_ =	sdelay $0x1  }
0x1d9: {  	v1 =	vadd.f32 v1, v2;
	v0 =	vmul.f32 v3, v0;
	v2 =	vsub.f32 v6, v63;
	_ =	sdelay $0x1  }
0x1da: {  	v0 =	vadd.f32 v0, v1;
	v1 =	vmul.f32 v2, v5;
	_ =	sdelay $0x1  }
0x1db: {  	v0 =	vadd.f32 v1, v0  }
0x1dc: {  	s22 =	sadd.s32 $0x10, s22  }
0x1dd: {  	[tilespmem:s22+$0x0] =	vst v0  }
0x1de: {  	_ =	swait.ge [sflag:s31], $0x1000  }
0x1df: {  	s13 =	simm.s32 $0x0;
	[sflag:s31] =	ssyncset.done $0x0  }
0x1e0: {  	s14 =	simm.s32 $0xD600;
	s26 =	rddreg [dreg:$0xf];
	[sflag:s31] =	ssyncadd.s32 $0xFFFFF000  }
0x1e1: {  	[hbm4b:s26+s13] =	stream.linear.scatter [tilespmem:s14], [sflag:$0xD], $0x1000, $0x38;
	[tilespmem:$0x18800] =	vst v63  }
0x1e2: {  	_ =	swait.ge [sflag:s6], $0x1000  }
0x1e3: {  	[sflag:s6] =	ssyncset.done $0x0  }
0x1e4: {  	s16 =	simm.s32 $0x11600;
	s15 =	rddreg [dreg:$0x10];
	[sflag:s6] =	ssyncadd.s32 $0xFFFFF000  }
0x1e5: {  	[hbm4b:s15+s13] =	stream.linear.scatter [tilespmem:s16], [sflag:$0xD], $0x1000, $0x38;
	[tilespmem:$0x18800] =	vst v63  }
0x1e6: {  	_ =	swait.ge [sflag:s2], $0x1000  }
0x1e7: {  	s22 =	sand.u32 $0xC00, s13;
	s26 =	sand.u32 $0x70, s13;
	[sflag:s2] =	ssyncset.done $0x0  }
0x1e8: {  	s14 =	sor.u32 s26, s22;
	s17 =	rddreg [dreg:$0x11];
	[sflag:s2] =	ssyncadd.s32 $0xFFFFF000  }
0x1e9: {  	[hbm4b:s17+s13] =	stream.linear.scatter [tilespmem:s29], [sflag:$0xD], $0x1000, $0x38;
	[tilespmem:$0x18800] =	vst v63  }
0x1ea: {  	v0 =	vld [tilespmem:s14+$0xD900]  }
0x1eb: {  	s1 =	sor.u32 s22, s13;
	v1 =	vld [tilespmem:s14+$0xD880]  }
0x1ec: {  	s26 =	sor.u32 $0x1180, s1;
	v2 =	vld [tilespmem:s14+$0xD800]  }
0x1ed: {  	v3 =	vld [tilespmem:s26+$0xC600]  }
0x1ee: {  	s22 =	simm.s32 $0x18600;
	v4 =	vld [tilespmem:s14+$0xD700]  }
0x1ef: {  	v5 =	vld [tilespmem:s22+$0x0]  }
0x1f0: {  	v6 =	vld [tilespmem:s14+$0xD680]  }
0x1f1: {  	s1 =	simm.s32 $0x0;
	s15 =	simm.s32 $0x80;
	v7 =	vld [tilespmem:s14+$0xD600]  }
.LBB2_28:
0x1f2: {  	p0 =	sne.s32 s15, $0xF80;
	v8 =	vld [tilespmem:s14+$0x11600]  }
0x1f3: {  	v9 =	vld [tilespmem:s14+$0x15600]  }
0x1f4: {  	v10 =	vld [tilespmem:s14+$0x11680]  }
0x1f5: {  	v11 =	vld [tilespmem:s14+$0x15680]  }
0x1f6: {  	v12 =	vld [tilespmem:s14+$0x11700]  }
0x1f7: {  	v13 =	vld [tilespmem:s14+$0x15700]  }
0x1f8: {  	v8 =	vsub.f32 v8, v9;
	v9 =	vld [tilespmem:s26+$0x10600]  }
0x1f9: {  	v14 =	vld [tilespmem:s26+$0x14600]  }
0x1fa: {  	v7 =	vmul.f32 v8, v7;
	v8 =	vsub.f32 v10, v11;
	v10 =	vld [tilespmem:s14+$0x11800]  }
0x1fb: {  	v11 =	vld [tilespmem:s14+$0x15800]  }
0x1fc: {  	v5 =	vadd.f32 v7, v5;
	v6 =	vmul.f32 v8, v6;
	v7 =	vsub.f32 v12, v13;
	v8 =	vld [tilespmem:s14+$0x11880]  }
0x1fd: {  	v12 =	vld [tilespmem:s14+$0x15880]  }
0x1fe: {  	s16 =	sor.u32 s1, s13;
	s1 =	smov.u32 s15;
	v5 =	vadd.f32 v6, v5;
	v4 =	vmul.f32 v7, v4;
	v6 =	vsub.f32 v9, v14;
	v7 =	vld [tilespmem:s14+$0x11900]  }
0x1ff: {  	v9 =	vld [tilespmem:s14+$0x15900];
	s14 =	sor.u32 $0x1380, s16  }
0x200: {  	v4 =	vadd.f32 v4, v5;
	v3 =	vmul.f32 v6, v3;
	v5 =	vsub.f32 v10, v11;
	v6 =	vld [tilespmem:s14+$0x10600]  }
0x201: {  	v10 =	vld [tilespmem:s14+$0x14600]  }
0x202: {  	v3 =	vadd.f32 v3, v4;
	v2 =	vmul.f32 v5, v2;
	v4 =	vsub.f32 v8, v12  }
0x203: {  	v5 =	vld [tilespmem:s14+$0xC600]  }
0x204: {  	v2 =	vadd.f32 v2, v3;
	v1 =	vmul.f32 v4, v1;
	v3 =	vsub.f32 v7, v9;
	_ =	sdelay $0x1  }
0x205: {  	v1 =	vadd.f32 v1, v2;
	v0 =	vmul.f32 v3, v0;
	v2 =	vsub.f32 v6, v10;
	_ =	sdelay $0x1  }
0x206: {  	v0 =	vadd.f32 v0, v1;
	v1 =	vmul.f32 v2, v5;
	_ =	sdelay $0x1  }
0x207: {  	s13 =	sadd.s32 $0x10, s13;
	v0 =	vadd.f32 v1, v0  }
0x208: {  	s16 =	sand.u32 $0xC00, s15;
	s14 =	sand.u32 $0x70, s13  }
0x209: {  	s14 =	sor.u32 s14, s16;
	[tilespmem:s22+$0x0] =	vst v0  }
0x20a: {  	v0 =	vld [tilespmem:s14+$0xD900]  }
0x20b: {  	s16 =	sor.u32 s16, s13;
	v1 =	vld [tilespmem:s14+$0xD880]  }
0x20c: {  	s26 =	sor.u32 $0x1180, s16;
	v2 =	vld [tilespmem:s14+$0xD800]  }
.Ltmp13:
0x20d: {  	v3 =	vld [tilespmem:s26+$0xC600];
	(pc) =	sbr.rel @p0 .LBB2_28-.Ltmp13, $4  }
0x20e: {  	s22 =	sadd.s32 $0x10, s22;
	v4 =	vld [tilespmem:s14+$0xD700]  }
0x20f: {  	v5 =	vld [tilespmem:s22+$0x0]  }
0x210: {  	v6 =	vld [tilespmem:s14+$0xD680]  }
0x211: {  	s15 =	sadd.s32 $0x80, s15;
	v7 =	vld [tilespmem:s14+$0xD600]  }
0x212: {  	v8 =	vld [tilespmem:s14+$0x11600]  }
0x213: {  	v9 =	vld [tilespmem:s14+$0x15600]  }
0x214: {  	v10 =	vld [tilespmem:s14+$0x11680]  }
0x215: {  	v11 =	vld [tilespmem:s14+$0x15680]  }
0x216: {  	v12 =	vld [tilespmem:s14+$0x11700]  }
0x217: {  	v13 =	vld [tilespmem:s14+$0x15700]  }
0x218: {  	v58 =	vld [tilespmem:s26+$0x10600];
	v8 =	vsub.f32 v8, v9  }
0x219: {  	v14 =	vld [tilespmem:s26+$0x14600]  }
0x21a: {  	v59 =	vld [tilespmem:s14+$0x11800];
	v7 =	vmul.f32 v8, v7;
	v8 =	vsub.f32 v10, v11  }
0x21b: {  	v60 =	vld [tilespmem:s14+$0x15800]  }
0x21c: {  	v61 =	vld [tilespmem:s14+$0x15880];
	v5 =	vadd.f32 v7, v5;
	v6 =	vmul.f32 v8, v6;
	v7 =	vsub.f32 v12, v13  }
0x21d: {  	v8 =	vld [tilespmem:s14+$0x11880]  }
0x21e: {  	s1 =	sor.u32 s1, s13;
	v62 =	vld [tilespmem:s14+$0x15900];
	v5 =	vadd.f32 v6, v5;
	v4 =	vmul.f32 v7, v4;
	v6 =	vsub.f32 v58, v14  }
0x21f: {  	s1 =	sor.u32 $0x1380, s1;
	v7 =	vld [tilespmem:s14+$0x11900]  }
0x220: {  	v63 =	vld [tilespmem:s1+$0x14600];
	v4 =	vadd.f32 v4, v5;
	v3 =	vmul.f32 v6, v3;
	v5 =	vsub.f32 v59, v60  }
0x221: {  	v6 =	vld [tilespmem:s1+$0x10600]  }
0x222: {  	v3 =	vadd.f32 v3, v4;
	v2 =	vmul.f32 v5, v2;
	v4 =	vsub.f32 v8, v61  }
0x223: {  	v5 =	vld [tilespmem:s1+$0xC600]  }
0x224: {  	v2 =	vadd.f32 v2, v3;
	v1 =	vmul.f32 v4, v1;
	v3 =	vsub.f32 v7, v62;
	_ =	sdelay $0x1  }
0x225: {  	v1 =	vadd.f32 v1, v2;
	v0 =	vmul.f32 v3, v0;
	v2 =	vsub.f32 v6, v63;
	_ =	sdelay $0x1  }
0x226: {  	v0 =	vadd.f32 v0, v1;
	v1 =	vmul.f32 v2, v5;
	_ =	sdelay $0x1  }
0x227: {  	v0 =	vadd.f32 v1, v0;
	_ =	sdelay $0x1  }
0x228: {  	[tilespmem:s22+$0x0] =	vst v0  }
0x229: {  	_ =	swait.ge [sflag:s7], $0x1000  }
0x22a: {  	s13 =	simm.s32 $0x0;
	[sflag:s7] =	ssyncset.done $0x0  }
0x22b: {  	s26 =	simm.s32 $0xE600;
	s22 =	rddreg [dreg:$0x12];
	[sflag:s7] =	ssyncadd.s32 $0xFFFFF000  }
0x22c: {  	[hbm4b:s22+s13] =	stream.linear.scatter [tilespmem:s26], [sflag:$0xD], $0x1000, $0x38;
	[tilespmem:$0x18800] =	vst v63  }
0x22d: {  	_ =	swait.ge [sflag:s8], $0x1000  }
0x22e: {  	[sflag:s8] =	ssyncset.done $0x0  }
0x22f: {  	s16 =	simm.s32 $0x12600;
	s15 =	rddreg [dreg:$0x13];
	[sflag:s8] =	ssyncadd.s32 $0xFFFFF000  }
0x230: {  	[hbm4b:s15+s13] =	stream.linear.scatter [tilespmem:s16], [sflag:$0xD], $0x1000, $0x38;
	[tilespmem:$0x18800] =	vst v63  }
0x231: {  	_ =	swait.ge [sflag:s25], $0x1000  }
0x232: {  	s22 =	sand.u32 $0xC00, s13;
	s26 =	sand.u32 $0x70, s13;
	[sflag:s25] =	ssyncset.done $0x0  }
0x233: {  	s14 =	sor.u32 s26, s22;
	s17 =	rddreg [dreg:$0x14];
	[sflag:s25] =	ssyncadd.s32 $0xFFFFF000  }
0x234: {  	[hbm4b:s17+s13] =	stream.linear.scatter [tilespmem:s4], [sflag:$0xD], $0x1000, $0x38;
	[tilespmem:$0x18800] =	vst v63  }
0x235: {  	v0 =	vld [tilespmem:s14+$0xE900]  }
0x236: {  	s1 =	sor.u32 s22, s13;
	v1 =	vld [tilespmem:s14+$0xE880]  }
0x237: {  	s26 =	sor.u32 $0x2180, s1;
	v2 =	vld [tilespmem:s14+$0xE800]  }
0x238: {  	v3 =	vld [tilespmem:s26+$0xC600]  }
0x239: {  	s22 =	simm.s32 $0x18600;
	v4 =	vld [tilespmem:s14+$0xE700]  }
0x23a: {  	v5 =	vld [tilespmem:s22+$0x0]  }
0x23b: {  	v6 =	vld [tilespmem:s14+$0xE680]  }
0x23c: {  	s1 =	simm.s32 $0x0;
	s15 =	simm.s32 $0x80;
	v7 =	vld [tilespmem:s14+$0xE600]  }
.LBB2_30:
0x23d: {  	p0 =	sne.s32 s15, $0xF80;
	v8 =	vld [tilespmem:s14+$0x12600]  }
0x23e: {  	v9 =	vld [tilespmem:s14+$0x16600]  }
0x23f: {  	v10 =	vld [tilespmem:s14+$0x12680]  }
0x240: {  	v11 =	vld [tilespmem:s14+$0x16680]  }
0x241: {  	v12 =	vld [tilespmem:s14+$0x12700]  }
0x242: {  	v13 =	vld [tilespmem:s14+$0x16700]  }
0x243: {  	v8 =	vsub.f32 v8, v9;
	v9 =	vld [tilespmem:s26+$0x10600]  }
0x244: {  	v14 =	vld [tilespmem:s26+$0x14600]  }
0x245: {  	v7 =	vmul.f32 v8, v7;
	v8 =	vsub.f32 v10, v11;
	v10 =	vld [tilespmem:s14+$0x12800]  }
0x246: {  	v11 =	vld [tilespmem:s14+$0x16800]  }
0x247: {  	v5 =	vadd.f32 v7, v5;
	v6 =	vmul.f32 v8, v6;
	v7 =	vsub.f32 v12, v13;
	v8 =	vld [tilespmem:s14+$0x12880]  }
0x248: {  	v12 =	vld [tilespmem:s14+$0x16880]  }
0x249: {  	s16 =	sor.u32 s1, s13;
	s1 =	smov.u32 s15;
	v5 =	vadd.f32 v6, v5;
	v4 =	vmul.f32 v7, v4;
	v6 =	vsub.f32 v9, v14;
	v7 =	vld [tilespmem:s14+$0x12900]  }
0x24a: {  	v9 =	vld [tilespmem:s14+$0x16900];
	s14 =	sor.u32 $0x2380, s16  }
0x24b: {  	v4 =	vadd.f32 v4, v5;
	v3 =	vmul.f32 v6, v3;
	v5 =	vsub.f32 v10, v11;
	v6 =	vld [tilespmem:s14+$0x10600]  }
0x24c: {  	v10 =	vld [tilespmem:s14+$0x14600]  }
0x24d: {  	v3 =	vadd.f32 v3, v4;
	v2 =	vmul.f32 v5, v2;
	v4 =	vsub.f32 v8, v12  }
0x24e: {  	v5 =	vld [tilespmem:s14+$0xC600]  }
0x24f: {  	v2 =	vadd.f32 v2, v3;
	v1 =	vmul.f32 v4, v1;
	v3 =	vsub.f32 v7, v9;
	_ =	sdelay $0x1  }
0x250: {  	v1 =	vadd.f32 v1, v2;
	v0 =	vmul.f32 v3, v0;
	v2 =	vsub.f32 v6, v10;
	_ =	sdelay $0x1  }
0x251: {  	v0 =	vadd.f32 v0, v1;
	v1 =	vmul.f32 v2, v5;
	_ =	sdelay $0x1  }
0x252: {  	s13 =	sadd.s32 $0x10, s13;
	v0 =	vadd.f32 v1, v0  }
0x253: {  	s16 =	sand.u32 $0xC00, s15;
	s14 =	sand.u32 $0x70, s13  }
0x254: {  	s14 =	sor.u32 s14, s16;
	[tilespmem:s22+$0x0] =	vst v0  }
0x255: {  	v0 =	vld [tilespmem:s14+$0xE900]  }
0x256: {  	s16 =	sor.u32 s16, s13;
	v1 =	vld [tilespmem:s14+$0xE880]  }
0x257: {  	s26 =	sor.u32 $0x2180, s16;
	v2 =	vld [tilespmem:s14+$0xE800]  }
.Ltmp14:
0x258: {  	v3 =	vld [tilespmem:s26+$0xC600];
	(pc) =	sbr.rel @p0 .LBB2_30-.Ltmp14, $4  }
0x259: {  	s22 =	sadd.s32 $0x10, s22;
	v4 =	vld [tilespmem:s14+$0xE700]  }
0x25a: {  	v5 =	vld [tilespmem:s22+$0x0]  }
0x25b: {  	v6 =	vld [tilespmem:s14+$0xE680]  }
0x25c: {  	s15 =	sadd.s32 $0x80, s15;
	v7 =	vld [tilespmem:s14+$0xE600]  }
0x25d: {  	v8 =	vld [tilespmem:s14+$0x12600]  }
0x25e: {  	v9 =	vld [tilespmem:s14+$0x16600]  }
0x25f: {  	v10 =	vld [tilespmem:s14+$0x12680]  }
0x260: {  	v11 =	vld [tilespmem:s14+$0x16680]  }
0x261: {  	v12 =	vld [tilespmem:s14+$0x12700]  }
0x262: {  	v13 =	vld [tilespmem:s14+$0x16700]  }
0x263: {  	v58 =	vld [tilespmem:s26+$0x10600];
	v8 =	vsub.f32 v8, v9  }
0x264: {  	v14 =	vld [tilespmem:s26+$0x14600]  }
0x265: {  	v59 =	vld [tilespmem:s14+$0x12800];
	v7 =	vmul.f32 v8, v7;
	v8 =	vsub.f32 v10, v11  }
0x266: {  	v60 =	vld [tilespmem:s14+$0x16800]  }
0x267: {  	v61 =	vld [tilespmem:s14+$0x16880];
	v5 =	vadd.f32 v7, v5;
	v6 =	vmul.f32 v8, v6;
	v7 =	vsub.f32 v12, v13  }
0x268: {  	v8 =	vld [tilespmem:s14+$0x12880]  }
0x269: {  	s1 =	sor.u32 s1, s13;
	v62 =	vld [tilespmem:s14+$0x16900];
	v5 =	vadd.f32 v6, v5;
	v4 =	vmul.f32 v7, v4;
	v6 =	vsub.f32 v58, v14  }
0x26a: {  	s1 =	sor.u32 $0x2380, s1;
	v7 =	vld [tilespmem:s14+$0x12900]  }
0x26b: {  	v63 =	vld [tilespmem:s1+$0x14600];
	v4 =	vadd.f32 v4, v5;
	v3 =	vmul.f32 v6, v3;
	v5 =	vsub.f32 v59, v60  }
0x26c: {  	v6 =	vld [tilespmem:s1+$0x10600]  }
0x26d: {  	v3 =	vadd.f32 v3, v4;
	v2 =	vmul.f32 v5, v2;
	v4 =	vsub.f32 v8, v61  }
0x26e: {  	v5 =	vld [tilespmem:s1+$0xC600]  }
0x26f: {  	v2 =	vadd.f32 v2, v3;
	v1 =	vmul.f32 v4, v1;
	v3 =	vsub.f32 v7, v62;
	_ =	sdelay $0x1  }
0x270: {  	v1 =	vadd.f32 v1, v2;
	v0 =	vmul.f32 v3, v0;
	v2 =	vsub.f32 v6, v63;
	_ =	sdelay $0x1  }
0x271: {  	v0 =	vadd.f32 v0, v1;
	v1 =	vmul.f32 v2, v5;
	_ =	sdelay $0x1  }
0x272: {  	v0 =	vadd.f32 v1, v0;
	_ =	sdelay $0x1  }
0x273: {  	[tilespmem:s22+$0x0] =	vst v0  }
0x274: {  	_ =	swait.ge [sflag:s9], $0x1000  }
0x275: {  	s13 =	simm.s32 $0x0;
	[sflag:s9] =	ssyncset.done $0x0  }
0x276: {  	s15 =	simm.s32 $0xF600;
	s14 =	rddreg [dreg:$0x15];
	[sflag:s9] =	ssyncadd.s32 $0xFFFFF000  }
0x277: {  	[hbm4b:s14+s13] =	stream.linear.scatter [tilespmem:s15], [sflag:$0xD], $0x1000, $0x38;
	[tilespmem:$0x18800] =	vst v63  }
0x278: {  	_ =	swait.ge [sflag:s10], $0x1000  }
0x279: {  	[sflag:s10] =	ssyncset.done $0x0  }
0x27a: {  	s17 =	simm.s32 $0x13600;
	s16 =	rddreg [dreg:$0x16];
	[sflag:s10] =	ssyncadd.s32 $0xFFFFF000  }
0x27b: {  	[hbm4b:s16+s13] =	stream.linear.scatter [tilespmem:s17], [sflag:$0xD], $0x1000, $0x38;
	[tilespmem:$0x18800] =	vst v63  }
0x27c: {  	_ =	swait.ge [sflag:s30], $0x1000  }
0x27d: {  	s26 =	sand.u32 $0x70, s13;
	s22 =	sand.u32 $0xC00, s13;
	[sflag:s30] =	ssyncset.done $0x0  }
0x27e: {  	s14 =	sor.u32 s26, s22;
	[sflag:s30] =	ssyncadd.s32 $0xFFFFF000  }
0x27f: {  	[hbm4b:s18+s13] =	stream.linear.scatter [tilespmem:s5], [sflag:$0xD], $0x1000, $0x38;
	[tilespmem:$0x18800] =	vst v63  }
0x280: {  	v0 =	vld [tilespmem:s14+$0xF900]  }
0x281: {  	s1 =	sor.u32 s22, s13;
	v1 =	vld [tilespmem:s14+$0xF880]  }
0x282: {  	s26 =	sor.u32 $0x3180, s1;
	v2 =	vld [tilespmem:s14+$0xF800]  }
0x283: {  	v3 =	vld [tilespmem:s26+$0xC600]  }
0x284: {  	s22 =	simm.s32 $0x18600;
	v4 =	vld [tilespmem:s14+$0xF700]  }
0x285: {  	v5 =	vld [tilespmem:s22+$0x0]  }
0x286: {  	v6 =	vld [tilespmem:s14+$0xF680]  }
0x287: {  	s15 =	simm.s32 $0x80;
	s1 =	simm.s32 $0x0;
	v7 =	vld [tilespmem:s14+$0xF600]  }
.LBB2_32:
0x288: {  	p0 =	sne.s32 s15, $0xF80;
	v8 =	vld [tilespmem:s14+$0x13600]  }
0x289: {  	v9 =	vld [tilespmem:s14+$0x17600]  }
0x28a: {  	v10 =	vld [tilespmem:s14+$0x13680]  }
0x28b: {  	v11 =	vld [tilespmem:s14+$0x17680]  }
0x28c: {  	v12 =	vld [tilespmem:s14+$0x13700]  }
0x28d: {  	v13 =	vld [tilespmem:s14+$0x17700]  }
0x28e: {  	v8 =	vsub.f32 v8, v9;
	v9 =	vld [tilespmem:s26+$0x10600]  }
0x28f: {  	v14 =	vld [tilespmem:s26+$0x14600]  }
0x290: {  	v7 =	vmul.f32 v8, v7;
	v8 =	vsub.f32 v10, v11;
	v10 =	vld [tilespmem:s14+$0x13800]  }
0x291: {  	v11 =	vld [tilespmem:s14+$0x17800]  }
0x292: {  	v5 =	vadd.f32 v7, v5;
	v6 =	vmul.f32 v8, v6;
	v7 =	vsub.f32 v12, v13;
	v8 =	vld [tilespmem:s14+$0x13880]  }
0x293: {  	v12 =	vld [tilespmem:s14+$0x17880]  }
0x294: {  	s16 =	sor.u32 s1, s13;
	s1 =	smov.u32 s15;
	v5 =	vadd.f32 v6, v5;
	v4 =	vmul.f32 v7, v4;
	v6 =	vsub.f32 v9, v14;
	v7 =	vld [tilespmem:s14+$0x13900]  }
0x295: {  	v9 =	vld [tilespmem:s14+$0x17900];
	s14 =	sor.u32 $0x3380, s16  }
0x296: {  	v4 =	vadd.f32 v4, v5;
	v3 =	vmul.f32 v6, v3;
	v5 =	vsub.f32 v10, v11;
	v6 =	vld [tilespmem:s14+$0x10600]  }
0x297: {  	v10 =	vld [tilespmem:s14+$0x14600]  }
0x298: {  	v3 =	vadd.f32 v3, v4;
	v2 =	vmul.f32 v5, v2;
	v4 =	vsub.f32 v8, v12  }
0x299: {  	v5 =	vld [tilespmem:s14+$0xC600]  }
0x29a: {  	v2 =	vadd.f32 v2, v3;
	v1 =	vmul.f32 v4, v1;
	v3 =	vsub.f32 v7, v9;
	_ =	sdelay $0x1  }
0x29b: {  	v1 =	vadd.f32 v1, v2;
	v0 =	vmul.f32 v3, v0;
	v2 =	vsub.f32 v6, v10;
	_ =	sdelay $0x1  }
0x29c: {  	v0 =	vadd.f32 v0, v1;
	v1 =	vmul.f32 v2, v5;
	_ =	sdelay $0x1  }
0x29d: {  	s13 =	sadd.s32 $0x10, s13;
	v0 =	vadd.f32 v1, v0  }
0x29e: {  	s16 =	sand.u32 $0xC00, s15;
	s14 =	sand.u32 $0x70, s13  }
0x29f: {  	s14 =	sor.u32 s14, s16;
	[tilespmem:s22+$0x0] =	vst v0  }
0x2a0: {  	v0 =	vld [tilespmem:s14+$0xF900]  }
0x2a1: {  	s16 =	sor.u32 s16, s13;
	v1 =	vld [tilespmem:s14+$0xF880]  }
0x2a2: {  	s26 =	sor.u32 $0x3180, s16;
	v2 =	vld [tilespmem:s14+$0xF800]  }
.Ltmp15:
0x2a3: {  	v3 =	vld [tilespmem:s26+$0xC600];
	(pc) =	sbr.rel @p0 .LBB2_32-.Ltmp15, $4  }
0x2a4: {  	s22 =	sadd.s32 $0x10, s22;
	v4 =	vld [tilespmem:s14+$0xF700]  }
0x2a5: {  	v5 =	vld [tilespmem:s22+$0x0]  }
0x2a6: {  	v6 =	vld [tilespmem:s14+$0xF680]  }
0x2a7: {  	s15 =	sadd.s32 $0x80, s15;
	v7 =	vld [tilespmem:s14+$0xF600]  }
0x2a8: {  	v8 =	vld [tilespmem:s14+$0x13600]  }
0x2a9: {  	v9 =	vld [tilespmem:s14+$0x17600]  }
0x2aa: {  	v10 =	vld [tilespmem:s14+$0x13680]  }
0x2ab: {  	v11 =	vld [tilespmem:s14+$0x17680]  }
0x2ac: {  	v12 =	vld [tilespmem:s14+$0x13700]  }
0x2ad: {  	v13 =	vld [tilespmem:s14+$0x17700]  }
0x2ae: {  	v46 =	vld [tilespmem:s26+$0x10600];
	v8 =	vsub.f32 v8, v9  }
0x2af: {  	v14 =	vld [tilespmem:s26+$0x14600]  }
0x2b0: {  	v48 =	vld [tilespmem:s14+$0x13800];
	v47 =	vsub.f32 v10, v11;
	v7 =	vmul.f32 v8, v7  }
0x2b1: {  	v49 =	vld [tilespmem:s14+$0x17800]  }
0x2b2: {  	v51 =	vld [tilespmem:s14+$0x13880];
	v50 =	vsub.f32 v12, v13;
	v6 =	vmul.f32 v47, v6;
	v5 =	vadd.f32 v7, v5  }
0x2b3: {  	v52 =	vld [tilespmem:s14+$0x17880]  }
0x2b4: {  	v54 =	vld [tilespmem:s14+$0x13900];
	s1 =	sor.u32 s1, s13;
	v53 =	vsub.f32 v46, v14;
	v4 =	vmul.f32 v50, v4;
	v5 =	vadd.f32 v6, v5  }
0x2b5: {  	v55 =	vld [tilespmem:s14+$0x17900];
	s1 =	sor.u32 $0x3380, s1  }
0x2b6: {  	v57 =	vld [tilespmem:s1+$0x10600];
	v56 =	vsub.f32 v48, v49;
	v3 =	vmul.f32 v53, v3;
	v4 =	vadd.f32 v4, v5  }
0x2b7: {  	v58 =	vld [tilespmem:s1+$0x14600]  }
0x2b8: {  	v59 =	vsub.f32 v51, v52;
	v2 =	vmul.f32 v56, v2;
	v3 =	vadd.f32 v3, v4  }
0x2b9: {  	v60 =	vld [tilespmem:s1+$0xC600]  }
0x2ba: {  	v61 =	vsub.f32 v54, v55;
	v1 =	vmul.f32 v59, v1;
	v2 =	vadd.f32 v2, v3;
	_ =	sdelay $0x1  }
0x2bb: {  	v0 =	vmul.f32 v61, v0;
	v62 =	vsub.f32 v57, v58;
	v1 =	vadd.f32 v1, v2;
	_ =	sdelay $0x1  }
0x2bc: {  	v63 =	vmul.f32 v62, v60;
	v0 =	vadd.f32 v0, v1;
	_ =	sdelay $0x1  }
0x2bd: {  	v0 =	vadd.f32 v63, v0;
	_ =	sdelay $0x1  }
0x2be: {  	s26 =	simm.s32 $0x18600;
	[tilespmem:s22+$0x0] =	vst v0  }
0x2bf: {  	[hbm4b:s19+s3] =	stream.linear.scatter [tilespmem:s26], [sflag:$0xD], $0x200, $0x38;
	[tilespmem:$0x18800] =	vst v63  }
0x2c0: {  	_ =	swait.ge [sflag:s11], $0x1000  }
0x2c1: {  	[sflag:s11] =	ssyncset.done $0x0  }
0x2c2: {  	[sflag:s11] =	ssyncadd.s32 $0xFFFFF000  }
0x2c3: {  	_ =	swait.ge [sflag:s11], $0x1000  }
0x2c4: {  	[sflag:s11] =	ssyncset.done $0x0  }
0x2c5: {  	[sflag:s11] =	ssyncadd.s32 $0xFFFFF000  }
0x2c6: {  	_ =	swait.ge [sflag:s11], $0x1000  }
0x2c7: {  	[sflag:s11] =	ssyncset.done $0x0  }
0x2c8: {  	[sflag:s11] =	ssyncadd.s32 $0xFFFFF000  }
0x2c9: {  	_ =	swait.ge [sflag:s11], $0x1000  }
0x2ca: {  	[sflag:s11] =	ssyncset.done $0x0  }
0x2cb: {  	[sflag:s11] =	ssyncadd.s32 $0xFFFFF000  }
0x2cc: {  	_ =	swait.ge [sflag:s11], $0x1000  }
0x2cd: {  	[sflag:s11] =	ssyncset.done $0x0  }
0x2ce: {  	[sflag:s11] =	ssyncadd.s32 $0xFFFFF000  }
0x2cf: {  	_ =	swait.ge [sflag:s11], $0x1000  }
0x2d0: {  	[sflag:s11] =	ssyncset.done $0x0  }
0x2d1: {  	[sflag:s11] =	ssyncadd.s32 $0xFFFFF000  }
0x2d2: {  	_ =	swait.ge [sflag:s11], $0x1000  }
0x2d3: {  	[sflag:s11] =	ssyncset.done $0x0  }
0x2d4: {  	[sflag:s11] =	ssyncadd.s32 $0xFFFFF000  }
0x2d5: {  	_ =	swait.ge [sflag:s11], $0x1000  }
0x2d6: {  	[sflag:s11] =	ssyncset.done $0x0  }
0x2d7: {  	[sflag:s11] =	ssyncadd.s32 $0xFFFFF000  }
0x2d8: {  	_ =	swait.ge [sflag:s11], $0x1000  }
0x2d9: {  	[sflag:s11] =	ssyncset.done $0x0  }
0x2da: {  	[sflag:s11] =	ssyncadd.s32 $0xFFFFF000  }
0x2db: {  	_ =	swait.ge [sflag:s11], $0x1000  }
0x2dc: {  	[sflag:s11] =	ssyncset.done $0x0  }
0x2dd: {  	[sflag:s11] =	ssyncadd.s32 $0xFFFFF000  }
0x2de: {  	_ =	swait.ge [sflag:s11], $0x1000  }
0x2df: {  	[sflag:s11] =	ssyncset.done $0x0  }
0x2e0: {  	s12 =	sadd.s32 $0x1, s12;
	[sflag:s11] =	ssyncadd.s32 $0xFFFFF000  }
0x2e1: {  	p0 =	sne.s32 s12, s20;
	_ =	swait.ge [sflag:s11], $0x1000  }
.Ltmp16:
0x2e2: {  	[sflag:s11] =	ssyncset.done $0x0;
	(pc) =	sbr.rel @p0 .LBB2_1-.Ltmp16, $4  }
0x2e3: {  	[sflag:s11] =	ssyncadd.s32 $0xFFFFF000  }
0x2e4: {  	_ =	swait.ge [sflag:s11], $0x200  }
0x2e5: {  	[sflag:s11] =	ssyncset.done $0x0  }
0x2e6: {  	[sflag:s11] =	ssyncadd.s32 $0xFFFFFE00  }
0x2e7: {  	_ =	sfence.sel $0x180000  }
0x2e8: {  	[bflag:$0x0] =	sbarrier.arrive $0xFFFF  }
0x2e9: {  	_ =	strace $0x90000047  }
0x2ea: {  	s0 =	stileid.u32;
	[bflag:$0x2] =	sbarrier.arrive $0xFFFF  }
0x2eb: {  	p0 =	sne.s32 s0, $0x0;
	s0 =	rddreg [dreg:$0x8]  }
0x2ec: {  	s0 =	sadd.s32 @!p0 $0x100000, s0  }
0x2ed: {  	[sflag:s0] =	ssyncadd.tile.s32 @!p0 $0x1;
	_ =	shalt  }
.Lfunc_end2:
_tile_overlayer_lowered:
.L_overlay_start_2:
0x2ee: {  	(tag) =	ssettag $0x2  }
0x2ef: {  	s0 =	rddreg [dreg:$0x0];
	s2 =	stileid.u32  }
0x2f0: {  	s1 =	rddreg [dreg:$0x1];
	p0 =	sne.s32 s2, $0x0  }
0x2f1: {  	s3 =	rddreg [dreg:$0x2];
	[bflag:$0x3] =	sbarrier.arrive $0xFFFF;
	s2 =	simm.s32 @!p0 $0x1C0E  }
0x2f2: {  	[timem:s3], [sflag:s2] =	dma.local @!p0 [hbm:s0], s1  }
0x2f3: {  	s0 =	simm.s32 @!p0 $0xE  }
0x2f4: {  	_ =	swait.ge @!p0 [sflag:s0], s1  }
0x2f5: {  	s1 =	ssub.s32 @!p0 $0x0, s1;
	[sflag:s0] =	ssyncset.done @!p0 $0x0  }
0x2f6: {  	[sflag:s0] =	ssyncadd.s32 @!p0 s1  }
0x2f7: {  	[bflag:$0x3] =	sbarrier.arrive $0xFFFF  }
0x2f8: {  	_ =	shalt  }

</sc_bundles>
